<compile_context>
chip_gen: v7x
topology: tpu7x:2x2x1
jax: 0.10.2.dev20260603
libtpu: 0.0.44.dev20260713+nightly
codegen_flags: <defaults>
</compile_context>

<pallas_src>
import jax
import jax.numpy as jnp
from jax import lax
from jax.experimental import pallas as pl
from jax.experimental.pallas import tpu as pltpu
from jax.experimental.pallas import tpu_sc as plsc

N_NODES = 10000
N_PAD = 10112
D_CLS = 64
NC, NS = 2, 16
NW = NC * NS
CH = 400
KJ = 25
E_W = CH * KJ
E_PAD = NW * E_W
RPT = N_PAD // NS
ZB = RPT // 4
DUMMY = N_NODES

_sc_mesh = plsc.VectorSubcoreMesh(core_axis_name="c", subcore_axis_name="s")
_sc_params = pltpu.CompilerParams(use_tc_tiling_on_sc=False)


def _sc_degree_body(col_hbm, ones_hbm, zeros_hbm, degp_hbm,
                    colv, ones_v, bounce, deg_sh, ssem):
    c = lax.axis_index("c")
    s = lax.axis_index("s")
    wid = c * NS + s
    pltpu.sync_copy(col_hbm.at[wid], colv)
    pltpu.sync_copy(ones_hbm, ones_v)
    pltpu.sync_copy(zeros_hbm.at[pl.ds(s * RPT, RPT)], bounce)
    pltpu.sync_copy(bounce, deg_sh.at[pl.ds(s * RPT, RPT)])
    plsc.subcore_barrier()

    def fire(j, carry):
        pltpu.make_async_copy(
            ones_v, deg_sh.at[colv.at[j]], ssem).start(add=True)
        return carry

    def drain(j, carry):
        pltpu.make_async_copy(
            ones_v, deg_sh.at[colv.at[j]], ssem).wait()
        return carry

    lax.fori_loop(0, KJ, fire, 0)
    lax.fori_loop(0, KJ, drain, 0)
    plsc.subcore_barrier()
    pltpu.sync_copy(deg_sh.at[pl.ds(s * RPT, RPT)], bounce)
    pltpu.sync_copy(bounce, degp_hbm.at[c].at[pl.ds(s * RPT, RPT)])


_deg_call = pl.kernel(
    _sc_degree_body,
    out_type=jax.ShapeDtypeStruct((NC, N_PAD, 8), jnp.float32),
    mesh=_sc_mesh,
    scratch_types=[
        pltpu.VMEM((KJ, CH), jnp.int32),
        pltpu.VMEM((CH, 8), jnp.float32),
        pltpu.VMEM((RPT, 8), jnp.float32),
        pltpu.VMEM_SHARED((N_PAD, 8), jnp.float32),
        pltpu.SemaphoreType.DMA,
    ],
    compiler_params=_sc_params,
)


def _sc_hop_body(row_hbm, col_hbm, t_hbm, zeros_hbm, out_hbm,
                 rowv, colv, buf, bounce, u_sh, gsem):
    c = lax.axis_index("c")
    s = lax.axis_index("s")
    wid = c * NS + s
    pltpu.sync_copy(row_hbm.at[wid], rowv)
    pltpu.make_async_copy(
        t_hbm.at[rowv.at[0]], buf.at[0], gsem).start()
    pltpu.sync_copy(col_hbm.at[wid], colv)
    for z in range(4):
        pltpu.sync_copy(zeros_hbm.at[pl.ds(s * RPT + z * ZB, ZB)], bounce)
        pltpu.sync_copy(bounce, u_sh.at[pl.ds(s * RPT + z * ZB, ZB)])
    plsc.subcore_barrier()

    def step(j, carry):
        p = lax.rem(j, 2)
        pltpu.make_async_copy(
            t_hbm.at[rowv.at[j]], buf.at[p], gsem).wait()

        @pl.when(j + 1 < KJ)
        def _():
            pn = lax.rem(j + 1, 2)
            pltpu.make_async_copy(
                t_hbm.at[rowv.at[j + 1]], buf.at[pn], gsem).start()

        pltpu.sync_copy(buf.at[p], u_sh.at[colv.at[j]], add=True)
        return carry

    lax.fori_loop(0, KJ, step, 0)
    plsc.subcore_barrier()
    for z in range(4):
        pltpu.sync_copy(u_sh.at[pl.ds(s * RPT + z * ZB, ZB)], bounce)
        pltpu.sync_copy(bounce,
                        out_hbm.at[c].at[pl.ds(s * RPT + z * ZB, ZB)])


_hop_call = pl.kernel(
    _sc_hop_body,
    out_type=jax.ShapeDtypeStruct((NC, N_PAD, D_CLS), jnp.float32),
    mesh=_sc_mesh,
    scratch_types=[
        pltpu.VMEM((KJ, CH), jnp.int32),
        pltpu.VMEM((KJ, CH), jnp.int32),
        pltpu.VMEM((2, CH, D_CLS), jnp.float32),
        pltpu.VMEM((ZB, D_CLS), jnp.float32),
        pltpu.VMEM_SHARED((N_PAD, D_CLS), jnp.float32),
        pltpu.SemaphoreType.DMA,
    ],
    compiler_params=_sc_params,
)


def _tc_pre_body(x_ref, wt_ref, degp_ref, t1_ref, dis_ref):
    z = jnp.dot(x_ref[...], wt_ref[...], preferred_element_type=jnp.float32)
    deg = degp_ref[0, :, 0:1] + degp_ref[1, :, 0:1] + 1.0
    dis = lax.rsqrt(deg)
    dis_ref[...] = dis
    t1_ref[...] = z * dis


def _tc_pre(x_pad, wt, degp):
    return pl.pallas_call(
        _tc_pre_body,
        out_shape=(
            jax.ShapeDtypeStruct((N_PAD, D_CLS), jnp.float32),
            jax.ShapeDtypeStruct((N_PAD, 1), jnp.float32),
        ),
    )(x_pad, wt, degp)


def _tc_mid_body(up_ref, t_ref, dis_ref, out_ref):
    dis = dis_ref[...]
    u = up_ref[0] + up_ref[1] + t_ref[...]
    out_ref[...] = u * (dis * dis)


def _tc_mid(up, t, dis):
    return pl.pallas_call(
        _tc_mid_body,
        out_shape=jax.ShapeDtypeStruct((N_PAD, D_CLS), jnp.float32),
    )(up, t, dis)


def _tc_final_body(up_ref, t_ref, dis_ref, b_ref, out_ref):
    h = (up_ref[0] + up_ref[1] + t_ref[...]) * dis_ref[...] + b_ref[...]
    m = jnp.max(h, axis=1, keepdims=True)
    lse = jnp.log(jnp.sum(jnp.exp(h - m), axis=1, keepdims=True)) + m
    out_ref[...] = h - lse


def _tc_final(up, t, dis, b2):
    return pl.pallas_call(
        _tc_final_body,
        out_shape=jax.ShapeDtypeStruct((N_PAD, D_CLS), jnp.float32),
    )(up, t, dis, b2)


def kernel(x, edge_index, W, b):
    row2 = edge_index[0].astype(jnp.int32).reshape(NW, KJ, CH)
    col2 = edge_index[1].astype(jnp.int32).reshape(NW, KJ, CH)
    x_pad = jnp.pad(x, ((0, N_PAD - x.shape[0]), (0, 0)))
    wt = W.T.astype(jnp.float32)
    zeros16 = jnp.zeros((N_PAD, 8), jnp.float32)
    zeros64 = jnp.zeros((N_PAD, D_CLS), jnp.float32)
    ones16 = jnp.ones((CH, 8), jnp.float32)

    degp = _deg_call(col2, ones16, zeros16)
    t1, dis = _tc_pre(x_pad, wt, degp)
    u1 = _hop_call(row2, col2, t1, zeros64)
    t2 = _tc_mid(u1, t1, dis)
    u2 = _hop_call(row2, col2, t2, zeros64)
    out = _tc_final(u2, t2, dis, b.reshape(1, D_CLS))
    return out[:N_NODES]

# --- scband reference (transcript-rebuilt; emitter-appended) ---
"""Pipeline reference for scband-sgc-63677185130716 (READ-ONLY COPY).

The authoritative reference and input builder live on the scoring server;
editing this copy changes nothing except your own understanding.
"""

import jax, jax.numpy as jnp
import numpy as np

N_NODES = 10000
N_EDGES = 320000
D_FEAT = 128
N_CLASSES = 64
K_HOPS = 2


def setup_inputs(seed: int = 0) -> dict:
    key = jax.random.key(seed)
    k1, k2, k3, k4 = jax.random.split(key, 4)
    x = jax.random.normal(k1, (N_NODES, D_FEAT), dtype=jnp.float32)
    edge_index = jax.random.randint(k2, (2, N_EDGES), 0, N_NODES, dtype=jnp.int64)
    # Linear layer of SGConv: lin(x) = x @ W.T + b, W: [num_classes, num_features]
    W = jax.random.normal(k3, (N_CLASSES, D_FEAT), dtype=jnp.float32) * (1.0 / np.sqrt(D_FEAT))
    b = jax.random.normal(k4, (N_CLASSES,), dtype=jnp.float32) * 0.01
    return {"x": x, "edge_index": edge_index, "W": W, "b": b}


def reference(x, edge_index, W, b):
    N = x.shape[0]
    row = edge_index[0]
    col = edge_index[1]
    # add self-loops (PyG gcn_norm, add_self_loops=True)
    loop = jnp.arange(N, dtype=edge_index.dtype)
    row = jnp.concatenate([row, loop])
    col = jnp.concatenate([col, loop])
    ew = jnp.ones(row.shape[0], dtype=x.dtype)
    # symmetric normalization: deg over destination (col)
    deg = jax.ops.segment_sum(ew, col, num_segments=N)
    deg_inv_sqrt = jnp.where(deg > 0, 1.0 / jnp.sqrt(deg), 0.0)
    norm = deg_inv_sqrt[row] * ew * deg_inv_sqrt[col]
    # K-hop propagation: h <- A_norm @ h, K=2
    h = x
    for _ in range(K_HOPS):
        msg = norm[:, None] * h[row]
        h = jax.ops.segment_sum(msg, col, num_segments=N)
    # linear layer applied after propagation (SGConv), then log_softmax
    out = h @ W.T + b
    return jax.nn.log_softmax(out, axis=1)

if __name__ == "__main__":
    import jax
    _d = setup_inputs()
    print(jax.jit(kernel)(*tuple(_d.values())))

</pallas_src>

<mosaic_0001>
#map = affine_map<(d0, d1) -> (0, 0, 0)>
#map1 = affine_map<(d0, d1) -> (0, 0)>
module attributes {stable_mosaic.version = 14 : i64} {
  func.func @_sc_degree_body(%arg0: i32, %arg1: i32, %arg2: memref<32x25x400xi32, #tpu.memory_space<hbm>>, %arg3: memref<400x8xf32, #tpu.memory_space<hbm>>, %arg4: memref<10112x8xf32, #tpu.memory_space<hbm>>, %arg5: memref<2x10112x8xf32, #tpu.memory_space<hbm>>, %arg6: memref<25x400xi32, #tpu.memory_space<vmem>>, %arg7: memref<400x8xf32, #tpu.memory_space<vmem>>, %arg8: memref<632x8xf32, #tpu.memory_space<vmem>>, %arg9: memref<10112x8xf32, #tpu.memory_space<vmem_shared>>, %arg10: memref<!tpu.dma_semaphore, #tpu.memory_space<semaphore_mem>>) attributes {dimension_semantics = [#tpu.dimension_semantics<core_parallel>, #tpu.dimension_semantics<subcore_parallel>], iteration_bounds = array<i64: 2, 16>, scalar_prefetch = 0 : i64, scratch_operands = 5 : i64, tpu.core_type = #tpu.core_type<sc_vector_subcore>, window_params = [{transform_indices = #map}, {transform_indices = #map1}, {transform_indices = #map1}, {transform_indices = #map}]} {
    %mul3A = arith.constant 16 : i32
    %mul3A_0 = arith.muli %arg0, %mul3A : i32
    %add3A = arith.addi %mul3A_0, %arg1 : i32
    "tpu.region"() ({
      %run_scoped3A = tpu.sem_alloc : memref<!tpu.dma_semaphore, #tpu.memory_space<semaphore_mem>>
      %dma_start3A = arith.constant 0 : i32
      %dma_start3A_21 = arith.constant 0 : i32
      %dma_start3A_22 = tpu.memref_slice %arg2[%add3A, %dma_start3A, %dma_start3A_21] : memref<32x25x400xi32, #tpu.memory_space<hbm>> -> memref<1x25x400xi32, #tpu.memory_space<hbm>>
      %dma_start3A_23 = tpu.memref_squeeze %dma_start3A_22 : memref<1x25x400xi32, #tpu.memory_space<hbm>> -> memref<25x400xi32, #tpu.memory_space<hbm>>
      %dma_start3A_24 = arith.constant 0 : i32
      %dma_start3A_25 = arith.constant 0 : i32
      %dma_start3A_26 = tpu.memref_slice %arg2[%add3A, %dma_start3A_24, %dma_start3A_25] : memref<32x25x400xi32, #tpu.memory_space<hbm>> -> memref<1x25x400xi32, #tpu.memory_space<hbm>>
      %dma_start3A_27 = tpu.memref_squeeze %dma_start3A_26 : memref<1x25x400xi32, #tpu.memory_space<hbm>> -> memref<25x400xi32, #tpu.memory_space<hbm>>
      tpu.enqueue_dma source(%dma_start3A_27 : memref<25x400xi32, #tpu.memory_space<hbm>>) target(%arg6 : memref<25x400xi32, #tpu.memory_space<vmem>>) target_semaphore(%run_scoped3A : memref<!tpu.dma_semaphore, #tpu.memory_space<semaphore_mem>>)
      %dma_wait3A = arith.constant 0 : i32
      %dma_wait3A_28 = arith.constant 0 : i32
      %dma_wait3A_29 = tpu.memref_slice %arg2[%add3A, %dma_wait3A, %dma_wait3A_28] : memref<32x25x400xi32, #tpu.memory_space<hbm>> -> memref<1x25x400xi32, #tpu.memory_space<hbm>>
      %dma_wait3A_30 = tpu.memref_squeeze %dma_wait3A_29 : memref<1x25x400xi32, #tpu.memory_space<hbm>> -> memref<25x400xi32, #tpu.memory_space<hbm>>
      %dma_wait3A_31 = arith.constant 0 : i32
      %dma_wait3A_32 = arith.constant 0 : i32
      %dma_wait3A_33 = tpu.memref_slice %arg2[%add3A, %dma_wait3A_31, %dma_wait3A_32] : memref<32x25x400xi32, #tpu.memory_space<hbm>> -> memref<1x25x400xi32, #tpu.memory_space<hbm>>
      %dma_wait3A_34 = tpu.memref_squeeze %dma_wait3A_33 : memref<1x25x400xi32, #tpu.memory_space<hbm>> -> memref<25x400xi32, #tpu.memory_space<hbm>>
      tpu.wait_dma2 semaphore(%run_scoped3A : memref<!tpu.dma_semaphore, #tpu.memory_space<semaphore_mem>>) src(%dma_wait3A_34 : memref<25x400xi32, #tpu.memory_space<hbm>>) dst(%arg6 : memref<25x400xi32, #tpu.memory_space<vmem>>)
      tpu.yield
    }) : () -> ()
    "tpu.region"() ({
      %run_scoped3A = tpu.sem_alloc : memref<!tpu.dma_semaphore, #tpu.memory_space<semaphore_mem>>
      tpu.enqueue_dma source(%arg3 : memref<400x8xf32, #tpu.memory_space<hbm>>) target(%arg7 : memref<400x8xf32, #tpu.memory_space<vmem>>) target_semaphore(%run_scoped3A : memref<!tpu.dma_semaphore, #tpu.memory_space<semaphore_mem>>)
      tpu.wait_dma2 semaphore(%run_scoped3A : memref<!tpu.dma_semaphore, #tpu.memory_space<semaphore_mem>>) src(%arg3 : memref<400x8xf32, #tpu.memory_space<hbm>>) dst(%arg7 : memref<400x8xf32, #tpu.memory_space<vmem>>)
      tpu.yield
    }) : () -> ()
    %mul3A_1 = arith.constant 632 : i32
    %mul3A_2 = arith.muli %arg1, %mul3A_1 : i32
    "tpu.region"() ({
      %run_scoped3A = tpu.sem_alloc : memref<!tpu.dma_semaphore, #tpu.memory_space<semaphore_mem>>
      %dma_start3A = arith.constant 0 : i32
      %dma_start3A_21 = tpu.memref_slice %arg4[%mul3A_2, %dma_start3A] : memref<10112x8xf32, #tpu.memory_space<hbm>> -> memref<632x8xf32, #tpu.memory_space<hbm>>
      %dma_start3A_22 = arith.constant 0 : i32
      %dma_start3A_23 = tpu.memref_slice %arg4[%mul3A_2, %dma_start3A_22] : memref<10112x8xf32, #tpu.memory_space<hbm>> -> memref<632x8xf32, #tpu.memory_space<hbm>>
      tpu.enqueue_dma source(%dma_start3A_23 : memref<632x8xf32, #tpu.memory_space<hbm>>) target(%arg8 : memref<632x8xf32, #tpu.memory_space<vmem>>) target_semaphore(%run_scoped3A : memref<!tpu.dma_semaphore, #tpu.memory_space<semaphore_mem>>)
      %dma_wait3A = arith.constant 0 : i32
      %dma_wait3A_24 = tpu.memref_slice %arg4[%mul3A_2, %dma_wait3A] : memref<10112x8xf32, #tpu.memory_space<hbm>> -> memref<632x8xf32, #tpu.memory_space<hbm>>
      %dma_wait3A_25 = arith.constant 0 : i32
      %dma_wait3A_26 = tpu.memref_slice %arg4[%mul3A_2, %dma_wait3A_25] : memref<10112x8xf32, #tpu.memory_space<hbm>> -> memref<632x8xf32, #tpu.memory_space<hbm>>
      tpu.wait_dma2 semaphore(%run_scoped3A : memref<!tpu.dma_semaphore, #tpu.memory_space<semaphore_mem>>) src(%dma_wait3A_26 : memref<632x8xf32, #tpu.memory_space<hbm>>) dst(%arg8 : memref<632x8xf32, #tpu.memory_space<vmem>>)
      tpu.yield
    }) : () -> ()
    %mul3A_3 = arith.constant 632 : i32
    %mul3A_4 = arith.muli %arg1, %mul3A_3 : i32
    "tpu.region"() ({
      %run_scoped3A = tpu.sem_alloc : memref<!tpu.dma_semaphore, #tpu.memory_space<semaphore_mem>>
      %dma_start3A = arith.constant 0 : i32
      %dma_start3A_21 = tpu.memref_slice %arg9[%mul3A_4, %dma_start3A] : memref<10112x8xf32, #tpu.memory_space<vmem_shared>> -> memref<632x8xf32, #tpu.memory_space<vmem_shared>>
      %dma_start3A_22 = arith.constant 0 : i32
      %dma_start3A_23 = tpu.memref_slice %arg9[%mul3A_4, %dma_start3A_22] : memref<10112x8xf32, #tpu.memory_space<vmem_shared>> -> memref<632x8xf32, #tpu.memory_space<vmem_shared>>
      tpu.enqueue_dma source(%arg8 : memref<632x8xf32, #tpu.memory_space<vmem>>) target(%dma_start3A_23 : memref<632x8xf32, #tpu.memory_space<vmem_shared>>) target_semaphore(%run_scoped3A : memref<!tpu.dma_semaphore, #tpu.memory_space<semaphore_mem>>)
      %dma_wait3A = arith.constant 0 : i32
      %dma_wait3A_24 = tpu.memref_slice %arg9[%mul3A_4, %dma_wait3A] : memref<10112x8xf32, #tpu.memory_space<vmem_shared>> -> memref<632x8xf32, #tpu.memory_space<vmem_shared>>
      %dma_wait3A_25 = arith.constant 0 : i32
      %dma_wait3A_26 = tpu.memref_slice %arg9[%mul3A_4, %dma_wait3A_25] : memref<10112x8xf32, #tpu.memory_space<vmem_shared>> -> memref<632x8xf32, #tpu.memory_space<vmem_shared>>
      tpu.wait_dma2 semaphore(%run_scoped3A : memref<!tpu.dma_semaphore, #tpu.memory_space<semaphore_mem>>) src(%arg8 : memref<632x8xf32, #tpu.memory_space<vmem>>) dst(%dma_wait3A_26 : memref<632x8xf32, #tpu.memory_space<vmem_shared>>)
      tpu.yield
    }) : () -> ()
    %barrier3A = arith.constant 0 : index
    tpu.barrier barrier_id(%barrier3A)
    %scan3A = arith.constant 0 : i32
    %scan3A_5 = arith.constant 0 : i32
    %scan3A_6 = arith.constant 25 : i32
    %scan3A_7 = arith.addi %scan3A_5, %scan3A_6 : i32
    %scan3A_8 = arith.constant 1 : i32
    scf.for %scan3A_21 = %scan3A_5 to %scan3A_7 step %scan3A_8  : i32 {
      %dma_start3A = arith.constant 0 : i32
      %dma_start3A_22 = tpu.memref_slice %arg6[%scan3A_21, %dma_start3A] : memref<25x400xi32, #tpu.memory_space<vmem>> -> memref<1x400xi32, #tpu.memory_space<vmem>>
      %dma_start3A_23 = tpu.memref_squeeze %dma_start3A_22 : memref<1x400xi32, #tpu.memory_space<vmem>> -> memref<400xi32, #tpu.memory_space<vmem>>
      %dma_start3A_24 = arith.constant 0 : i32
      %dma_start3A_25 = arith.constant 0 : i32
      %dma_start3A_26 = tpu.memref_slice %arg9[%dma_start3A_24, %dma_start3A_25] : memref<10112x8xf32, #tpu.memory_space<vmem_shared>> -> memref<10112x8xf32, #tpu.memory_space<vmem_shared>>
      tpu.enqueue_indirect_dma source(%arg7 : memref<400x8xf32, #tpu.memory_space<vmem>>) target(%dma_start3A_26 : memref<10112x8xf32, #tpu.memory_space<vmem_shared>>) offsets(%dma_start3A_23 : memref<400xi32, #tpu.memory_space<vmem>>) semaphore(%arg10 : memref<!tpu.dma_semaphore, #tpu.memory_space<semaphore_mem>>) {add = true}
    }
    %scan3A_9 = arith.constant 25 : i32
    %scan3A_10 = arith.constant 0 : i32
    %scan3A_11 = arith.constant 0 : i32
    %scan3A_12 = arith.constant 25 : i32
    %scan3A_13 = arith.addi %scan3A_11, %scan3A_12 : i32
    %scan3A_14 = arith.constant 1 : i32
    scf.for %scan3A_21 = %scan3A_11 to %scan3A_13 step %scan3A_14  : i32 {
      %dma_wait3A = arith.constant 0 : i32
      %dma_wait3A_22 = tpu.memref_slice %arg6[%scan3A_21, %dma_wait3A] : memref<25x400xi32, #tpu.memory_space<vmem>> -> memref<1x400xi32, #tpu.memory_space<vmem>>
      %dma_wait3A_23 = tpu.memref_squeeze %dma_wait3A_22 : memref<1x400xi32, #tpu.memory_space<vmem>> -> memref<400xi32, #tpu.memory_space<vmem>>
      %dma_wait3A_24 = arith.constant 0 : i32
      %dma_wait3A_25 = arith.constant 0 : i32
      %dma_wait3A_26 = tpu.memref_slice %arg9[%dma_wait3A_24, %dma_wait3A_25] : memref<10112x8xf32, #tpu.memory_space<vmem_shared>> -> memref<10112x8xf32, #tpu.memory_space<vmem_shared>>
      tpu.wait_indirect_dma semaphore(%arg10 : memref<!tpu.dma_semaphore, #tpu.memory_space<semaphore_mem>>) src(%arg7 : memref<400x8xf32, #tpu.memory_space<vmem>>) dst(%dma_wait3A_26 : memref<10112x8xf32, #tpu.memory_space<vmem_shared>>)
    }
    %scan3A_15 = arith.constant 25 : i32
    %barrier3A_16 = arith.constant 0 : index
    tpu.barrier barrier_id(%barrier3A_16)
    %mul3A_17 = arith.constant 632 : i32
    %mul3A_18 = arith.muli %arg1, %mul3A_17 : i32
    "tpu.region"() ({
      %run_scoped3A = tpu.sem_alloc : memref<!tpu.dma_semaphore, #tpu.memory_space<semaphore_mem>>
      %dma_start3A = arith.constant 0 : i32
      %dma_start3A_21 = tpu.memref_slice %arg9[%mul3A_18, %dma_start3A] : memref<10112x8xf32, #tpu.memory_space<vmem_shared>> -> memref<632x8xf32, #tpu.memory_space<vmem_shared>>
      %dma_start3A_22 = arith.constant 0 : i32
      %dma_start3A_23 = tpu.memref_slice %arg9[%mul3A_18, %dma_start3A_22] : memref<10112x8xf32, #tpu.memory_space<vmem_shared>> -> memref<632x8xf32, #tpu.memory_space<vmem_shared>>
      tpu.enqueue_dma source(%dma_start3A_23 : memref<632x8xf32, #tpu.memory_space<vmem_shared>>) target(%arg8 : memref<632x8xf32, #tpu.memory_space<vmem>>) target_semaphore(%run_scoped3A : memref<!tpu.dma_semaphore, #tpu.memory_space<semaphore_mem>>)
      %dma_wait3A = arith.constant 0 : i32
      %dma_wait3A_24 = tpu.memref_slice %arg9[%mul3A_18, %dma_wait3A] : memref<10112x8xf32, #tpu.memory_space<vmem_shared>> -> memref<632x8xf32, #tpu.memory_space<vmem_shared>>
      %dma_wait3A_25 = arith.constant 0 : i32
      %dma_wait3A_26 = tpu.memref_slice %arg9[%mul3A_18, %dma_wait3A_25] : memref<10112x8xf32, #tpu.memory_space<vmem_shared>> -> memref<632x8xf32, #tpu.memory_space<vmem_shared>>
      tpu.wait_dma2 semaphore(%run_scoped3A : memref<!tpu.dma_semaphore, #tpu.memory_space<semaphore_mem>>) src(%dma_wait3A_26 : memref<632x8xf32, #tpu.memory_space<vmem_shared>>) dst(%arg8 : memref<632x8xf32, #tpu.memory_space<vmem>>)
      tpu.yield
    }) : () -> ()
    %mul3A_19 = arith.constant 632 : i32
    %mul3A_20 = arith.muli %arg1, %mul3A_19 : i32
    "tpu.region"() ({
      %run_scoped3A = tpu.sem_alloc : memref<!tpu.dma_semaphore, #tpu.memory_space<semaphore_mem>>
      %dma_start3A = arith.constant 0 : i32
      %dma_start3A_21 = arith.constant 0 : i32
      %dma_start3A_22 = tpu.memref_slice %arg5[%arg0, %dma_start3A, %dma_start3A_21] : memref<2x10112x8xf32, #tpu.memory_space<hbm>> -> memref<1x10112x8xf32, #tpu.memory_space<hbm>>
      %dma_start3A_23 = tpu.memref_squeeze %dma_start3A_22 : memref<1x10112x8xf32, #tpu.memory_space<hbm>> -> memref<10112x8xf32, #tpu.memory_space<hbm>>
      %dma_start3A_24 = arith.constant 0 : i32
      %dma_start3A_25 = tpu.memref_slice %dma_start3A_23[%mul3A_20, %dma_start3A_24] : memref<10112x8xf32, #tpu.memory_space<hbm>> -> memref<632x8xf32, #tpu.memory_space<hbm>>
      %dma_start3A_26 = arith.constant 0 : i32
      %dma_start3A_27 = arith.constant 0 : i32
      %dma_start3A_28 = tpu.memref_slice %arg5[%arg0, %dma_start3A_26, %dma_start3A_27] : memref<2x10112x8xf32, #tpu.memory_space<hbm>> -> memref<1x10112x8xf32, #tpu.memory_space<hbm>>
      %dma_start3A_29 = tpu.memref_squeeze %dma_start3A_28 : memref<1x10112x8xf32, #tpu.memory_space<hbm>> -> memref<10112x8xf32, #tpu.memory_space<hbm>>
      %dma_start3A_30 = arith.constant 0 : i32
      %dma_start3A_31 = tpu.memref_slice %dma_start3A_29[%mul3A_20, %dma_start3A_30] : memref<10112x8xf32, #tpu.memory_space<hbm>> -> memref<632x8xf32, #tpu.memory_space<hbm>>
      tpu.enqueue_dma source(%arg8 : memref<632x8xf32, #tpu.memory_space<vmem>>) target(%dma_start3A_31 : memref<632x8xf32, #tpu.memory_space<hbm>>) target_semaphore(%run_scoped3A : memref<!tpu.dma_semaphore, #tpu.memory_space<semaphore_mem>>)
      %dma_wait3A = arith.constant 0 : i32
      %dma_wait3A_32 = arith.constant 0 : i32
      %dma_wait3A_33 = tpu.memref_slice %arg5[%arg0, %dma_wait3A, %dma_wait3A_32] : memref<2x10112x8xf32, #tpu.memory_space<hbm>> -> memref<1x10112x8xf32, #tpu.memory_space<hbm>>
      %dma_wait3A_34 = tpu.memref_squeeze %dma_wait3A_33 : memref<1x10112x8xf32, #tpu.memory_space<hbm>> -> memref<10112x8xf32, #tpu.memory_space<hbm>>
      %dma_wait3A_35 = arith.constant 0 : i32
      %dma_wait3A_36 = tpu.memref_slice %dma_wait3A_34[%mul3A_20, %dma_wait3A_35] : memref<10112x8xf32, #tpu.memory_space<hbm>> -> memref<632x8xf32, #tpu.memory_space<hbm>>
      %dma_wait3A_37 = arith.constant 0 : i32
      %dma_wait3A_38 = arith.constant 0 : i32
      %dma_wait3A_39 = tpu.memref_slice %arg5[%arg0, %dma_wait3A_37, %dma_wait3A_38] : memref<2x10112x8xf32, #tpu.memory_space<hbm>> -> memref<1x10112x8xf32, #tpu.memory_space<hbm>>
      %dma_wait3A_40 = tpu.memref_squeeze %dma_wait3A_39 : memref<1x10112x8xf32, #tpu.memory_space<hbm>> -> memref<10112x8xf32, #tpu.memory_space<hbm>>
      %dma_wait3A_41 = arith.constant 0 : i32
      %dma_wait3A_42 = tpu.memref_slice %dma_wait3A_40[%mul3A_20, %dma_wait3A_41] : memref<10112x8xf32, #tpu.memory_space<hbm>> -> memref<632x8xf32, #tpu.memory_space<hbm>>
      tpu.wait_dma2 semaphore(%run_scoped3A : memref<!tpu.dma_semaphore, #tpu.memory_space<semaphore_mem>>) src(%arg8 : memref<632x8xf32, #tpu.memory_space<vmem>>) dst(%dma_wait3A_42 : memref<632x8xf32, #tpu.memory_space<hbm>>)
      tpu.yield
    }) : () -> ()
    return
  }
}

#map = affine_map<(d0, d1) -> (0, 0, 0)>
#map1 = affine_map<(d0, d1) -> (0, 0)>
module attributes {stable_mosaic.version = 14 : i64} {
  func.func @_sc_hop_body(%arg0: i32, %arg1: i32, %arg2: memref<32x25x400xi32, #tpu.memory_space<hbm>>, %arg3: memref<32x25x400xi32, #tpu.memory_space<hbm>>, %arg4: memref<10112x64xf32, #tpu.memory_space<hbm>>, %arg5: memref<10112x64xf32, #tpu.memory_space<hbm>>, %arg6: memref<2x10112x64xf32, #tpu.memory_space<hbm>>, %arg7: memref<25x400xi32, #tpu.memory_space<vmem>>, %arg8: memref<25x400xi32, #tpu.memory_space<vmem>>, %arg9: memref<2x400x64xf32, #tpu.memory_space<vmem>>, %arg10: memref<158x64xf32, #tpu.memory_space<vmem>>, %arg11: memref<10112x64xf32, #tpu.memory_space<vmem_shared>>, %arg12: memref<!tpu.dma_semaphore, #tpu.memory_space<semaphore_mem>>) attributes {dimension_semantics = [#tpu.dimension_semantics<core_parallel>, #tpu.dimension_semantics<subcore_parallel>], iteration_bounds = array<i64: 2, 16>, scalar_prefetch = 0 : i64, scratch_operands = 6 : i64, tpu.core_type = #tpu.core_type<sc_vector_subcore>, window_params = [{transform_indices = #map}, {transform_indices = #map}, {transform_indices = #map1}, {transform_indices = #map1}, {transform_indices = #map}]} {
    %mul3A = arith.constant 16 : i32
    %mul3A_0 = arith.muli %arg0, %mul3A : i32
    %add3A = arith.addi %mul3A_0, %arg1 : i32
    "tpu.region"() ({
      %run_scoped3A = tpu.sem_alloc : memref<!tpu.dma_semaphore, #tpu.memory_space<semaphore_mem>>
      %dma_start3A_82 = arith.constant 0 : i32
      %dma_start3A_83 = arith.constant 0 : i32
      %dma_start3A_84 = tpu.memref_slice %arg2[%add3A, %dma_start3A_82, %dma_start3A_83] : memref<32x25x400xi32, #tpu.memory_space<hbm>> -> memref<1x25x400xi32, #tpu.memory_space<hbm>>
      %dma_start3A_85 = tpu.memref_squeeze %dma_start3A_84 : memref<1x25x400xi32, #tpu.memory_space<hbm>> -> memref<25x400xi32, #tpu.memory_space<hbm>>
      %dma_start3A_86 = arith.constant 0 : i32
      %dma_start3A_87 = arith.constant 0 : i32
      %dma_start3A_88 = tpu.memref_slice %arg2[%add3A, %dma_start3A_86, %dma_start3A_87] : memref<32x25x400xi32, #tpu.memory_space<hbm>> -> memref<1x25x400xi32, #tpu.memory_space<hbm>>
      %dma_start3A_89 = tpu.memref_squeeze %dma_start3A_88 : memref<1x25x400xi32, #tpu.memory_space<hbm>> -> memref<25x400xi32, #tpu.memory_space<hbm>>
      tpu.enqueue_dma source(%dma_start3A_89 : memref<25x400xi32, #tpu.memory_space<hbm>>) target(%arg7 : memref<25x400xi32, #tpu.memory_space<vmem>>) target_semaphore(%run_scoped3A : memref<!tpu.dma_semaphore, #tpu.memory_space<semaphore_mem>>)
      %dma_wait3A = arith.constant 0 : i32
      %dma_wait3A_90 = arith.constant 0 : i32
      %dma_wait3A_91 = tpu.memref_slice %arg2[%add3A, %dma_wait3A, %dma_wait3A_90] : memref<32x25x400xi32, #tpu.memory_space<hbm>> -> memref<1x25x400xi32, #tpu.memory_space<hbm>>
      %dma_wait3A_92 = tpu.memref_squeeze %dma_wait3A_91 : memref<1x25x400xi32, #tpu.memory_space<hbm>> -> memref<25x400xi32, #tpu.memory_space<hbm>>
      %dma_wait3A_93 = arith.constant 0 : i32
      %dma_wait3A_94 = arith.constant 0 : i32
      %dma_wait3A_95 = tpu.memref_slice %arg2[%add3A, %dma_wait3A_93, %dma_wait3A_94] : memref<32x25x400xi32, #tpu.memory_space<hbm>> -> memref<1x25x400xi32, #tpu.memory_space<hbm>>
      %dma_wait3A_96 = tpu.memref_squeeze %dma_wait3A_95 : memref<1x25x400xi32, #tpu.memory_space<hbm>> -> memref<25x400xi32, #tpu.memory_space<hbm>>
      tpu.wait_dma2 semaphore(%run_scoped3A : memref<!tpu.dma_semaphore, #tpu.memory_space<semaphore_mem>>) src(%dma_wait3A_96 : memref<25x400xi32, #tpu.memory_space<hbm>>) dst(%arg7 : memref<25x400xi32, #tpu.memory_space<vmem>>)
      tpu.yield
    }) : () -> ()
    %dma_start3A = arith.constant 0 : i32
    %dma_start3A_1 = arith.constant 0 : i32
    %dma_start3A_2 = arith.constant 0 : i32
    %dma_start3A_3 = arith.constant 0 : i32
    %dma_start3A_4 = tpu.memref_slice %arg9[%dma_start3A_1, %dma_start3A_2, %dma_start3A_3] : memref<2x400x64xf32, #tpu.memory_space<vmem>> -> memref<1x400x64xf32, #tpu.memory_space<vmem>>
    %dma_start3A_5 = tpu.memref_squeeze %dma_start3A_4 : memref<1x400x64xf32, #tpu.memory_space<vmem>> -> memref<400x64xf32, #tpu.memory_space<vmem>>
    %dma_start3A_6 = arith.constant 0 : i32
    %dma_start3A_7 = tpu.memref_slice %arg7[%dma_start3A, %dma_start3A_6] : memref<25x400xi32, #tpu.memory_space<vmem>> -> memref<1x400xi32, #tpu.memory_space<vmem>>
    %dma_start3A_8 = tpu.memref_squeeze %dma_start3A_7 : memref<1x400xi32, #tpu.memory_space<vmem>> -> memref<400xi32, #tpu.memory_space<vmem>>
    %dma_start3A_9 = arith.constant 0 : i32
    %dma_start3A_10 = arith.constant 0 : i32
    %dma_start3A_11 = tpu.memref_slice %arg4[%dma_start3A_9, %dma_start3A_10] : memref<10112x64xf32, #tpu.memory_space<hbm>> -> memref<10112x64xf32, #tpu.memory_space<hbm>>
    tpu.enqueue_indirect_dma source(%dma_start3A_11 : memref<10112x64xf32, #tpu.memory_space<hbm>>) target(%dma_start3A_5 : memref<400x64xf32, #tpu.memory_space<vmem>>) offsets(%dma_start3A_8 : memref<400xi32, #tpu.memory_space<vmem>>) semaphore(%arg12 : memref<!tpu.dma_semaphore, #tpu.memory_space<semaphore_mem>>)
    "tpu.region"() ({
      %run_scoped3A = tpu.sem_alloc : memref<!tpu.dma_semaphore, #tpu.memory_space<semaphore_mem>>
      %dma_start3A_82 = arith.constant 0 : i32
      %dma_start3A_83 = arith.constant 0 : i32
      %dma_start3A_84 = tpu.memref_slice %arg3[%add3A, %dma_start3A_82, %dma_start3A_83] : memref<32x25x400xi32, #tpu.memory_space<hbm>> -> memref<1x25x400xi32, #tpu.memory_space<hbm>>
      %dma_start3A_85 = tpu.memref_squeeze %dma_start3A_84 : memref<1x25x400xi32, #tpu.memory_space<hbm>> -> memref<25x400xi32, #tpu.memory_space<hbm>>
      %dma_start3A_86 = arith.constant 0 : i32
      %dma_start3A_87 = arith.constant 0 : i32
      %dma_start3A_88 = tpu.memref_slice %arg3[%add3A, %dma_start3A_86, %dma_start3A_87] : memref<32x25x400xi32, #tpu.memory_space<hbm>> -> memref<1x25x400xi32, #tpu.memory_space<hbm>>
      %dma_start3A_89 = tpu.memref_squeeze %dma_start3A_88 : memref<1x25x400xi32, #tpu.memory_space<hbm>> -> memref<25x400xi32, #tpu.memory_space<hbm>>
      tpu.enqueue_dma source(%dma_start3A_89 : memref<25x400xi32, #tpu.memory_space<hbm>>) target(%arg8 : memref<25x400xi32, #tpu.memory_space<vmem>>) target_semaphore(%run_scoped3A : memref<!tpu.dma_semaphore, #tpu.memory_space<semaphore_mem>>)
      %dma_wait3A = arith.constant 0 : i32
      %dma_wait3A_90 = arith.constant 0 : i32
      %dma_wait3A_91 = tpu.memref_slice %arg3[%add3A, %dma_wait3A, %dma_wait3A_90] : memref<32x25x400xi32, #tpu.memory_space<hbm>> -> memref<1x25x400xi32, #tpu.memory_space<hbm>>
      %dma_wait3A_92 = tpu.memref_squeeze %dma_wait3A_91 : memref<1x25x400xi32, #tpu.memory_space<hbm>> -> memref<25x400xi32, #tpu.memory_space<hbm>>
      %dma_wait3A_93 = arith.constant 0 : i32
      %dma_wait3A_94 = arith.constant 0 : i32
      %dma_wait3A_95 = tpu.memref_slice %arg3[%add3A, %dma_wait3A_93, %dma_wait3A_94] : memref<32x25x400xi32, #tpu.memory_space<hbm>> -> memref<1x25x400xi32, #tpu.memory_space<hbm>>
      %dma_wait3A_96 = tpu.memref_squeeze %dma_wait3A_95 : memref<1x25x400xi32, #tpu.memory_space<hbm>> -> memref<25x400xi32, #tpu.memory_space<hbm>>
      tpu.wait_dma2 semaphore(%run_scoped3A : memref<!tpu.dma_semaphore, #tpu.memory_space<semaphore_mem>>) src(%dma_wait3A_96 : memref<25x400xi32, #tpu.memory_space<hbm>>) dst(%arg8 : memref<25x400xi32, #tpu.memory_space<vmem>>)
      tpu.yield
    }) : () -> ()
    %mul3A_12 = arith.constant 632 : i32
    %mul3A_13 = arith.muli %arg1, %mul3A_12 : i32
    %add3A_14 = arith.constant 0 : i32
    %add3A_15 = arith.addi %mul3A_13, %add3A_14 : i32
    "tpu.region"() ({
      %run_scoped3A = tpu.sem_alloc : memref<!tpu.dma_semaphore, #tpu.memory_space<semaphore_mem>>
      %dma_start3A_82 = arith.constant 0 : i32
      %dma_start3A_83 = tpu.memref_slice %arg5[%add3A_15, %dma_start3A_82] : memref<10112x64xf32, #tpu.memory_space<hbm>> -> memref<158x64xf32, #tpu.memory_space<hbm>>
      %dma_start3A_84 = arith.constant 0 : i32
      %dma_start3A_85 = tpu.memref_slice %arg5[%add3A_15, %dma_start3A_84] : memref<10112x64xf32, #tpu.memory_space<hbm>> -> memref<158x64xf32, #tpu.memory_space<hbm>>
      tpu.enqueue_dma source(%dma_start3A_85 : memref<158x64xf32, #tpu.memory_space<hbm>>) target(%arg10 : memref<158x64xf32, #tpu.memory_space<vmem>>) target_semaphore(%run_scoped3A : memref<!tpu.dma_semaphore, #tpu.memory_space<semaphore_mem>>)
      %dma_wait3A = arith.constant 0 : i32
      %dma_wait3A_86 = tpu.memref_slice %arg5[%add3A_15, %dma_wait3A] : memref<10112x64xf32, #tpu.memory_space<hbm>> -> memref<158x64xf32, #tpu.memory_space<hbm>>
      %dma_wait3A_87 = arith.constant 0 : i32
      %dma_wait3A_88 = tpu.memref_slice %arg5[%add3A_15, %dma_wait3A_87] : memref<10112x64xf32, #tpu.memory_space<hbm>> -> memref<158x64xf32, #tpu.memory_space<hbm>>
      tpu.wait_dma2 semaphore(%run_scoped3A : memref<!tpu.dma_semaphore, #tpu.memory_space<semaphore_mem>>) src(%dma_wait3A_88 : memref<158x64xf32, #tpu.memory_space<hbm>>) dst(%arg10 : memref<158x64xf32, #tpu.memory_space<vmem>>)
      tpu.yield
    }) : () -> ()
    %mul3A_16 = arith.constant 632 : i32
    %mul3A_17 = arith.muli %arg1, %mul3A_16 : i32
    %add3A_18 = arith.constant 0 : i32
    %add3A_19 = arith.addi %mul3A_17, %add3A_18 : i32
    "tpu.region"() ({
      %run_scoped3A = tpu.sem_alloc : memref<!tpu.dma_semaphore, #tpu.memory_space<semaphore_mem>>
      %dma_start3A_82 = arith.constant 0 : i32
      %dma_start3A_83 = tpu.memref_slice %arg11[%add3A_19, %dma_start3A_82] : memref<10112x64xf32, #tpu.memory_space<vmem_shared>> -> memref<158x64xf32, #tpu.memory_space<vmem_shared>>
      %dma_start3A_84 = arith.constant 0 : i32
      %dma_start3A_85 = tpu.memref_slice %arg11[%add3A_19, %dma_start3A_84] : memref<10112x64xf32, #tpu.memory_space<vmem_shared>> -> memref<158x64xf32, #tpu.memory_space<vmem_shared>>
      tpu.enqueue_dma source(%arg10 : memref<158x64xf32, #tpu.memory_space<vmem>>) target(%dma_start3A_85 : memref<158x64xf32, #tpu.memory_space<vmem_shared>>) target_semaphore(%run_scoped3A : memref<!tpu.dma_semaphore, #tpu.memory_space<semaphore_mem>>)
      %dma_wait3A = arith.constant 0 : i32
      %dma_wait3A_86 = tpu.memref_slice %arg11[%add3A_19, %dma_wait3A] : memref<10112x64xf32, #tpu.memory_space<vmem_shared>> -> memref<158x64xf32, #tpu.memory_space<vmem_shared>>
      %dma_wait3A_87 = arith.constant 0 : i32
      %dma_wait3A_88 = tpu.memref_slice %arg11[%add3A_19, %dma_wait3A_87] : memref<10112x64xf32, #tpu.memory_space<vmem_shared>> -> memref<158x64xf32, #tpu.memory_space<vmem_shared>>
      tpu.wait_dma2 semaphore(%run_scoped3A : memref<!tpu.dma_semaphore, #tpu.memory_space<semaphore_mem>>) src(%arg10 : memref<158x64xf32, #tpu.memory_space<vmem>>) dst(%dma_wait3A_88 : memref<158x64xf32, #tpu.memory_space<vmem_shared>>)
      tpu.yield
    }) : () -> ()
    %mul3A_20 = arith.constant 632 : i32
    %mul3A_21 = arith.muli %arg1, %mul3A_20 : i32
    %add3A_22 = arith.constant 158 : i32
    %add3A_23 = arith.addi %mul3A_21, %add3A_22 : i32
    "tpu.region"() ({
      %run_scoped3A = tpu.sem_alloc : memref<!tpu.dma_semaphore, #tpu.memory_space<semaphore_mem>>
      %dma_start3A_82 = arith.constant 0 : i32
      %dma_start3A_83 = tpu.memref_slice %arg5[%add3A_23, %dma_start3A_82] : memref<10112x64xf32, #tpu.memory_space<hbm>> -> memref<158x64xf32, #tpu.memory_space<hbm>>
      %dma_start3A_84 = arith.constant 0 : i32
      %dma_start3A_85 = tpu.memref_slice %arg5[%add3A_23, %dma_start3A_84] : memref<10112x64xf32, #tpu.memory_space<hbm>> -> memref<158x64xf32, #tpu.memory_space<hbm>>
      tpu.enqueue_dma source(%dma_start3A_85 : memref<158x64xf32, #tpu.memory_space<hbm>>) target(%arg10 : memref<158x64xf32, #tpu.memory_space<vmem>>) target_semaphore(%run_scoped3A : memref<!tpu.dma_semaphore, #tpu.memory_space<semaphore_mem>>)
      %dma_wait3A = arith.constant 0 : i32
      %dma_wait3A_86 = tpu.memref_slice %arg5[%add3A_23, %dma_wait3A] : memref<10112x64xf32, #tpu.memory_space<hbm>> -> memref<158x64xf32, #tpu.memory_space<hbm>>
      %dma_wait3A_87 = arith.constant 0 : i32
      %dma_wait3A_88 = tpu.memref_slice %arg5[%add3A_23, %dma_wait3A_87] : memref<10112x64xf32, #tpu.memory_space<hbm>> -> memref<158x64xf32, #tpu.memory_space<hbm>>
      tpu.wait_dma2 semaphore(%run_scoped3A : memref<!tpu.dma_semaphore, #tpu.memory_space<semaphore_mem>>) src(%dma_wait3A_88 : memref<158x64xf32, #tpu.memory_space<hbm>>) dst(%arg10 : memref<158x64xf32, #tpu.memory_space<vmem>>)
      tpu.yield
    }) : () -> ()
    %mul3A_24 = arith.constant 632 : i32
    %mul3A_25 = arith.muli %arg1, %mul3A_24 : i32
    %add3A_26 = arith.constant 158 : i32
    %add3A_27 = arith.addi %mul3A_25, %add3A_26 : i32
    "tpu.region"() ({
      %run_scoped3A = tpu.sem_alloc : memref<!tpu.dma_semaphore, #tpu.memory_space<semaphore_mem>>
      %dma_start3A_82 = arith.constant 0 : i32
      %dma_start3A_83 = tpu.memref_slice %arg11[%add3A_27, %dma_start3A_82] : memref<10112x64xf32, #tpu.memory_space<vmem_shared>> -> memref<158x64xf32, #tpu.memory_space<vmem_shared>>
      %dma_start3A_84 = arith.constant 0 : i32
      %dma_start3A_85 = tpu.memref_slice %arg11[%add3A_27, %dma_start3A_84] : memref<10112x64xf32, #tpu.memory_space<vmem_shared>> -> memref<158x64xf32, #tpu.memory_space<vmem_shared>>
      tpu.enqueue_dma source(%arg10 : memref<158x64xf32, #tpu.memory_space<vmem>>) target(%dma_start3A_85 : memref<158x64xf32, #tpu.memory_space<vmem_shared>>) target_semaphore(%run_scoped3A : memref<!tpu.dma_semaphore, #tpu.memory_space<semaphore_mem>>)
      %dma_wait3A = arith.constant 0 : i32
      %dma_wait3A_86 = tpu.memref_slice %arg11[%add3A_27, %dma_wait3A] : memref<10112x64xf32, #tpu.memory_space<vmem_shared>> -> memref<158x64xf32, #tpu.memory_space<vmem_shared>>
      %dma_wait3A_87 = arith.constant 0 : i32
      %dma_wait3A_88 = tpu.memref_slice %arg11[%add3A_27, %dma_wait3A_87] : memref<10112x64xf32, #tpu.memory_space<vmem_shared>> -> memref<158x64xf32, #tpu.memory_space<vmem_shared>>
      tpu.wait_dma2 semaphore(%run_scoped3A : memref<!tpu.dma_semaphore, #tpu.memory_space<semaphore_mem>>) src(%arg10 : memref<158x64xf32, #tpu.memory_space<vmem>>) dst(%dma_wait3A_88 : memref<158x64xf32, #tpu.memory_space<vmem_shared>>)
      tpu.yield
    }) : () -> ()
    %mul3A_28 = arith.constant 632 : i32
    %mul3A_29 = arith.muli %arg1, %mul3A_28 : i32
    %add3A_30 = arith.constant 316 : i32
    %add3A_31 = arith.addi %mul3A_29, %add3A_30 : i32
    "tpu.region"() ({
      %run_scoped3A = tpu.sem_alloc : memref<!tpu.dma_semaphore, #tpu.memory_space<semaphore_mem>>
      %dma_start3A_82 = arith.constant 0 : i32
      %dma_start3A_83 = tpu.memref_slice %arg5[%add3A_31, %dma_start3A_82] : memref<10112x64xf32, #tpu.memory_space<hbm>> -> memref<158x64xf32, #tpu.memory_space<hbm>>
      %dma_start3A_84 = arith.constant 0 : i32
      %dma_start3A_85 = tpu.memref_slice %arg5[%add3A_31, %dma_start3A_84] : memref<10112x64xf32, #tpu.memory_space<hbm>> -> memref<158x64xf32, #tpu.memory_space<hbm>>
      tpu.enqueue_dma source(%dma_start3A_85 : memref<158x64xf32, #tpu.memory_space<hbm>>) target(%arg10 : memref<158x64xf32, #tpu.memory_space<vmem>>) target_semaphore(%run_scoped3A : memref<!tpu.dma_semaphore, #tpu.memory_space<semaphore_mem>>)
      %dma_wait3A = arith.constant 0 : i32
      %dma_wait3A_86 = tpu.memref_slice %arg5[%add3A_31, %dma_wait3A] : memref<10112x64xf32, #tpu.memory_space<hbm>> -> memref<158x64xf32, #tpu.memory_space<hbm>>
      %dma_wait3A_87 = arith.constant 0 : i32
      %dma_wait3A_88 = tpu.memref_slice %arg5[%add3A_31, %dma_wait3A_87] : memref<10112x64xf32, #tpu.memory_space<hbm>> -> memref<158x64xf32, #tpu.memory_space<hbm>>
      tpu.wait_dma2 semaphore(%run_scoped3A : memref<!tpu.dma_semaphore, #tpu.memory_space<semaphore_mem>>) src(%dma_wait3A_88 : memref<158x64xf32, #tpu.memory_space<hbm>>) dst(%arg10 : memref<158x64xf32, #tpu.memory_space<vmem>>)
      tpu.yield
    }) : () -> ()
    %mul3A_32 = arith.constant 632 : i32
    %mul3A_33 = arith.muli %arg1, %mul3A_32 : i32
    %add3A_34 = arith.constant 316 : i32
    %add3A_35 = arith.addi %mul3A_33, %add3A_34 : i32
    "tpu.region"() ({
      %run_scoped3A = tpu.sem_alloc : memref<!tpu.dma_semaphore, #tpu.memory_space<semaphore_mem>>
      %dma_start3A_82 = arith.constant 0 : i32
      %dma_start3A_83 = tpu.memref_slice %arg11[%add3A_35, %dma_start3A_82] : memref<10112x64xf32, #tpu.memory_space<vmem_shared>> -> memref<158x64xf32, #tpu.memory_space<vmem_shared>>
      %dma_start3A_84 = arith.constant 0 : i32
      %dma_start3A_85 = tpu.memref_slice %arg11[%add3A_35, %dma_start3A_84] : memref<10112x64xf32, #tpu.memory_space<vmem_shared>> -> memref<158x64xf32, #tpu.memory_space<vmem_shared>>
      tpu.enqueue_dma source(%arg10 : memref<158x64xf32, #tpu.memory_space<vmem>>) target(%dma_start3A_85 : memref<158x64xf32, #tpu.memory_space<vmem_shared>>) target_semaphore(%run_scoped3A : memref<!tpu.dma_semaphore, #tpu.memory_space<semaphore_mem>>)
      %dma_wait3A = arith.constant 0 : i32
      %dma_wait3A_86 = tpu.memref_slice %arg11[%add3A_35, %dma_wait3A] : memref<10112x64xf32, #tpu.memory_space<vmem_shared>> -> memref<158x64xf32, #tpu.memory_space<vmem_shared>>
      %dma_wait3A_87 = arith.constant 0 : i32
      %dma_wait3A_88 = tpu.memref_slice %arg11[%add3A_35, %dma_wait3A_87] : memref<10112x64xf32, #tpu.memory_space<vmem_shared>> -> memref<158x64xf32, #tpu.memory_space<vmem_shared>>
      tpu.wait_dma2 semaphore(%run_scoped3A : memref<!tpu.dma_semaphore, #tpu.memory_space<semaphore_mem>>) src(%arg10 : memref<158x64xf32, #tpu.memory_space<vmem>>) dst(%dma_wait3A_88 : memref<158x64xf32, #tpu.memory_space<vmem_shared>>)
      tpu.yield
    }) : () -> ()
    %mul3A_36 = arith.constant 632 : i32
    %mul3A_37 = arith.muli %arg1, %mul3A_36 : i32
    %add3A_38 = arith.constant 474 : i32
    %add3A_39 = arith.addi %mul3A_37, %add3A_38 : i32
    "tpu.region"() ({
      %run_scoped3A = tpu.sem_alloc : memref<!tpu.dma_semaphore, #tpu.memory_space<semaphore_mem>>
      %dma_start3A_82 = arith.constant 0 : i32
      %dma_start3A_83 = tpu.memref_slice %arg5[%add3A_39, %dma_start3A_82] : memref<10112x64xf32, #tpu.memory_space<hbm>> -> memref<158x64xf32, #tpu.memory_space<hbm>>
      %dma_start3A_84 = arith.constant 0 : i32
      %dma_start3A_85 = tpu.memref_slice %arg5[%add3A_39, %dma_start3A_84] : memref<10112x64xf32, #tpu.memory_space<hbm>> -> memref<158x64xf32, #tpu.memory_space<hbm>>
      tpu.enqueue_dma source(%dma_start3A_85 : memref<158x64xf32, #tpu.memory_space<hbm>>) target(%arg10 : memref<158x64xf32, #tpu.memory_space<vmem>>) target_semaphore(%run_scoped3A : memref<!tpu.dma_semaphore, #tpu.memory_space<semaphore_mem>>)
      %dma_wait3A = arith.constant 0 : i32
      %dma_wait3A_86 = tpu.memref_slice %arg5[%add3A_39, %dma_wait3A] : memref<10112x64xf32, #tpu.memory_space<hbm>> -> memref<158x64xf32, #tpu.memory_space<hbm>>
      %dma_wait3A_87 = arith.constant 0 : i32
      %dma_wait3A_88 = tpu.memref_slice %arg5[%add3A_39, %dma_wait3A_87] : memref<10112x64xf32, #tpu.memory_space<hbm>> -> memref<158x64xf32, #tpu.memory_space<hbm>>
      tpu.wait_dma2 semaphore(%run_scoped3A : memref<!tpu.dma_semaphore, #tpu.memory_space<semaphore_mem>>) src(%dma_wait3A_88 : memref<158x64xf32, #tpu.memory_space<hbm>>) dst(%arg10 : memref<158x64xf32, #tpu.memory_space<vmem>>)
      tpu.yield
    }) : () -> ()
    %mul3A_40 = arith.constant 632 : i32
    %mul3A_41 = arith.muli %arg1, %mul3A_40 : i32
    %add3A_42 = arith.constant 474 : i32
    %add3A_43 = arith.addi %mul3A_41, %add3A_42 : i32
    "tpu.region"() ({
      %run_scoped3A = tpu.sem_alloc : memref<!tpu.dma_semaphore, #tpu.memory_space<semaphore_mem>>
      %dma_start3A_82 = arith.constant 0 : i32
      %dma_start3A_83 = tpu.memref_slice %arg11[%add3A_43, %dma_start3A_82] : memref<10112x64xf32, #tpu.memory_space<vmem_shared>> -> memref<158x64xf32, #tpu.memory_space<vmem_shared>>
      %dma_start3A_84 = arith.constant 0 : i32
      %dma_start3A_85 = tpu.memref_slice %arg11[%add3A_43, %dma_start3A_84] : memref<10112x64xf32, #tpu.memory_space<vmem_shared>> -> memref<158x64xf32, #tpu.memory_space<vmem_shared>>
      tpu.enqueue_dma source(%arg10 : memref<158x64xf32, #tpu.memory_space<vmem>>) target(%dma_start3A_85 : memref<158x64xf32, #tpu.memory_space<vmem_shared>>) target_semaphore(%run_scoped3A : memref<!tpu.dma_semaphore, #tpu.memory_space<semaphore_mem>>)
      %dma_wait3A = arith.constant 0 : i32
      %dma_wait3A_86 = tpu.memref_slice %arg11[%add3A_43, %dma_wait3A] : memref<10112x64xf32, #tpu.memory_space<vmem_shared>> -> memref<158x64xf32, #tpu.memory_space<vmem_shared>>
      %dma_wait3A_87 = arith.constant 0 : i32
      %dma_wait3A_88 = tpu.memref_slice %arg11[%add3A_43, %dma_wait3A_87] : memref<10112x64xf32, #tpu.memory_space<vmem_shared>> -> memref<158x64xf32, #tpu.memory_space<vmem_shared>>
      tpu.wait_dma2 semaphore(%run_scoped3A : memref<!tpu.dma_semaphore, #tpu.memory_space<semaphore_mem>>) src(%arg10 : memref<158x64xf32, #tpu.memory_space<vmem>>) dst(%dma_wait3A_88 : memref<158x64xf32, #tpu.memory_space<vmem_shared>>)
      tpu.yield
    }) : () -> ()
    %barrier3A = arith.constant 0 : index
    tpu.barrier barrier_id(%barrier3A)
    %scan3A = arith.constant 0 : i32
    %scan3A_44 = arith.constant 0 : i32
    %scan3A_45 = arith.constant 25 : i32
    %scan3A_46 = arith.addi %scan3A_44, %scan3A_45 : i32
    %scan3A_47 = arith.constant 1 : i32
    scf.for %scan3A_82 = %scan3A_44 to %scan3A_46 step %scan3A_47  : i32 {
      %rem3A = arith.constant 2 : i32
      %rem3A_83 = arith.remsi %scan3A_82, %rem3A : i32
      %dma_wait3A = arith.constant 0 : i32
      %dma_wait3A_84 = arith.constant 0 : i32
      %dma_wait3A_85 = tpu.memref_slice %arg9[%rem3A_83, %dma_wait3A, %dma_wait3A_84] : memref<2x400x64xf32, #tpu.memory_space<vmem>> -> memref<1x400x64xf32, #tpu.memory_space<vmem>>
      %dma_wait3A_86 = tpu.memref_squeeze %dma_wait3A_85 : memref<1x400x64xf32, #tpu.memory_space<vmem>> -> memref<400x64xf32, #tpu.memory_space<vmem>>
      %dma_wait3A_87 = arith.constant 0 : i32
      %dma_wait3A_88 = tpu.memref_slice %arg7[%scan3A_82, %dma_wait3A_87] : memref<25x400xi32, #tpu.memory_space<vmem>> -> memref<1x400xi32, #tpu.memory_space<vmem>>
      %dma_wait3A_89 = tpu.memref_squeeze %dma_wait3A_88 : memref<1x400xi32, #tpu.memory_space<vmem>> -> memref<400xi32, #tpu.memory_space<vmem>>
      %dma_wait3A_90 = arith.constant 0 : i32
      %dma_wait3A_91 = arith.constant 0 : i32
      %dma_wait3A_92 = tpu.memref_slice %arg4[%dma_wait3A_90, %dma_wait3A_91] : memref<10112x64xf32, #tpu.memory_space<hbm>> -> memref<10112x64xf32, #tpu.memory_space<hbm>>
      tpu.wait_indirect_dma semaphore(%arg12 : memref<!tpu.dma_semaphore, #tpu.memory_space<semaphore_mem>>) src(%dma_wait3A_92 : memref<10112x64xf32, #tpu.memory_space<hbm>>) dst(%dma_wait3A_86 : memref<400x64xf32, #tpu.memory_space<vmem>>)
      %add3A_93 = arith.constant 1 : i32
      %add3A_94 = arith.addi %scan3A_82, %add3A_93 : i32
      %lt3A = arith.constant 25 : i32
      %lt3A_95 = arith.cmpi slt, %add3A_94, %lt3A : i32
      %convert_element_type3A = arith.extui %lt3A_95 : i1 to i32
      %cond3A = arith.constant 0 : i32
      %cond3A_96 = arith.cmpi ne, %convert_element_type3A, %cond3A : i32
      scf.if %cond3A_96 {
        %add3A_97 = arith.constant 1 : i32
        %add3A_98 = arith.addi %scan3A_82, %add3A_97 : i32
        %rem3A_99 = arith.constant 2 : i32
        %rem3A_100 = arith.remsi %add3A_98, %rem3A_99 : i32
        %add3A_101 = arith.constant 1 : i32
        %add3A_102 = arith.addi %scan3A_82, %add3A_101 : i32
        %dma_start3A_103 = arith.constant 0 : i32
        %dma_start3A_104 = arith.constant 0 : i32
        %dma_start3A_105 = tpu.memref_slice %arg9[%rem3A_100, %dma_start3A_103, %dma_start3A_104] : memref<2x400x64xf32, #tpu.memory_space<vmem>> -> memref<1x400x64xf32, #tpu.memory_space<vmem>>
        %dma_start3A_106 = tpu.memref_squeeze %dma_start3A_105 : memref<1x400x64xf32, #tpu.memory_space<vmem>> -> memref<400x64xf32, #tpu.memory_space<vmem>>
        %dma_start3A_107 = arith.constant 0 : i32
        %dma_start3A_108 = tpu.memref_slice %arg7[%add3A_102, %dma_start3A_107] : memref<25x400xi32, #tpu.memory_space<vmem>> -> memref<1x400xi32, #tpu.memory_space<vmem>>
        %dma_start3A_109 = tpu.memref_squeeze %dma_start3A_108 : memref<1x400xi32, #tpu.memory_space<vmem>> -> memref<400xi32, #tpu.memory_space<vmem>>
        %dma_start3A_110 = arith.constant 0 : i32
        %dma_start3A_111 = arith.constant 0 : i32
        %dma_start3A_112 = tpu.memref_slice %arg4[%dma_start3A_110, %dma_start3A_111] : memref<10112x64xf32, #tpu.memory_space<hbm>> -> memref<10112x64xf32, #tpu.memory_space<hbm>>
        tpu.enqueue_indirect_dma source(%dma_start3A_112 : memref<10112x64xf32, #tpu.memory_space<hbm>>) target(%dma_start3A_106 : memref<400x64xf32, #tpu.memory_space<vmem>>) offsets(%dma_start3A_109 : memref<400xi32, #tpu.memory_space<vmem>>) semaphore(%arg12 : memref<!tpu.dma_semaphore, #tpu.memory_space<semaphore_mem>>)
      } else {
      }
      "tpu.region"() ({
        %run_scoped3A = tpu.sem_alloc : memref<!tpu.dma_semaphore, #tpu.memory_space<semaphore_mem>>
        %dma_start3A_97 = arith.constant 0 : i32
        %dma_start3A_98 = arith.constant 0 : i32
        %dma_start3A_99 = tpu.memref_slice %arg9[%rem3A_83, %dma_start3A_97, %dma_start3A_98] : memref<2x400x64xf32, #tpu.memory_space<vmem>> -> memref<1x400x64xf32, #tpu.memory_space<vmem>>
        %dma_start3A_100 = tpu.memref_squeeze %dma_start3A_99 : memref<1x400x64xf32, #tpu.memory_space<vmem>> -> memref<400x64xf32, #tpu.memory_space<vmem>>
        %dma_start3A_101 = arith.constant 0 : i32
        %dma_start3A_102 = tpu.memref_slice %arg8[%scan3A_82, %dma_start3A_101] : memref<25x400xi32, #tpu.memory_space<vmem>> -> memref<1x400xi32, #tpu.memory_space<vmem>>
        %dma_start3A_103 = tpu.memref_squeeze %dma_start3A_102 : memref<1x400xi32, #tpu.memory_space<vmem>> -> memref<400xi32, #tpu.memory_space<vmem>>
        %dma_start3A_104 = arith.constant 0 : i32
        %dma_start3A_105 = arith.constant 0 : i32
        %dma_start3A_106 = tpu.memref_slice %arg11[%dma_start3A_104, %dma_start3A_105] : memref<10112x64xf32, #tpu.memory_space<vmem_shared>> -> memref<10112x64xf32, #tpu.memory_space<vmem_shared>>
        tpu.enqueue_indirect_dma source(%dma_start3A_100 : memref<400x64xf32, #tpu.memory_space<vmem>>) target(%dma_start3A_106 : memref<10112x64xf32, #tpu.memory_space<vmem_shared>>) offsets(%dma_start3A_103 : memref<400xi32, #tpu.memory_space<vmem>>) semaphore(%run_scoped3A : memref<!tpu.dma_semaphore, #tpu.memory_space<semaphore_mem>>) {add = true}
        %dma_wait3A_107 = arith.constant 0 : i32
        %dma_wait3A_108 = arith.constant 0 : i32
        %dma_wait3A_109 = tpu.memref_slice %arg9[%rem3A_83, %dma_wait3A_107, %dma_wait3A_108] : memref<2x400x64xf32, #tpu.memory_space<vmem>> -> memref<1x400x64xf32, #tpu.memory_space<vmem>>
        %dma_wait3A_110 = tpu.memref_squeeze %dma_wait3A_109 : memref<1x400x64xf32, #tpu.memory_space<vmem>> -> memref<400x64xf32, #tpu.memory_space<vmem>>
        %dma_wait3A_111 = arith.constant 0 : i32
        %dma_wait3A_112 = tpu.memref_slice %arg8[%scan3A_82, %dma_wait3A_111] : memref<25x400xi32, #tpu.memory_space<vmem>> -> memref<1x400xi32, #tpu.memory_space<vmem>>
        %dma_wait3A_113 = tpu.memref_squeeze %dma_wait3A_112 : memref<1x400xi32, #tpu.memory_space<vmem>> -> memref<400xi32, #tpu.memory_space<vmem>>
        %dma_wait3A_114 = arith.constant 0 : i32
        %dma_wait3A_115 = arith.constant 0 : i32
        %dma_wait3A_116 = tpu.memref_slice %arg11[%dma_wait3A_114, %dma_wait3A_115] : memref<10112x64xf32, #tpu.memory_space<vmem_shared>> -> memref<10112x64xf32, #tpu.memory_space<vmem_shared>>
        tpu.wait_indirect_dma semaphore(%run_scoped3A : memref<!tpu.dma_semaphore, #tpu.memory_space<semaphore_mem>>) src(%dma_wait3A_110 : memref<400x64xf32, #tpu.memory_space<vmem>>) dst(%dma_wait3A_116 : memref<10112x64xf32, #tpu.memory_space<vmem_shared>>)
        tpu.yield
      }) : () -> ()
    }
    %scan3A_48 = arith.constant 25 : i32
    %barrier3A_49 = arith.constant 0 : index
    tpu.barrier barrier_id(%barrier3A_49)
    %mul3A_50 = arith.constant 632 : i32
    %mul3A_51 = arith.muli %arg1, %mul3A_50 : i32
    %add3A_52 = arith.constant 0 : i32
    %add3A_53 = arith.addi %mul3A_51, %add3A_52 : i32
    "tpu.region"() ({
      %run_scoped3A = tpu.sem_alloc : memref<!tpu.dma_semaphore, #tpu.memory_space<semaphore_mem>>
      %dma_start3A_82 = arith.constant 0 : i32
      %dma_start3A_83 = tpu.memref_slice %arg11[%add3A_53, %dma_start3A_82] : memref<10112x64xf32, #tpu.memory_space<vmem_shared>> -> memref<158x64xf32, #tpu.memory_space<vmem_shared>>
      %dma_start3A_84 = arith.constant 0 : i32
      %dma_start3A_85 = tpu.memref_slice %arg11[%add3A_53, %dma_start3A_84] : memref<10112x64xf32, #tpu.memory_space<vmem_shared>> -> memref<158x64xf32, #tpu.memory_space<vmem_shared>>
      tpu.enqueue_dma source(%dma_start3A_85 : memref<158x64xf32, #tpu.memory_space<vmem_shared>>) target(%arg10 : memref<158x64xf32, #tpu.memory_space<vmem>>) target_semaphore(%run_scoped3A : memref<!tpu.dma_semaphore, #tpu.memory_space<semaphore_mem>>)
      %dma_wait3A = arith.constant 0 : i32
      %dma_wait3A_86 = tpu.memref_slice %arg11[%add3A_53, %dma_wait3A] : memref<10112x64xf32, #tpu.memory_space<vmem_shared>> -> memref<158x64xf32, #tpu.memory_space<vmem_shared>>
      %dma_wait3A_87 = arith.constant 0 : i32
      %dma_wait3A_88 = tpu.memref_slice %arg11[%add3A_53, %dma_wait3A_87] : memref<10112x64xf32, #tpu.memory_space<vmem_shared>> -> memref<158x64xf32, #tpu.memory_space<vmem_shared>>
      tpu.wait_dma2 semaphore(%run_scoped3A : memref<!tpu.dma_semaphore, #tpu.memory_space<semaphore_mem>>) src(%dma_wait3A_88 : memref<158x64xf32, #tpu.memory_space<vmem_shared>>) dst(%arg10 : memref<158x64xf32, #tpu.memory_space<vmem>>)
      tpu.yield
    }) : () -> ()
    %mul3A_54 = arith.constant 632 : i32
    %mul3A_55 = arith.muli %arg1, %mul3A_54 : i32
    %add3A_56 = arith.constant 0 : i32
    %add3A_57 = arith.addi %mul3A_55, %add3A_56 : i32
    "tpu.region"() ({
      %run_scoped3A = tpu.sem_alloc : memref<!tpu.dma_semaphore, #tpu.memory_space<semaphore_mem>>
      %dma_start3A_82 = arith.constant 0 : i32
      %dma_start3A_83 = arith.constant 0 : i32
      %dma_start3A_84 = tpu.memref_slice %arg6[%arg0, %dma_start3A_82, %dma_start3A_83] : memref<2x10112x64xf32, #tpu.memory_space<hbm>> -> memref<1x10112x64xf32, #tpu.memory_space<hbm>>
      %dma_start3A_85 = tpu.memref_squeeze %dma_start3A_84 : memref<1x10112x64xf32, #tpu.memory_space<hbm>> -> memref<10112x64xf32, #tpu.memory_space<hbm>>
      %dma_start3A_86 = arith.constant 0 : i32
      %dma_start3A_87 = tpu.memref_slice %dma_start3A_85[%add3A_57, %dma_start3A_86] : memref<10112x64xf32, #tpu.memory_space<hbm>> -> memref<158x64xf32, #tpu.memory_space<hbm>>
      %dma_start3A_88 = arith.constant 0 : i32
      %dma_start3A_89 = arith.constant 0 : i32
      %dma_start3A_90 = tpu.memref_slice %arg6[%arg0, %dma_start3A_88, %dma_start3A_89] : memref<2x10112x64xf32, #tpu.memory_space<hbm>> -> memref<1x10112x64xf32, #tpu.memory_space<hbm>>
      %dma_start3A_91 = tpu.memref_squeeze %dma_start3A_90 : memref<1x10112x64xf32, #tpu.memory_space<hbm>> -> memref<10112x64xf32, #tpu.memory_space<hbm>>
      %dma_start3A_92 = arith.constant 0 : i32
      %dma_start3A_93 = tpu.memref_slice %dma_start3A_91[%add3A_57, %dma_start3A_92] : memref<10112x64xf32, #tpu.memory_space<hbm>> -> memref<158x64xf32, #tpu.memory_space<hbm>>
      tpu.enqueue_dma source(%arg10 : memref<158x64xf32, #tpu.memory_space<vmem>>) target(%dma_start3A_93 : memref<158x64xf32, #tpu.memory_space<hbm>>) target_semaphore(%run_scoped3A : memref<!tpu.dma_semaphore, #tpu.memory_space<semaphore_mem>>)
      %dma_wait3A = arith.constant 0 : i32
      %dma_wait3A_94 = arith.constant 0 : i32
      %dma_wait3A_95 = tpu.memref_slice %arg6[%arg0, %dma_wait3A, %dma_wait3A_94] : memref<2x10112x64xf32, #tpu.memory_space<hbm>> -> memref<1x10112x64xf32, #tpu.memory_space<hbm>>
      %dma_wait3A_96 = tpu.memref_squeeze %dma_wait3A_95 : memref<1x10112x64xf32, #tpu.memory_space<hbm>> -> memref<10112x64xf32, #tpu.memory_space<hbm>>
      %dma_wait3A_97 = arith.constant 0 : i32
      %dma_wait3A_98 = tpu.memref_slice %dma_wait3A_96[%add3A_57, %dma_wait3A_97] : memref<10112x64xf32, #tpu.memory_space<hbm>> -> memref<158x64xf32, #tpu.memory_space<hbm>>
      %dma_wait3A_99 = arith.constant 0 : i32
      %dma_wait3A_100 = arith.constant 0 : i32
      %dma_wait3A_101 = tpu.memref_slice %arg6[%arg0, %dma_wait3A_99, %dma_wait3A_100] : memref<2x10112x64xf32, #tpu.memory_space<hbm>> -> memref<1x10112x64xf32, #tpu.memory_space<hbm>>
      %dma_wait3A_102 = tpu.memref_squeeze %dma_wait3A_101 : memref<1x10112x64xf32, #tpu.memory_space<hbm>> -> memref<10112x64xf32, #tpu.memory_space<hbm>>
      %dma_wait3A_103 = arith.constant 0 : i32
      %dma_wait3A_104 = tpu.memref_slice %dma_wait3A_102[%add3A_57, %dma_wait3A_103] : memref<10112x64xf32, #tpu.memory_space<hbm>> -> memref<158x64xf32, #tpu.memory_space<hbm>>
      tpu.wait_dma2 semaphore(%run_scoped3A : memref<!tpu.dma_semaphore, #tpu.memory_space<semaphore_mem>>) src(%arg10 : memref<158x64xf32, #tpu.memory_space<vmem>>) dst(%dma_wait3A_104 : memref<158x64xf32, #tpu.memory_space<hbm>>)
      tpu.yield
    }) : () -> ()
    %mul3A_58 = arith.constant 632 : i32
    %mul3A_59 = arith.muli %arg1, %mul3A_58 : i32
    %add3A_60 = arith.constant 158 : i32
    %add3A_61 = arith.addi %mul3A_59, %add3A_60 : i32
    "tpu.region"() ({
      %run_scoped3A = tpu.sem_alloc : memref<!tpu.dma_semaphore, #tpu.memory_space<semaphore_mem>>
      %dma_start3A_82 = arith.constant 0 : i32
      %dma_start3A_83 = tpu.memref_slice %arg11[%add3A_61, %dma_start3A_82] : memref<10112x64xf32, #tpu.memory_space<vmem_shared>> -> memref<158x64xf32, #tpu.memory_space<vmem_shared>>
      %dma_start3A_84 = arith.constant 0 : i32
      %dma_start3A_85 = tpu.memref_slice %arg11[%add3A_61, %dma_start3A_84] : memref<10112x64xf32, #tpu.memory_space<vmem_shared>> -> memref<158x64xf32, #tpu.memory_space<vmem_shared>>
      tpu.enqueue_dma source(%dma_start3A_85 : memref<158x64xf32, #tpu.memory_space<vmem_shared>>) target(%arg10 : memref<158x64xf32, #tpu.memory_space<vmem>>) target_semaphore(%run_scoped3A : memref<!tpu.dma_semaphore, #tpu.memory_space<semaphore_mem>>)
      %dma_wait3A = arith.constant 0 : i32
      %dma_wait3A_86 = tpu.memref_slice %arg11[%add3A_61, %dma_wait3A] : memref<10112x64xf32, #tpu.memory_space<vmem_shared>> -> memref<158x64xf32, #tpu.memory_space<vmem_shared>>
      %dma_wait3A_87 = arith.constant 0 : i32
      %dma_wait3A_88 = tpu.memref_slice %arg11[%add3A_61, %dma_wait3A_87] : memref<10112x64xf32, #tpu.memory_space<vmem_shared>> -> memref<158x64xf32, #tpu.memory_space<vmem_shared>>
      tpu.wait_dma2 semaphore(%run_scoped3A : memref<!tpu.dma_semaphore, #tpu.memory_space<semaphore_mem>>) src(%dma_wait3A_88 : memref<158x64xf32, #tpu.memory_space<vmem_shared>>) dst(%arg10 : memref<158x64xf32, #tpu.memory_space<vmem>>)
      tpu.yield
    }) : () -> ()
    %mul3A_62 = arith.constant 632 : i32
    %mul3A_63 = arith.muli %arg1, %mul3A_62 : i32
    %add3A_64 = arith.constant 158 : i32
    %add3A_65 = arith.addi %mul3A_63, %add3A_64 : i32
    "tpu.region"() ({
      %run_scoped3A = tpu.sem_alloc : memref<!tpu.dma_semaphore, #tpu.memory_space<semaphore_mem>>
      %dma_start3A_82 = arith.constant 0 : i32
      %dma_start3A_83 = arith.constant 0 : i32
      %dma_start3A_84 = tpu.memref_slice %arg6[%arg0, %dma_start3A_82, %dma_start3A_83] : memref<2x10112x64xf32, #tpu.memory_space<hbm>> -> memref<1x10112x64xf32, #tpu.memory_space<hbm>>
      %dma_start3A_85 = tpu.memref_squeeze %dma_start3A_84 : memref<1x10112x64xf32, #tpu.memory_space<hbm>> -> memref<10112x64xf32, #tpu.memory_space<hbm>>
      %dma_start3A_86 = arith.constant 0 : i32
      %dma_start3A_87 = tpu.memref_slice %dma_start3A_85[%add3A_65, %dma_start3A_86] : memref<10112x64xf32, #tpu.memory_space<hbm>> -> memref<158x64xf32, #tpu.memory_space<hbm>>
      %dma_start3A_88 = arith.constant 0 : i32
      %dma_start3A_89 = arith.constant 0 : i32
      %dma_start3A_90 = tpu.memref_slice %arg6[%arg0, %dma_start3A_88, %dma_start3A_89] : memref<2x10112x64xf32, #tpu.memory_space<hbm>> -> memref<1x10112x64xf32, #tpu.memory_space<hbm>>
      %dma_start3A_91 = tpu.memref_squeeze %dma_start3A_90 : memref<1x10112x64xf32, #tpu.memory_space<hbm>> -> memref<10112x64xf32, #tpu.memory_space<hbm>>
      %dma_start3A_92 = arith.constant 0 : i32
      %dma_start3A_93 = tpu.memref_slice %dma_start3A_91[%add3A_65, %dma_start3A_92] : memref<10112x64xf32, #tpu.memory_space<hbm>> -> memref<158x64xf32, #tpu.memory_space<hbm>>
      tpu.enqueue_dma source(%arg10 : memref<158x64xf32, #tpu.memory_space<vmem>>) target(%dma_start3A_93 : memref<158x64xf32, #tpu.memory_space<hbm>>) target_semaphore(%run_scoped3A : memref<!tpu.dma_semaphore, #tpu.memory_space<semaphore_mem>>)
      %dma_wait3A = arith.constant 0 : i32
      %dma_wait3A_94 = arith.constant 0 : i32
      %dma_wait3A_95 = tpu.memref_slice %arg6[%arg0, %dma_wait3A, %dma_wait3A_94] : memref<2x10112x64xf32, #tpu.memory_space<hbm>> -> memref<1x10112x64xf32, #tpu.memory_space<hbm>>
      %dma_wait3A_96 = tpu.memref_squeeze %dma_wait3A_95 : memref<1x10112x64xf32, #tpu.memory_space<hbm>> -> memref<10112x64xf32, #tpu.memory_space<hbm>>
      %dma_wait3A_97 = arith.constant 0 : i32
      %dma_wait3A_98 = tpu.memref_slice %dma_wait3A_96[%add3A_65, %dma_wait3A_97] : memref<10112x64xf32, #tpu.memory_space<hbm>> -> memref<158x64xf32, #tpu.memory_space<hbm>>
      %dma_wait3A_99 = arith.constant 0 : i32
      %dma_wait3A_100 = arith.constant 0 : i32
      %dma_wait3A_101 = tpu.memref_slice %arg6[%arg0, %dma_wait3A_99, %dma_wait3A_100] : memref<2x10112x64xf32, #tpu.memory_space<hbm>> -> memref<1x10112x64xf32, #tpu.memory_space<hbm>>
      %dma_wait3A_102 = tpu.memref_squeeze %dma_wait3A_101 : memref<1x10112x64xf32, #tpu.memory_space<hbm>> -> memref<10112x64xf32, #tpu.memory_space<hbm>>
      %dma_wait3A_103 = arith.constant 0 : i32
      %dma_wait3A_104 = tpu.memref_slice %dma_wait3A_102[%add3A_65, %dma_wait3A_103] : memref<10112x64xf32, #tpu.memory_space<hbm>> -> memref<158x64xf32, #tpu.memory_space<hbm>>
      tpu.wait_dma2 semaphore(%run_scoped3A : memref<!tpu.dma_semaphore, #tpu.memory_space<semaphore_mem>>) src(%arg10 : memref<158x64xf32, #tpu.memory_space<vmem>>) dst(%dma_wait3A_104 : memref<158x64xf32, #tpu.memory_space<hbm>>)
      tpu.yield
    }) : () -> ()
    %mul3A_66 = arith.constant 632 : i32
    %mul3A_67 = arith.muli %arg1, %mul3A_66 : i32
    %add3A_68 = arith.constant 316 : i32
    %add3A_69 = arith.addi %mul3A_67, %add3A_68 : i32
    "tpu.region"() ({
      %run_scoped3A = tpu.sem_alloc : memref<!tpu.dma_semaphore, #tpu.memory_space<semaphore_mem>>
      %dma_start3A_82 = arith.constant 0 : i32
      %dma_start3A_83 = tpu.memref_slice %arg11[%add3A_69, %dma_start3A_82] : memref<10112x64xf32, #tpu.memory_space<vmem_shared>> -> memref<158x64xf32, #tpu.memory_space<vmem_shared>>
      %dma_start3A_84 = arith.constant 0 : i32
      %dma_start3A_85 = tpu.memref_slice %arg11[%add3A_69, %dma_start3A_84] : memref<10112x64xf32, #tpu.memory_space<vmem_shared>> -> memref<158x64xf32, #tpu.memory_space<vmem_shared>>
      tpu.enqueue_dma source(%dma_start3A_85 : memref<158x64xf32, #tpu.memory_space<vmem_shared>>) target(%arg10 : memref<158x64xf32, #tpu.memory_space<vmem>>) target_semaphore(%run_scoped3A : memref<!tpu.dma_semaphore, #tpu.memory_space<semaphore_mem>>)
      %dma_wait3A = arith.constant 0 : i32
      %dma_wait3A_86 = tpu.memref_slice %arg11[%add3A_69, %dma_wait3A] : memref<10112x64xf32, #tpu.memory_space<vmem_shared>> -> memref<158x64xf32, #tpu.memory_space<vmem_shared>>
      %dma_wait3A_87 = arith.constant 0 : i32
      %dma_wait3A_88 = tpu.memref_slice %arg11[%add3A_69, %dma_wait3A_87] : memref<10112x64xf32, #tpu.memory_space<vmem_shared>> -> memref<158x64xf32, #tpu.memory_space<vmem_shared>>
      tpu.wait_dma2 semaphore(%run_scoped3A : memref<!tpu.dma_semaphore, #tpu.memory_space<semaphore_mem>>) src(%dma_wait3A_88 : memref<158x64xf32, #tpu.memory_space<vmem_shared>>) dst(%arg10 : memref<158x64xf32, #tpu.memory_space<vmem>>)
      tpu.yield
    }) : () -> ()
    %mul3A_70 = arith.constant 632 : i32
    %mul3A_71 = arith.muli %arg1, %mul3A_70 : i32
    %add3A_72 = arith.constant 316 : i32
    %add3A_73 = arith.addi %mul3A_71, %add3A_72 : i32
    "tpu.region"() ({
      %run_scoped3A = tpu.sem_alloc : memref<!tpu.dma_semaphore, #tpu.memory_space<semaphore_mem>>
      %dma_start3A_82 = arith.constant 0 : i32
      %dma_start3A_83 = arith.constant 0 : i32
      %dma_start3A_84 = tpu.memref_slice %arg6[%arg0, %dma_start3A_82, %dma_start3A_83] : memref<2x10112x64xf32, #tpu.memory_space<hbm>> -> memref<1x10112x64xf32, #tpu.memory_space<hbm>>
      %dma_start3A_85 = tpu.memref_squeeze %dma_start3A_84 : memref<1x10112x64xf32, #tpu.memory_space<hbm>> -> memref<10112x64xf32, #tpu.memory_space<hbm>>
      %dma_start3A_86 = arith.constant 0 : i32
      %dma_start3A_87 = tpu.memref_slice %dma_start3A_85[%add3A_73, %dma_start3A_86] : memref<10112x64xf32, #tpu.memory_space<hbm>> -> memref<158x64xf32, #tpu.memory_space<hbm>>
      %dma_start3A_88 = arith.constant 0 : i32
      %dma_start3A_89 = arith.constant 0 : i32
      %dma_start3A_90 = tpu.memref_slice %arg6[%arg0, %dma_start3A_88, %dma_start3A_89] : memref<2x10112x64xf32, #tpu.memory_space<hbm>> -> memref<1x10112x64xf32, #tpu.memory_space<hbm>>
      %dma_start3A_91 = tpu.memref_squeeze %dma_start3A_90 : memref<1x10112x64xf32, #tpu.memory_space<hbm>> -> memref<10112x64xf32, #tpu.memory_space<hbm>>
      %dma_start3A_92 = arith.constant 0 : i32
      %dma_start3A_93 = tpu.memref_slice %dma_start3A_91[%add3A_73, %dma_start3A_92] : memref<10112x64xf32, #tpu.memory_space<hbm>> -> memref<158x64xf32, #tpu.memory_space<hbm>>
      tpu.enqueue_dma source(%arg10 : memref<158x64xf32, #tpu.memory_space<vmem>>) target(%dma_start3A_93 : memref<158x64xf32, #tpu.memory_space<hbm>>) target_semaphore(%run_scoped3A : memref<!tpu.dma_semaphore, #tpu.memory_space<semaphore_mem>>)
      %dma_wait3A = arith.constant 0 : i32
      %dma_wait3A_94 = arith.constant 0 : i32
      %dma_wait3A_95 = tpu.memref_slice %arg6[%arg0, %dma_wait3A, %dma_wait3A_94] : memref<2x10112x64xf32, #tpu.memory_space<hbm>> -> memref<1x10112x64xf32, #tpu.memory_space<hbm>>
      %dma_wait3A_96 = tpu.memref_squeeze %dma_wait3A_95 : memref<1x10112x64xf32, #tpu.memory_space<hbm>> -> memref<10112x64xf32, #tpu.memory_space<hbm>>
      %dma_wait3A_97 = arith.constant 0 : i32
      %dma_wait3A_98 = tpu.memref_slice %dma_wait3A_96[%add3A_73, %dma_wait3A_97] : memref<10112x64xf32, #tpu.memory_space<hbm>> -> memref<158x64xf32, #tpu.memory_space<hbm>>
      %dma_wait3A_99 = arith.constant 0 : i32
      %dma_wait3A_100 = arith.constant 0 : i32
      %dma_wait3A_101 = tpu.memref_slice %arg6[%arg0, %dma_wait3A_99, %dma_wait3A_100] : memref<2x10112x64xf32, #tpu.memory_space<hbm>> -> memref<1x10112x64xf32, #tpu.memory_space<hbm>>
      %dma_wait3A_102 = tpu.memref_squeeze %dma_wait3A_101 : memref<1x10112x64xf32, #tpu.memory_space<hbm>> -> memref<10112x64xf32, #tpu.memory_space<hbm>>
      %dma_wait3A_103 = arith.constant 0 : i32
      %dma_wait3A_104 = tpu.memref_slice %dma_wait3A_102[%add3A_73, %dma_wait3A_103] : memref<10112x64xf32, #tpu.memory_space<hbm>> -> memref<158x64xf32, #tpu.memory_space<hbm>>
      tpu.wait_dma2 semaphore(%run_scoped3A : memref<!tpu.dma_semaphore, #tpu.memory_space<semaphore_mem>>) src(%arg10 : memref<158x64xf32, #tpu.memory_space<vmem>>) dst(%dma_wait3A_104 : memref<158x64xf32, #tpu.memory_space<hbm>>)
      tpu.yield
    }) : () -> ()
    %mul3A_74 = arith.constant 632 : i32
    %mul3A_75 = arith.muli %arg1, %mul3A_74 : i32
    %add3A_76 = arith.constant 474 : i32
    %add3A_77 = arith.addi %mul3A_75, %add3A_76 : i32
    "tpu.region"() ({
      %run_scoped3A = tpu.sem_alloc : memref<!tpu.dma_semaphore, #tpu.memory_space<semaphore_mem>>
      %dma_start3A_82 = arith.constant 0 : i32
      %dma_start3A_83 = tpu.memref_slice %arg11[%add3A_77, %dma_start3A_82] : memref<10112x64xf32, #tpu.memory_space<vmem_shared>> -> memref<158x64xf32, #tpu.memory_space<vmem_shared>>
      %dma_start3A_84 = arith.constant 0 : i32
      %dma_start3A_85 = tpu.memref_slice %arg11[%add3A_77, %dma_start3A_84] : memref<10112x64xf32, #tpu.memory_space<vmem_shared>> -> memref<158x64xf32, #tpu.memory_space<vmem_shared>>
      tpu.enqueue_dma source(%dma_start3A_85 : memref<158x64xf32, #tpu.memory_space<vmem_shared>>) target(%arg10 : memref<158x64xf32, #tpu.memory_space<vmem>>) target_semaphore(%run_scoped3A : memref<!tpu.dma_semaphore, #tpu.memory_space<semaphore_mem>>)
      %dma_wait3A = arith.constant 0 : i32
      %dma_wait3A_86 = tpu.memref_slice %arg11[%add3A_77, %dma_wait3A] : memref<10112x64xf32, #tpu.memory_space<vmem_shared>> -> memref<158x64xf32, #tpu.memory_space<vmem_shared>>
      %dma_wait3A_87 = arith.constant 0 : i32
      %dma_wait3A_88 = tpu.memref_slice %arg11[%add3A_77, %dma_wait3A_87] : memref<10112x64xf32, #tpu.memory_space<vmem_shared>> -> memref<158x64xf32, #tpu.memory_space<vmem_shared>>
      tpu.wait_dma2 semaphore(%run_scoped3A : memref<!tpu.dma_semaphore, #tpu.memory_space<semaphore_mem>>) src(%dma_wait3A_88 : memref<158x64xf32, #tpu.memory_space<vmem_shared>>) dst(%arg10 : memref<158x64xf32, #tpu.memory_space<vmem>>)
      tpu.yield
    }) : () -> ()
    %mul3A_78 = arith.constant 632 : i32
    %mul3A_79 = arith.muli %arg1, %mul3A_78 : i32
    %add3A_80 = arith.constant 474 : i32
    %add3A_81 = arith.addi %mul3A_79, %add3A_80 : i32
    "tpu.region"() ({
      %run_scoped3A = tpu.sem_alloc : memref<!tpu.dma_semaphore, #tpu.memory_space<semaphore_mem>>
      %dma_start3A_82 = arith.constant 0 : i32
      %dma_start3A_83 = arith.constant 0 : i32
      %dma_start3A_84 = tpu.memref_slice %arg6[%arg0, %dma_start3A_82, %dma_start3A_83] : memref<2x10112x64xf32, #tpu.memory_space<hbm>> -> memref<1x10112x64xf32, #tpu.memory_space<hbm>>
      %dma_start3A_85 = tpu.memref_squeeze %dma_start3A_84 : memref<1x10112x64xf32, #tpu.memory_space<hbm>> -> memref<10112x64xf32, #tpu.memory_space<hbm>>
      %dma_start3A_86 = arith.constant 0 : i32
      %dma_start3A_87 = tpu.memref_slice %dma_start3A_85[%add3A_81, %dma_start3A_86] : memref<10112x64xf32, #tpu.memory_space<hbm>> -> memref<158x64xf32, #tpu.memory_space<hbm>>
      %dma_start3A_88 = arith.constant 0 : i32
      %dma_start3A_89 = arith.constant 0 : i32
      %dma_start3A_90 = tpu.memref_slice %arg6[%arg0, %dma_start3A_88, %dma_start3A_89] : memref<2x10112x64xf32, #tpu.memory_space<hbm>> -> memref<1x10112x64xf32, #tpu.memory_space<hbm>>
      %dma_start3A_91 = tpu.memref_squeeze %dma_start3A_90 : memref<1x10112x64xf32, #tpu.memory_space<hbm>> -> memref<10112x64xf32, #tpu.memory_space<hbm>>
      %dma_start3A_92 = arith.constant 0 : i32
      %dma_start3A_93 = tpu.memref_slice %dma_start3A_91[%add3A_81, %dma_start3A_92] : memref<10112x64xf32, #tpu.memory_space<hbm>> -> memref<158x64xf32, #tpu.memory_space<hbm>>
      tpu.enqueue_dma source(%arg10 : memref<158x64xf32, #tpu.memory_space<vmem>>) target(%dma_start3A_93 : memref<158x64xf32, #tpu.memory_space<hbm>>) target_semaphore(%run_scoped3A : memref<!tpu.dma_semaphore, #tpu.memory_space<semaphore_mem>>)
      %dma_wait3A = arith.constant 0 : i32
      %dma_wait3A_94 = arith.constant 0 : i32
      %dma_wait3A_95 = tpu.memref_slice %arg6[%arg0, %dma_wait3A, %dma_wait3A_94] : memref<2x10112x64xf32, #tpu.memory_space<hbm>> -> memref<1x10112x64xf32, #tpu.memory_space<hbm>>
      %dma_wait3A_96 = tpu.memref_squeeze %dma_wait3A_95 : memref<1x10112x64xf32, #tpu.memory_space<hbm>> -> memref<10112x64xf32, #tpu.memory_space<hbm>>
      %dma_wait3A_97 = arith.constant 0 : i32
      %dma_wait3A_98 = tpu.memref_slice %dma_wait3A_96[%add3A_81, %dma_wait3A_97] : memref<10112x64xf32, #tpu.memory_space<hbm>> -> memref<158x64xf32, #tpu.memory_space<hbm>>
      %dma_wait3A_99 = arith.constant 0 : i32
      %dma_wait3A_100 = arith.constant 0 : i32
      %dma_wait3A_101 = tpu.memref_slice %arg6[%arg0, %dma_wait3A_99, %dma_wait3A_100] : memref<2x10112x64xf32, #tpu.memory_space<hbm>> -> memref<1x10112x64xf32, #tpu.memory_space<hbm>>
      %dma_wait3A_102 = tpu.memref_squeeze %dma_wait3A_101 : memref<1x10112x64xf32, #tpu.memory_space<hbm>> -> memref<10112x64xf32, #tpu.memory_space<hbm>>
      %dma_wait3A_103 = arith.constant 0 : i32
      %dma_wait3A_104 = tpu.memref_slice %dma_wait3A_102[%add3A_81, %dma_wait3A_103] : memref<10112x64xf32, #tpu.memory_space<hbm>> -> memref<158x64xf32, #tpu.memory_space<hbm>>
      tpu.wait_dma2 semaphore(%run_scoped3A : memref<!tpu.dma_semaphore, #tpu.memory_space<semaphore_mem>>) src(%arg10 : memref<158x64xf32, #tpu.memory_space<vmem>>) dst(%dma_wait3A_104 : memref<158x64xf32, #tpu.memory_space<hbm>>)
      tpu.yield
    }) : () -> ()
    return
  }
}

#map = affine_map<(d0, d1) -> (0, 0, 0)>
#map1 = affine_map<(d0, d1) -> (0, 0)>
module attributes {stable_mosaic.version = 14 : i64} {
  func.func @_sc_hop_body(%arg0: i32, %arg1: i32, %arg2: memref<32x25x400xi32, #tpu.memory_space<hbm>>, %arg3: memref<32x25x400xi32, #tpu.memory_space<hbm>>, %arg4: memref<10112x64xf32, #tpu.memory_space<hbm>>, %arg5: memref<10112x64xf32, #tpu.memory_space<hbm>>, %arg6: memref<2x10112x64xf32, #tpu.memory_space<hbm>>, %arg7: memref<25x400xi32, #tpu.memory_space<vmem>>, %arg8: memref<25x400xi32, #tpu.memory_space<vmem>>, %arg9: memref<2x400x64xf32, #tpu.memory_space<vmem>>, %arg10: memref<158x64xf32, #tpu.memory_space<vmem>>, %arg11: memref<10112x64xf32, #tpu.memory_space<vmem_shared>>, %arg12: memref<!tpu.dma_semaphore, #tpu.memory_space<semaphore_mem>>) attributes {dimension_semantics = [#tpu.dimension_semantics<core_parallel>, #tpu.dimension_semantics<subcore_parallel>], iteration_bounds = array<i64: 2, 16>, scalar_prefetch = 0 : i64, scratch_operands = 6 : i64, tpu.core_type = #tpu.core_type<sc_vector_subcore>, window_params = [{transform_indices = #map}, {transform_indices = #map}, {transform_indices = #map1}, {transform_indices = #map1}, {transform_indices = #map}]} {
    %mul3A = arith.constant 16 : i32
    %mul3A_0 = arith.muli %arg0, %mul3A : i32
    %add3A = arith.addi %mul3A_0, %arg1 : i32
    "tpu.region"() ({
      %run_scoped3A = tpu.sem_alloc : memref<!tpu.dma_semaphore, #tpu.memory_space<semaphore_mem>>
      %dma_start3A_82 = arith.constant 0 : i32
      %dma_start3A_83 = arith.constant 0 : i32
      %dma_start3A_84 = tpu.memref_slice %arg2[%add3A, %dma_start3A_82, %dma_start3A_83] : memref<32x25x400xi32, #tpu.memory_space<hbm>> -> memref<1x25x400xi32, #tpu.memory_space<hbm>>
      %dma_start3A_85 = tpu.memref_squeeze %dma_start3A_84 : memref<1x25x400xi32, #tpu.memory_space<hbm>> -> memref<25x400xi32, #tpu.memory_space<hbm>>
      %dma_start3A_86 = arith.constant 0 : i32
      %dma_start3A_87 = arith.constant 0 : i32
      %dma_start3A_88 = tpu.memref_slice %arg2[%add3A, %dma_start3A_86, %dma_start3A_87] : memref<32x25x400xi32, #tpu.memory_space<hbm>> -> memref<1x25x400xi32, #tpu.memory_space<hbm>>
      %dma_start3A_89 = tpu.memref_squeeze %dma_start3A_88 : memref<1x25x400xi32, #tpu.memory_space<hbm>> -> memref<25x400xi32, #tpu.memory_space<hbm>>
      tpu.enqueue_dma source(%dma_start3A_89 : memref<25x400xi32, #tpu.memory_space<hbm>>) target(%arg7 : memref<25x400xi32, #tpu.memory_space<vmem>>) target_semaphore(%run_scoped3A : memref<!tpu.dma_semaphore, #tpu.memory_space<semaphore_mem>>)
      %dma_wait3A = arith.constant 0 : i32
      %dma_wait3A_90 = arith.constant 0 : i32
      %dma_wait3A_91 = tpu.memref_slice %arg2[%add3A, %dma_wait3A, %dma_wait3A_90] : memref<32x25x400xi32, #tpu.memory_space<hbm>> -> memref<1x25x400xi32, #tpu.memory_space<hbm>>
      %dma_wait3A_92 = tpu.memref_squeeze %dma_wait3A_91 : memref<1x25x400xi32, #tpu.memory_space<hbm>> -> memref<25x400xi32, #tpu.memory_space<hbm>>
      %dma_wait3A_93 = arith.constant 0 : i32
      %dma_wait3A_94 = arith.constant 0 : i32
      %dma_wait3A_95 = tpu.memref_slice %arg2[%add3A, %dma_wait3A_93, %dma_wait3A_94] : memref<32x25x400xi32, #tpu.memory_space<hbm>> -> memref<1x25x400xi32, #tpu.memory_space<hbm>>
      %dma_wait3A_96 = tpu.memref_squeeze %dma_wait3A_95 : memref<1x25x400xi32, #tpu.memory_space<hbm>> -> memref<25x400xi32, #tpu.memory_space<hbm>>
      tpu.wait_dma2 semaphore(%run_scoped3A : memref<!tpu.dma_semaphore, #tpu.memory_space<semaphore_mem>>) src(%dma_wait3A_96 : memref<25x400xi32, #tpu.memory_space<hbm>>) dst(%arg7 : memref<25x400xi32, #tpu.memory_space<vmem>>)
      tpu.yield
    }) : () -> ()
    %dma_start3A = arith.constant 0 : i32
    %dma_start3A_1 = arith.constant 0 : i32
    %dma_start3A_2 = arith.constant 0 : i32
    %dma_start3A_3 = arith.constant 0 : i32
    %dma_start3A_4 = tpu.memref_slice %arg9[%dma_start3A_1, %dma_start3A_2, %dma_start3A_3] : memref<2x400x64xf32, #tpu.memory_space<vmem>> -> memref<1x400x64xf32, #tpu.memory_space<vmem>>
    %dma_start3A_5 = tpu.memref_squeeze %dma_start3A_4 : memref<1x400x64xf32, #tpu.memory_space<vmem>> -> memref<400x64xf32, #tpu.memory_space<vmem>>
    %dma_start3A_6 = arith.constant 0 : i32
    %dma_start3A_7 = tpu.memref_slice %arg7[%dma_start3A, %dma_start3A_6] : memref<25x400xi32, #tpu.memory_space<vmem>> -> memref<1x400xi32, #tpu.memory_space<vmem>>
    %dma_start3A_8 = tpu.memref_squeeze %dma_start3A_7 : memref<1x400xi32, #tpu.memory_space<vmem>> -> memref<400xi32, #tpu.memory_space<vmem>>
    %dma_start3A_9 = arith.constant 0 : i32
    %dma_start3A_10 = arith.constant 0 : i32
    %dma_start3A_11 = tpu.memref_slice %arg4[%dma_start3A_9, %dma_start3A_10] : memref<10112x64xf32, #tpu.memory_space<hbm>> -> memref<10112x64xf32, #tpu.memory_space<hbm>>
    tpu.enqueue_indirect_dma source(%dma_start3A_11 : memref<10112x64xf32, #tpu.memory_space<hbm>>) target(%dma_start3A_5 : memref<400x64xf32, #tpu.memory_space<vmem>>) offsets(%dma_start3A_8 : memref<400xi32, #tpu.memory_space<vmem>>) semaphore(%arg12 : memref<!tpu.dma_semaphore, #tpu.memory_space<semaphore_mem>>)
    "tpu.region"() ({
      %run_scoped3A = tpu.sem_alloc : memref<!tpu.dma_semaphore, #tpu.memory_space<semaphore_mem>>
      %dma_start3A_82 = arith.constant 0 : i32
      %dma_start3A_83 = arith.constant 0 : i32
      %dma_start3A_84 = tpu.memref_slice %arg3[%add3A, %dma_start3A_82, %dma_start3A_83] : memref<32x25x400xi32, #tpu.memory_space<hbm>> -> memref<1x25x400xi32, #tpu.memory_space<hbm>>
      %dma_start3A_85 = tpu.memref_squeeze %dma_start3A_84 : memref<1x25x400xi32, #tpu.memory_space<hbm>> -> memref<25x400xi32, #tpu.memory_space<hbm>>
      %dma_start3A_86 = arith.constant 0 : i32
      %dma_start3A_87 = arith.constant 0 : i32
      %dma_start3A_88 = tpu.memref_slice %arg3[%add3A, %dma_start3A_86, %dma_start3A_87] : memref<32x25x400xi32, #tpu.memory_space<hbm>> -> memref<1x25x400xi32, #tpu.memory_space<hbm>>
      %dma_start3A_89 = tpu.memref_squeeze %dma_start3A_88 : memref<1x25x400xi32, #tpu.memory_space<hbm>> -> memref<25x400xi32, #tpu.memory_space<hbm>>
      tpu.enqueue_dma source(%dma_start3A_89 : memref<25x400xi32, #tpu.memory_space<hbm>>) target(%arg8 : memref<25x400xi32, #tpu.memory_space<vmem>>) target_semaphore(%run_scoped3A : memref<!tpu.dma_semaphore, #tpu.memory_space<semaphore_mem>>)
      %dma_wait3A = arith.constant 0 : i32
      %dma_wait3A_90 = arith.constant 0 : i32
      %dma_wait3A_91 = tpu.memref_slice %arg3[%add3A, %dma_wait3A, %dma_wait3A_90] : memref<32x25x400xi32, #tpu.memory_space<hbm>> -> memref<1x25x400xi32, #tpu.memory_space<hbm>>
      %dma_wait3A_92 = tpu.memref_squeeze %dma_wait3A_91 : memref<1x25x400xi32, #tpu.memory_space<hbm>> -> memref<25x400xi32, #tpu.memory_space<hbm>>
      %dma_wait3A_93 = arith.constant 0 : i32
      %dma_wait3A_94 = arith.constant 0 : i32
      %dma_wait3A_95 = tpu.memref_slice %arg3[%add3A, %dma_wait3A_93, %dma_wait3A_94] : memref<32x25x400xi32, #tpu.memory_space<hbm>> -> memref<1x25x400xi32, #tpu.memory_space<hbm>>
      %dma_wait3A_96 = tpu.memref_squeeze %dma_wait3A_95 : memref<1x25x400xi32, #tpu.memory_space<hbm>> -> memref<25x400xi32, #tpu.memory_space<hbm>>
      tpu.wait_dma2 semaphore(%run_scoped3A : memref<!tpu.dma_semaphore, #tpu.memory_space<semaphore_mem>>) src(%dma_wait3A_96 : memref<25x400xi32, #tpu.memory_space<hbm>>) dst(%arg8 : memref<25x400xi32, #tpu.memory_space<vmem>>)
      tpu.yield
    }) : () -> ()
    %mul3A_12 = arith.constant 632 : i32
    %mul3A_13 = arith.muli %arg1, %mul3A_12 : i32
    %add3A_14 = arith.constant 0 : i32
    %add3A_15 = arith.addi %mul3A_13, %add3A_14 : i32
    "tpu.region"() ({
      %run_scoped3A = tpu.sem_alloc : memref<!tpu.dma_semaphore, #tpu.memory_space<semaphore_mem>>
      %dma_start3A_82 = arith.constant 0 : i32
      %dma_start3A_83 = tpu.memref_slice %arg5[%add3A_15, %dma_start3A_82] : memref<10112x64xf32, #tpu.memory_space<hbm>> -> memref<158x64xf32, #tpu.memory_space<hbm>>
      %dma_start3A_84 = arith.constant 0 : i32
      %dma_start3A_85 = tpu.memref_slice %arg5[%add3A_15, %dma_start3A_84] : memref<10112x64xf32, #tpu.memory_space<hbm>> -> memref<158x64xf32, #tpu.memory_space<hbm>>
      tpu.enqueue_dma source(%dma_start3A_85 : memref<158x64xf32, #tpu.memory_space<hbm>>) target(%arg10 : memref<158x64xf32, #tpu.memory_space<vmem>>) target_semaphore(%run_scoped3A : memref<!tpu.dma_semaphore, #tpu.memory_space<semaphore_mem>>)
      %dma_wait3A = arith.constant 0 : i32
      %dma_wait3A_86 = tpu.memref_slice %arg5[%add3A_15, %dma_wait3A] : memref<10112x64xf32, #tpu.memory_space<hbm>> -> memref<158x64xf32, #tpu.memory_space<hbm>>
      %dma_wait3A_87 = arith.constant 0 : i32
      %dma_wait3A_88 = tpu.memref_slice %arg5[%add3A_15, %dma_wait3A_87] : memref<10112x64xf32, #tpu.memory_space<hbm>> -> memref<158x64xf32, #tpu.memory_space<hbm>>
      tpu.wait_dma2 semaphore(%run_scoped3A : memref<!tpu.dma_semaphore, #tpu.memory_space<semaphore_mem>>) src(%dma_wait3A_88 : memref<158x64xf32, #tpu.memory_space<hbm>>) dst(%arg10 : memref<158x64xf32, #tpu.memory_space<vmem>>)
      tpu.yield
    }) : () -> ()
    %mul3A_16 = arith.constant 632 : i32
    %mul3A_17 = arith.muli %arg1, %mul3A_16 : i32
    %add3A_18 = arith.constant 0 : i32
    %add3A_19 = arith.addi %mul3A_17, %add3A_18 : i32
    "tpu.region"() ({
      %run_scoped3A = tpu.sem_alloc : memref<!tpu.dma_semaphore, #tpu.memory_space<semaphore_mem>>
      %dma_start3A_82 = arith.constant 0 : i32
      %dma_start3A_83 = tpu.memref_slice %arg11[%add3A_19, %dma_start3A_82] : memref<10112x64xf32, #tpu.memory_space<vmem_shared>> -> memref<158x64xf32, #tpu.memory_space<vmem_shared>>
      %dma_start3A_84 = arith.constant 0 : i32
      %dma_start3A_85 = tpu.memref_slice %arg11[%add3A_19, %dma_start3A_84] : memref<10112x64xf32, #tpu.memory_space<vmem_shared>> -> memref<158x64xf32, #tpu.memory_space<vmem_shared>>
      tpu.enqueue_dma source(%arg10 : memref<158x64xf32, #tpu.memory_space<vmem>>) target(%dma_start3A_85 : memref<158x64xf32, #tpu.memory_space<vmem_shared>>) target_semaphore(%run_scoped3A : memref<!tpu.dma_semaphore, #tpu.memory_space<semaphore_mem>>)
      %dma_wait3A = arith.constant 0 : i32
      %dma_wait3A_86 = tpu.memref_slice %arg11[%add3A_19, %dma_wait3A] : memref<10112x64xf32, #tpu.memory_space<vmem_shared>> -> memref<158x64xf32, #tpu.memory_space<vmem_shared>>
      %dma_wait3A_87 = arith.constant 0 : i32
      %dma_wait3A_88 = tpu.memref_slice %arg11[%add3A_19, %dma_wait3A_87] : memref<10112x64xf32, #tpu.memory_space<vmem_shared>> -> memref<158x64xf32, #tpu.memory_space<vmem_shared>>
      tpu.wait_dma2 semaphore(%run_scoped3A : memref<!tpu.dma_semaphore, #tpu.memory_space<semaphore_mem>>) src(%arg10 : memref<158x64xf32, #tpu.memory_space<vmem>>) dst(%dma_wait3A_88 : memref<158x64xf32, #tpu.memory_space<vmem_shared>>)
      tpu.yield
    }) : () -> ()
    %mul3A_20 = arith.constant 632 : i32
    %mul3A_21 = arith.muli %arg1, %mul3A_20 : i32
    %add3A_22 = arith.constant 158 : i32
    %add3A_23 = arith.addi %mul3A_21, %add3A_22 : i32
    "tpu.region"() ({
      %run_scoped3A = tpu.sem_alloc : memref<!tpu.dma_semaphore, #tpu.memory_space<semaphore_mem>>
      %dma_start3A_82 = arith.constant 0 : i32
      %dma_start3A_83 = tpu.memref_slice %arg5[%add3A_23, %dma_start3A_82] : memref<10112x64xf32, #tpu.memory_space<hbm>> -> memref<158x64xf32, #tpu.memory_space<hbm>>
      %dma_start3A_84 = arith.constant 0 : i32
      %dma_start3A_85 = tpu.memref_slice %arg5[%add3A_23, %dma_start3A_84] : memref<10112x64xf32, #tpu.memory_space<hbm>> -> memref<158x64xf32, #tpu.memory_space<hbm>>
      tpu.enqueue_dma source(%dma_start3A_85 : memref<158x64xf32, #tpu.memory_space<hbm>>) target(%arg10 : memref<158x64xf32, #tpu.memory_space<vmem>>) target_semaphore(%run_scoped3A : memref<!tpu.dma_semaphore, #tpu.memory_space<semaphore_mem>>)
      %dma_wait3A = arith.constant 0 : i32
      %dma_wait3A_86 = tpu.memref_slice %arg5[%add3A_23, %dma_wait3A] : memref<10112x64xf32, #tpu.memory_space<hbm>> -> memref<158x64xf32, #tpu.memory_space<hbm>>
      %dma_wait3A_87 = arith.constant 0 : i32
      %dma_wait3A_88 = tpu.memref_slice %arg5[%add3A_23, %dma_wait3A_87] : memref<10112x64xf32, #tpu.memory_space<hbm>> -> memref<158x64xf32, #tpu.memory_space<hbm>>
      tpu.wait_dma2 semaphore(%run_scoped3A : memref<!tpu.dma_semaphore, #tpu.memory_space<semaphore_mem>>) src(%dma_wait3A_88 : memref<158x64xf32, #tpu.memory_space<hbm>>) dst(%arg10 : memref<158x64xf32, #tpu.memory_space<vmem>>)
      tpu.yield
    }) : () -> ()
    %mul3A_24 = arith.constant 632 : i32
    %mul3A_25 = arith.muli %arg1, %mul3A_24 : i32
    %add3A_26 = arith.constant 158 : i32
    %add3A_27 = arith.addi %mul3A_25, %add3A_26 : i32
    "tpu.region"() ({
      %run_scoped3A = tpu.sem_alloc : memref<!tpu.dma_semaphore, #tpu.memory_space<semaphore_mem>>
      %dma_start3A_82 = arith.constant 0 : i32
      %dma_start3A_83 = tpu.memref_slice %arg11[%add3A_27, %dma_start3A_82] : memref<10112x64xf32, #tpu.memory_space<vmem_shared>> -> memref<158x64xf32, #tpu.memory_space<vmem_shared>>
      %dma_start3A_84 = arith.constant 0 : i32
      %dma_start3A_85 = tpu.memref_slice %arg11[%add3A_27, %dma_start3A_84] : memref<10112x64xf32, #tpu.memory_space<vmem_shared>> -> memref<158x64xf32, #tpu.memory_space<vmem_shared>>
      tpu.enqueue_dma source(%arg10 : memref<158x64xf32, #tpu.memory_space<vmem>>) target(%dma_start3A_85 : memref<158x64xf32, #tpu.memory_space<vmem_shared>>) target_semaphore(%run_scoped3A : memref<!tpu.dma_semaphore, #tpu.memory_space<semaphore_mem>>)
      %dma_wait3A = arith.constant 0 : i32
      %dma_wait3A_86 = tpu.memref_slice %arg11[%add3A_27, %dma_wait3A] : memref<10112x64xf32, #tpu.memory_space<vmem_shared>> -> memref<158x64xf32, #tpu.memory_space<vmem_shared>>
      %dma_wait3A_87 = arith.constant 0 : i32
      %dma_wait3A_88 = tpu.memref_slice %arg11[%add3A_27, %dma_wait3A_87] : memref<10112x64xf32, #tpu.memory_space<vmem_shared>> -> memref<158x64xf32, #tpu.memory_space<vmem_shared>>
      tpu.wait_dma2 semaphore(%run_scoped3A : memref<!tpu.dma_semaphore, #tpu.memory_space<semaphore_mem>>) src(%arg10 : memref<158x64xf32, #tpu.memory_space<vmem>>) dst(%dma_wait3A_88 : memref<158x64xf32, #tpu.memory_space<vmem_shared>>)
      tpu.yield
    }) : () -> ()
    %mul3A_28 = arith.constant 632 : i32
    %mul3A_29 = arith.muli %arg1, %mul3A_28 : i32
    %add3A_30 = arith.constant 316 : i32
    %add3A_31 = arith.addi %mul3A_29, %add3A_30 : i32
    "tpu.region"() ({
      %run_scoped3A = tpu.sem_alloc : memref<!tpu.dma_semaphore, #tpu.memory_space<semaphore_mem>>
      %dma_start3A_82 = arith.constant 0 : i32
      %dma_start3A_83 = tpu.memref_slice %arg5[%add3A_31, %dma_start3A_82] : memref<10112x64xf32, #tpu.memory_space<hbm>> -> memref<158x64xf32, #tpu.memory_space<hbm>>
      %dma_start3A_84 = arith.constant 0 : i32
      %dma_start3A_85 = tpu.memref_slice %arg5[%add3A_31, %dma_start3A_84] : memref<10112x64xf32, #tpu.memory_space<hbm>> -> memref<158x64xf32, #tpu.memory_space<hbm>>
      tpu.enqueue_dma source(%dma_start3A_85 : memref<158x64xf32, #tpu.memory_space<hbm>>) target(%arg10 : memref<158x64xf32, #tpu.memory_space<vmem>>) target_semaphore(%run_scoped3A : memref<!tpu.dma_semaphore, #tpu.memory_space<semaphore_mem>>)
      %dma_wait3A = arith.constant 0 : i32
      %dma_wait3A_86 = tpu.memref_slice %arg5[%add3A_31, %dma_wait3A] : memref<10112x64xf32, #tpu.memory_space<hbm>> -> memref<158x64xf32, #tpu.memory_space<hbm>>
      %dma_wait3A_87 = arith.constant 0 : i32
      %dma_wait3A_88 = tpu.memref_slice %arg5[%add3A_31, %dma_wait3A_87] : memref<10112x64xf32, #tpu.memory_space<hbm>> -> memref<158x64xf32, #tpu.memory_space<hbm>>
      tpu.wait_dma2 semaphore(%run_scoped3A : memref<!tpu.dma_semaphore, #tpu.memory_space<semaphore_mem>>) src(%dma_wait3A_88 : memref<158x64xf32, #tpu.memory_space<hbm>>) dst(%arg10 : memref<158x64xf32, #tpu.memory_space<vmem>>)
      tpu.yield
    }) : () -> ()
    %mul3A_32 = arith.constant 632 : i32
    %mul3A_33 = arith.muli %arg1, %mul3A_32 : i32
    %add3A_34 = arith.constant 316 : i32
    %add3A_35 = arith.addi %mul3A_33, %add3A_34 : i32
    "tpu.region"() ({
      %run_scoped3A = tpu.sem_alloc : memref<!tpu.dma_semaphore, #tpu.memory_space<semaphore_mem>>
      %dma_start3A_82 = arith.constant 0 : i32
      %dma_start3A_83 = tpu.memref_slice %arg11[%add3A_35, %dma_start3A_82] : memref<10112x64xf32, #tpu.memory_space<vmem_shared>> -> memref<158x64xf32, #tpu.memory_space<vmem_shared>>
      %dma_start3A_84 = arith.constant 0 : i32
      %dma_start3A_85 = tpu.memref_slice %arg11[%add3A_35, %dma_start3A_84] : memref<10112x64xf32, #tpu.memory_space<vmem_shared>> -> memref<158x64xf32, #tpu.memory_space<vmem_shared>>
      tpu.enqueue_dma source(%arg10 : memref<158x64xf32, #tpu.memory_space<vmem>>) target(%dma_start3A_85 : memref<158x64xf32, #tpu.memory_space<vmem_shared>>) target_semaphore(%run_scoped3A : memref<!tpu.dma_semaphore, #tpu.memory_space<semaphore_mem>>)
      %dma_wait3A = arith.constant 0 : i32
      %dma_wait3A_86 = tpu.memref_slice %arg11[%add3A_35, %dma_wait3A] : memref<10112x64xf32, #tpu.memory_space<vmem_shared>> -> memref<158x64xf32, #tpu.memory_space<vmem_shared>>
      %dma_wait3A_87 = arith.constant 0 : i32
      %dma_wait3A_88 = tpu.memref_slice %arg11[%add3A_35, %dma_wait3A_87] : memref<10112x64xf32, #tpu.memory_space<vmem_shared>> -> memref<158x64xf32, #tpu.memory_space<vmem_shared>>
      tpu.wait_dma2 semaphore(%run_scoped3A : memref<!tpu.dma_semaphore, #tpu.memory_space<semaphore_mem>>) src(%arg10 : memref<158x64xf32, #tpu.memory_space<vmem>>) dst(%dma_wait3A_88 : memref<158x64xf32, #tpu.memory_space<vmem_shared>>)
      tpu.yield
    }) : () -> ()
    %mul3A_36 = arith.constant 632 : i32
    %mul3A_37 = arith.muli %arg1, %mul3A_36 : i32
    %add3A_38 = arith.constant 474 : i32
    %add3A_39 = arith.addi %mul3A_37, %add3A_38 : i32
    "tpu.region"() ({
      %run_scoped3A = tpu.sem_alloc : memref<!tpu.dma_semaphore, #tpu.memory_space<semaphore_mem>>
      %dma_start3A_82 = arith.constant 0 : i32
      %dma_start3A_83 = tpu.memref_slice %arg5[%add3A_39, %dma_start3A_82] : memref<10112x64xf32, #tpu.memory_space<hbm>> -> memref<158x64xf32, #tpu.memory_space<hbm>>
      %dma_start3A_84 = arith.constant 0 : i32
      %dma_start3A_85 = tpu.memref_slice %arg5[%add3A_39, %dma_start3A_84] : memref<10112x64xf32, #tpu.memory_space<hbm>> -> memref<158x64xf32, #tpu.memory_space<hbm>>
      tpu.enqueue_dma source(%dma_start3A_85 : memref<158x64xf32, #tpu.memory_space<hbm>>) target(%arg10 : memref<158x64xf32, #tpu.memory_space<vmem>>) target_semaphore(%run_scoped3A : memref<!tpu.dma_semaphore, #tpu.memory_space<semaphore_mem>>)
      %dma_wait3A = arith.constant 0 : i32
      %dma_wait3A_86 = tpu.memref_slice %arg5[%add3A_39, %dma_wait3A] : memref<10112x64xf32, #tpu.memory_space<hbm>> -> memref<158x64xf32, #tpu.memory_space<hbm>>
      %dma_wait3A_87 = arith.constant 0 : i32
      %dma_wait3A_88 = tpu.memref_slice %arg5[%add3A_39, %dma_wait3A_87] : memref<10112x64xf32, #tpu.memory_space<hbm>> -> memref<158x64xf32, #tpu.memory_space<hbm>>
      tpu.wait_dma2 semaphore(%run_scoped3A : memref<!tpu.dma_semaphore, #tpu.memory_space<semaphore_mem>>) src(%dma_wait3A_88 : memref<158x64xf32, #tpu.memory_space<hbm>>) dst(%arg10 : memref<158x64xf32, #tpu.memory_space<vmem>>)
      tpu.yield
    }) : () -> ()
    %mul3A_40 = arith.constant 632 : i32
    %mul3A_41 = arith.muli %arg1, %mul3A_40 : i32
    %add3A_42 = arith.constant 474 : i32
    %add3A_43 = arith.addi %mul3A_41, %add3A_42 : i32
    "tpu.region"() ({
      %run_scoped3A = tpu.sem_alloc : memref<!tpu.dma_semaphore, #tpu.memory_space<semaphore_mem>>
      %dma_start3A_82 = arith.constant 0 : i32
      %dma_start3A_83 = tpu.memref_slice %arg11[%add3A_43, %dma_start3A_82] : memref<10112x64xf32, #tpu.memory_space<vmem_shared>> -> memref<158x64xf32, #tpu.memory_space<vmem_shared>>
      %dma_start3A_84 = arith.constant 0 : i32
      %dma_start3A_85 = tpu.memref_slice %arg11[%add3A_43, %dma_start3A_84] : memref<10112x64xf32, #tpu.memory_space<vmem_shared>> -> memref<158x64xf32, #tpu.memory_space<vmem_shared>>
      tpu.enqueue_dma source(%arg10 : memref<158x64xf32, #tpu.memory_space<vmem>>) target(%dma_start3A_85 : memref<158x64xf32, #tpu.memory_space<vmem_shared>>) target_semaphore(%run_scoped3A : memref<!tpu.dma_semaphore, #tpu.memory_space<semaphore_mem>>)
      %dma_wait3A = arith.constant 0 : i32
      %dma_wait3A_86 = tpu.memref_slice %arg11[%add3A_43, %dma_wait3A] : memref<10112x64xf32, #tpu.memory_space<vmem_shared>> -> memref<158x64xf32, #tpu.memory_space<vmem_shared>>
      %dma_wait3A_87 = arith.constant 0 : i32
      %dma_wait3A_88 = tpu.memref_slice %arg11[%add3A_43, %dma_wait3A_87] : memref<10112x64xf32, #tpu.memory_space<vmem_shared>> -> memref<158x64xf32, #tpu.memory_space<vmem_shared>>
      tpu.wait_dma2 semaphore(%run_scoped3A : memref<!tpu.dma_semaphore, #tpu.memory_space<semaphore_mem>>) src(%arg10 : memref<158x64xf32, #tpu.memory_space<vmem>>) dst(%dma_wait3A_88 : memref<158x64xf32, #tpu.memory_space<vmem_shared>>)
      tpu.yield
    }) : () -> ()
    %barrier3A = arith.constant 0 : index
    tpu.barrier barrier_id(%barrier3A)
    %scan3A = arith.constant 0 : i32
    %scan3A_44 = arith.constant 0 : i32
    %scan3A_45 = arith.constant 25 : i32
    %scan3A_46 = arith.addi %scan3A_44, %scan3A_45 : i32
    %scan3A_47 = arith.constant 1 : i32
    scf.for %scan3A_82 = %scan3A_44 to %scan3A_46 step %scan3A_47  : i32 {
      %rem3A = arith.constant 2 : i32
      %rem3A_83 = arith.remsi %scan3A_82, %rem3A : i32
      %dma_wait3A = arith.constant 0 : i32
      %dma_wait3A_84 = arith.constant 0 : i32
      %dma_wait3A_85 = tpu.memref_slice %arg9[%rem3A_83, %dma_wait3A, %dma_wait3A_84] : memref<2x400x64xf32, #tpu.memory_space<vmem>> -> memref<1x400x64xf32, #tpu.memory_space<vmem>>
      %dma_wait3A_86 = tpu.memref_squeeze %dma_wait3A_85 : memref<1x400x64xf32, #tpu.memory_space<vmem>> -> memref<400x64xf32, #tpu.memory_space<vmem>>
      %dma_wait3A_87 = arith.constant 0 : i32
      %dma_wait3A_88 = tpu.memref_slice %arg7[%scan3A_82, %dma_wait3A_87] : memref<25x400xi32, #tpu.memory_space<vmem>> -> memref<1x400xi32, #tpu.memory_space<vmem>>
      %dma_wait3A_89 = tpu.memref_squeeze %dma_wait3A_88 : memref<1x400xi32, #tpu.memory_space<vmem>> -> memref<400xi32, #tpu.memory_space<vmem>>
      %dma_wait3A_90 = arith.constant 0 : i32
      %dma_wait3A_91 = arith.constant 0 : i32
      %dma_wait3A_92 = tpu.memref_slice %arg4[%dma_wait3A_90, %dma_wait3A_91] : memref<10112x64xf32, #tpu.memory_space<hbm>> -> memref<10112x64xf32, #tpu.memory_space<hbm>>
      tpu.wait_indirect_dma semaphore(%arg12 : memref<!tpu.dma_semaphore, #tpu.memory_space<semaphore_mem>>) src(%dma_wait3A_92 : memref<10112x64xf32, #tpu.memory_space<hbm>>) dst(%dma_wait3A_86 : memref<400x64xf32, #tpu.memory_space<vmem>>)
      %add3A_93 = arith.constant 1 : i32
      %add3A_94 = arith.addi %scan3A_82, %add3A_93 : i32
      %lt3A = arith.constant 25 : i32
      %lt3A_95 = arith.cmpi slt, %add3A_94, %lt3A : i32
      %convert_element_type3A = arith.extui %lt3A_95 : i1 to i32
      %cond3A = arith.constant 0 : i32
      %cond3A_96 = arith.cmpi ne, %convert_element_type3A, %cond3A : i32
      scf.if %cond3A_96 {
        %add3A_97 = arith.constant 1 : i32
        %add3A_98 = arith.addi %scan3A_82, %add3A_97 : i32
        %rem3A_99 = arith.constant 2 : i32
        %rem3A_100 = arith.remsi %add3A_98, %rem3A_99 : i32
        %add3A_101 = arith.constant 1 : i32
        %add3A_102 = arith.addi %scan3A_82, %add3A_101 : i32
        %dma_start3A_103 = arith.constant 0 : i32
        %dma_start3A_104 = arith.constant 0 : i32
        %dma_start3A_105 = tpu.memref_slice %arg9[%rem3A_100, %dma_start3A_103, %dma_start3A_104] : memref<2x400x64xf32, #tpu.memory_space<vmem>> -> memref<1x400x64xf32, #tpu.memory_space<vmem>>
        %dma_start3A_106 = tpu.memref_squeeze %dma_start3A_105 : memref<1x400x64xf32, #tpu.memory_space<vmem>> -> memref<400x64xf32, #tpu.memory_space<vmem>>
        %dma_start3A_107 = arith.constant 0 : i32
        %dma_start3A_108 = tpu.memref_slice %arg7[%add3A_102, %dma_start3A_107] : memref<25x400xi32, #tpu.memory_space<vmem>> -> memref<1x400xi32, #tpu.memory_space<vmem>>
        %dma_start3A_109 = tpu.memref_squeeze %dma_start3A_108 : memref<1x400xi32, #tpu.memory_space<vmem>> -> memref<400xi32, #tpu.memory_space<vmem>>
        %dma_start3A_110 = arith.constant 0 : i32
        %dma_start3A_111 = arith.constant 0 : i32
        %dma_start3A_112 = tpu.memref_slice %arg4[%dma_start3A_110, %dma_start3A_111] : memref<10112x64xf32, #tpu.memory_space<hbm>> -> memref<10112x64xf32, #tpu.memory_space<hbm>>
        tpu.enqueue_indirect_dma source(%dma_start3A_112 : memref<10112x64xf32, #tpu.memory_space<hbm>>) target(%dma_start3A_106 : memref<400x64xf32, #tpu.memory_space<vmem>>) offsets(%dma_start3A_109 : memref<400xi32, #tpu.memory_space<vmem>>) semaphore(%arg12 : memref<!tpu.dma_semaphore, #tpu.memory_space<semaphore_mem>>)
      } else {
      }
      "tpu.region"() ({
        %run_scoped3A = tpu.sem_alloc : memref<!tpu.dma_semaphore, #tpu.memory_space<semaphore_mem>>
        %dma_start3A_97 = arith.constant 0 : i32
        %dma_start3A_98 = arith.constant 0 : i32
        %dma_start3A_99 = tpu.memref_slice %arg9[%rem3A_83, %dma_start3A_97, %dma_start3A_98] : memref<2x400x64xf32, #tpu.memory_space<vmem>> -> memref<1x400x64xf32, #tpu.memory_space<vmem>>
        %dma_start3A_100 = tpu.memref_squeeze %dma_start3A_99 : memref<1x400x64xf32, #tpu.memory_space<vmem>> -> memref<400x64xf32, #tpu.memory_space<vmem>>
        %dma_start3A_101 = arith.constant 0 : i32
        %dma_start3A_102 = tpu.memref_slice %arg8[%scan3A_82, %dma_start3A_101] : memref<25x400xi32, #tpu.memory_space<vmem>> -> memref<1x400xi32, #tpu.memory_space<vmem>>
        %dma_start3A_103 = tpu.memref_squeeze %dma_start3A_102 : memref<1x400xi32, #tpu.memory_space<vmem>> -> memref<400xi32, #tpu.memory_space<vmem>>
        %dma_start3A_104 = arith.constant 0 : i32
        %dma_start3A_105 = arith.constant 0 : i32
        %dma_start3A_106 = tpu.memref_slice %arg11[%dma_start3A_104, %dma_start3A_105] : memref<10112x64xf32, #tpu.memory_space<vmem_shared>> -> memref<10112x64xf32, #tpu.memory_space<vmem_shared>>
        tpu.enqueue_indirect_dma source(%dma_start3A_100 : memref<400x64xf32, #tpu.memory_space<vmem>>) target(%dma_start3A_106 : memref<10112x64xf32, #tpu.memory_space<vmem_shared>>) offsets(%dma_start3A_103 : memref<400xi32, #tpu.memory_space<vmem>>) semaphore(%run_scoped3A : memref<!tpu.dma_semaphore, #tpu.memory_space<semaphore_mem>>) {add = true}
        %dma_wait3A_107 = arith.constant 0 : i32
        %dma_wait3A_108 = arith.constant 0 : i32
        %dma_wait3A_109 = tpu.memref_slice %arg9[%rem3A_83, %dma_wait3A_107, %dma_wait3A_108] : memref<2x400x64xf32, #tpu.memory_space<vmem>> -> memref<1x400x64xf32, #tpu.memory_space<vmem>>
        %dma_wait3A_110 = tpu.memref_squeeze %dma_wait3A_109 : memref<1x400x64xf32, #tpu.memory_space<vmem>> -> memref<400x64xf32, #tpu.memory_space<vmem>>
        %dma_wait3A_111 = arith.constant 0 : i32
        %dma_wait3A_112 = tpu.memref_slice %arg8[%scan3A_82, %dma_wait3A_111] : memref<25x400xi32, #tpu.memory_space<vmem>> -> memref<1x400xi32, #tpu.memory_space<vmem>>
        %dma_wait3A_113 = tpu.memref_squeeze %dma_wait3A_112 : memref<1x400xi32, #tpu.memory_space<vmem>> -> memref<400xi32, #tpu.memory_space<vmem>>
        %dma_wait3A_114 = arith.constant 0 : i32
        %dma_wait3A_115 = arith.constant 0 : i32
        %dma_wait3A_116 = tpu.memref_slice %arg11[%dma_wait3A_114, %dma_wait3A_115] : memref<10112x64xf32, #tpu.memory_space<vmem_shared>> -> memref<10112x64xf32, #tpu.memory_space<vmem_shared>>
        tpu.wait_indirect_dma semaphore(%run_scoped3A : memref<!tpu.dma_semaphore, #tpu.memory_space<semaphore_mem>>) src(%dma_wait3A_110 : memref<400x64xf32, #tpu.memory_space<vmem>>) dst(%dma_wait3A_116 : memref<10112x64xf32, #tpu.memory_space<vmem_shared>>)
        tpu.yield
      }) : () -> ()
    }
    %scan3A_48 = arith.constant 25 : i32
    %barrier3A_49 = arith.constant 0 : index
    tpu.barrier barrier_id(%barrier3A_49)
    %mul3A_50 = arith.constant 632 : i32
    %mul3A_51 = arith.muli %arg1, %mul3A_50 : i32
    %add3A_52 = arith.constant 0 : i32
    %add3A_53 = arith.addi %mul3A_51, %add3A_52 : i32
    "tpu.region"() ({
      %run_scoped3A = tpu.sem_alloc : memref<!tpu.dma_semaphore, #tpu.memory_space<semaphore_mem>>
      %dma_start3A_82 = arith.constant 0 : i32
      %dma_start3A_83 = tpu.memref_slice %arg11[%add3A_53, %dma_start3A_82] : memref<10112x64xf32, #tpu.memory_space<vmem_shared>> -> memref<158x64xf32, #tpu.memory_space<vmem_shared>>
      %dma_start3A_84 = arith.constant 0 : i32
      %dma_start3A_85 = tpu.memref_slice %arg11[%add3A_53, %dma_start3A_84] : memref<10112x64xf32, #tpu.memory_space<vmem_shared>> -> memref<158x64xf32, #tpu.memory_space<vmem_shared>>
      tpu.enqueue_dma source(%dma_start3A_85 : memref<158x64xf32, #tpu.memory_space<vmem_shared>>) target(%arg10 : memref<158x64xf32, #tpu.memory_space<vmem>>) target_semaphore(%run_scoped3A : memref<!tpu.dma_semaphore, #tpu.memory_space<semaphore_mem>>)
      %dma_wait3A = arith.constant 0 : i32
      %dma_wait3A_86 = tpu.memref_slice %arg11[%add3A_53, %dma_wait3A] : memref<10112x64xf32, #tpu.memory_space<vmem_shared>> -> memref<158x64xf32, #tpu.memory_space<vmem_shared>>
      %dma_wait3A_87 = arith.constant 0 : i32
      %dma_wait3A_88 = tpu.memref_slice %arg11[%add3A_53, %dma_wait3A_87] : memref<10112x64xf32, #tpu.memory_space<vmem_shared>> -> memref<158x64xf32, #tpu.memory_space<vmem_shared>>
      tpu.wait_dma2 semaphore(%run_scoped3A : memref<!tpu.dma_semaphore, #tpu.memory_space<semaphore_mem>>) src(%dma_wait3A_88 : memref<158x64xf32, #tpu.memory_space<vmem_shared>>) dst(%arg10 : memref<158x64xf32, #tpu.memory_space<vmem>>)
      tpu.yield
    }) : () -> ()
    %mul3A_54 = arith.constant 632 : i32
    %mul3A_55 = arith.muli %arg1, %mul3A_54 : i32
    %add3A_56 = arith.constant 0 : i32
    %add3A_57 = arith.addi %mul3A_55, %add3A_56 : i32
    "tpu.region"() ({
      %run_scoped3A = tpu.sem_alloc : memref<!tpu.dma_semaphore, #tpu.memory_space<semaphore_mem>>
      %dma_start3A_82 = arith.constant 0 : i32
      %dma_start3A_83 = arith.constant 0 : i32
      %dma_start3A_84 = tpu.memref_slice %arg6[%arg0, %dma_start3A_82, %dma_start3A_83] : memref<2x10112x64xf32, #tpu.memory_space<hbm>> -> memref<1x10112x64xf32, #tpu.memory_space<hbm>>
      %dma_start3A_85 = tpu.memref_squeeze %dma_start3A_84 : memref<1x10112x64xf32, #tpu.memory_space<hbm>> -> memref<10112x64xf32, #tpu.memory_space<hbm>>
      %dma_start3A_86 = arith.constant 0 : i32
      %dma_start3A_87 = tpu.memref_slice %dma_start3A_85[%add3A_57, %dma_start3A_86] : memref<10112x64xf32, #tpu.memory_space<hbm>> -> memref<158x64xf32, #tpu.memory_space<hbm>>
      %dma_start3A_88 = arith.constant 0 : i32
      %dma_start3A_89 = arith.constant 0 : i32
      %dma_start3A_90 = tpu.memref_slice %arg6[%arg0, %dma_start3A_88, %dma_start3A_89] : memref<2x10112x64xf32, #tpu.memory_space<hbm>> -> memref<1x10112x64xf32, #tpu.memory_space<hbm>>
      %dma_start3A_91 = tpu.memref_squeeze %dma_start3A_90 : memref<1x10112x64xf32, #tpu.memory_space<hbm>> -> memref<10112x64xf32, #tpu.memory_space<hbm>>
      %dma_start3A_92 = arith.constant 0 : i32
      %dma_start3A_93 = tpu.memref_slice %dma_start3A_91[%add3A_57, %dma_start3A_92] : memref<10112x64xf32, #tpu.memory_space<hbm>> -> memref<158x64xf32, #tpu.memory_space<hbm>>
      tpu.enqueue_dma source(%arg10 : memref<158x64xf32, #tpu.memory_space<vmem>>) target(%dma_start3A_93 : memref<158x64xf32, #tpu.memory_space<hbm>>) target_semaphore(%run_scoped3A : memref<!tpu.dma_semaphore, #tpu.memory_space<semaphore_mem>>)
      %dma_wait3A = arith.constant 0 : i32
      %dma_wait3A_94 = arith.constant 0 : i32
      %dma_wait3A_95 = tpu.memref_slice %arg6[%arg0, %dma_wait3A, %dma_wait3A_94] : memref<2x10112x64xf32, #tpu.memory_space<hbm>> -> memref<1x10112x64xf32, #tpu.memory_space<hbm>>
      %dma_wait3A_96 = tpu.memref_squeeze %dma_wait3A_95 : memref<1x10112x64xf32, #tpu.memory_space<hbm>> -> memref<10112x64xf32, #tpu.memory_space<hbm>>
      %dma_wait3A_97 = arith.constant 0 : i32
      %dma_wait3A_98 = tpu.memref_slice %dma_wait3A_96[%add3A_57, %dma_wait3A_97] : memref<10112x64xf32, #tpu.memory_space<hbm>> -> memref<158x64xf32, #tpu.memory_space<hbm>>
      %dma_wait3A_99 = arith.constant 0 : i32
      %dma_wait3A_100 = arith.constant 0 : i32
      %dma_wait3A_101 = tpu.memref_slice %arg6[%arg0, %dma_wait3A_99, %dma_wait3A_100] : memref<2x10112x64xf32, #tpu.memory_space<hbm>> -> memref<1x10112x64xf32, #tpu.memory_space<hbm>>
      %dma_wait3A_102 = tpu.memref_squeeze %dma_wait3A_101 : memref<1x10112x64xf32, #tpu.memory_space<hbm>> -> memref<10112x64xf32, #tpu.memory_space<hbm>>
      %dma_wait3A_103 = arith.constant 0 : i32
      %dma_wait3A_104 = tpu.memref_slice %dma_wait3A_102[%add3A_57, %dma_wait3A_103] : memref<10112x64xf32, #tpu.memory_space<hbm>> -> memref<158x64xf32, #tpu.memory_space<hbm>>
      tpu.wait_dma2 semaphore(%run_scoped3A : memref<!tpu.dma_semaphore, #tpu.memory_space<semaphore_mem>>) src(%arg10 : memref<158x64xf32, #tpu.memory_space<vmem>>) dst(%dma_wait3A_104 : memref<158x64xf32, #tpu.memory_space<hbm>>)
      tpu.yield
    }) : () -> ()
    %mul3A_58 = arith.constant 632 : i32
    %mul3A_59 = arith.muli %arg1, %mul3A_58 : i32
    %add3A_60 = arith.constant 158 : i32
    %add3A_61 = arith.addi %mul3A_59, %add3A_60 : i32
    "tpu.region"() ({
      %run_scoped3A = tpu.sem_alloc : memref<!tpu.dma_semaphore, #tpu.memory_space<semaphore_mem>>
      %dma_start3A_82 = arith.constant 0 : i32
      %dma_start3A_83 = tpu.memref_slice %arg11[%add3A_61, %dma_start3A_82] : memref<10112x64xf32, #tpu.memory_space<vmem_shared>> -> memref<158x64xf32, #tpu.memory_space<vmem_shared>>
      %dma_start3A_84 = arith.constant 0 : i32
      %dma_start3A_85 = tpu.memref_slice %arg11[%add3A_61, %dma_start3A_84] : memref<10112x64xf32, #tpu.memory_space<vmem_shared>> -> memref<158x64xf32, #tpu.memory_space<vmem_shared>>
      tpu.enqueue_dma source(%dma_start3A_85 : memref<158x64xf32, #tpu.memory_space<vmem_shared>>) target(%arg10 : memref<158x64xf32, #tpu.memory_space<vmem>>) target_semaphore(%run_scoped3A : memref<!tpu.dma_semaphore, #tpu.memory_space<semaphore_mem>>)
      %dma_wait3A = arith.constant 0 : i32
      %dma_wait3A_86 = tpu.memref_slice %arg11[%add3A_61, %dma_wait3A] : memref<10112x64xf32, #tpu.memory_space<vmem_shared>> -> memref<158x64xf32, #tpu.memory_space<vmem_shared>>
      %dma_wait3A_87 = arith.constant 0 : i32
      %dma_wait3A_88 = tpu.memref_slice %arg11[%add3A_61, %dma_wait3A_87] : memref<10112x64xf32, #tpu.memory_space<vmem_shared>> -> memref<158x64xf32, #tpu.memory_space<vmem_shared>>
      tpu.wait_dma2 semaphore(%run_scoped3A : memref<!tpu.dma_semaphore, #tpu.memory_space<semaphore_mem>>) src(%dma_wait3A_88 : memref<158x64xf32, #tpu.memory_space<vmem_shared>>) dst(%arg10 : memref<158x64xf32, #tpu.memory_space<vmem>>)
      tpu.yield
    }) : () -> ()
    %mul3A_62 = arith.constant 632 : i32
    %mul3A_63 = arith.muli %arg1, %mul3A_62 : i32
    %add3A_64 = arith.constant 158 : i32
    %add3A_65 = arith.addi %mul3A_63, %add3A_64 : i32
    "tpu.region"() ({
      %run_scoped3A = tpu.sem_alloc : memref<!tpu.dma_semaphore, #tpu.memory_space<semaphore_mem>>
      %dma_start3A_82 = arith.constant 0 : i32
      %dma_start3A_83 = arith.constant 0 : i32
      %dma_start3A_84 = tpu.memref_slice %arg6[%arg0, %dma_start3A_82, %dma_start3A_83] : memref<2x10112x64xf32, #tpu.memory_space<hbm>> -> memref<1x10112x64xf32, #tpu.memory_space<hbm>>
      %dma_start3A_85 = tpu.memref_squeeze %dma_start3A_84 : memref<1x10112x64xf32, #tpu.memory_space<hbm>> -> memref<10112x64xf32, #tpu.memory_space<hbm>>
      %dma_start3A_86 = arith.constant 0 : i32
      %dma_start3A_87 = tpu.memref_slice %dma_start3A_85[%add3A_65, %dma_start3A_86] : memref<10112x64xf32, #tpu.memory_space<hbm>> -> memref<158x64xf32, #tpu.memory_space<hbm>>
      %dma_start3A_88 = arith.constant 0 : i32
      %dma_start3A_89 = arith.constant 0 : i32
      %dma_start3A_90 = tpu.memref_slice %arg6[%arg0, %dma_start3A_88, %dma_start3A_89] : memref<2x10112x64xf32, #tpu.memory_space<hbm>> -> memref<1x10112x64xf32, #tpu.memory_space<hbm>>
      %dma_start3A_91 = tpu.memref_squeeze %dma_start3A_90 : memref<1x10112x64xf32, #tpu.memory_space<hbm>> -> memref<10112x64xf32, #tpu.memory_space<hbm>>
      %dma_start3A_92 = arith.constant 0 : i32
      %dma_start3A_93 = tpu.memref_slice %dma_start3A_91[%add3A_65, %dma_start3A_92] : memref<10112x64xf32, #tpu.memory_space<hbm>> -> memref<158x64xf32, #tpu.memory_space<hbm>>
      tpu.enqueue_dma source(%arg10 : memref<158x64xf32, #tpu.memory_space<vmem>>) target(%dma_start3A_93 : memref<158x64xf32, #tpu.memory_space<hbm>>) target_semaphore(%run_scoped3A : memref<!tpu.dma_semaphore, #tpu.memory_space<semaphore_mem>>)
      %dma_wait3A = arith.constant 0 : i32
      %dma_wait3A_94 = arith.constant 0 : i32
      %dma_wait3A_95 = tpu.memref_slice %arg6[%arg0, %dma_wait3A, %dma_wait3A_94] : memref<2x10112x64xf32, #tpu.memory_space<hbm>> -> memref<1x10112x64xf32, #tpu.memory_space<hbm>>
      %dma_wait3A_96 = tpu.memref_squeeze %dma_wait3A_95 : memref<1x10112x64xf32, #tpu.memory_space<hbm>> -> memref<10112x64xf32, #tpu.memory_space<hbm>>
      %dma_wait3A_97 = arith.constant 0 : i32
      %dma_wait3A_98 = tpu.memref_slice %dma_wait3A_96[%add3A_65, %dma_wait3A_97] : memref<10112x64xf32, #tpu.memory_space<hbm>> -> memref<158x64xf32, #tpu.memory_space<hbm>>
      %dma_wait3A_99 = arith.constant 0 : i32
      %dma_wait3A_100 = arith.constant 0 : i32
      %dma_wait3A_101 = tpu.memref_slice %arg6[%arg0, %dma_wait3A_99, %dma_wait3A_100] : memref<2x10112x64xf32, #tpu.memory_space<hbm>> -> memref<1x10112x64xf32, #tpu.memory_space<hbm>>
      %dma_wait3A_102 = tpu.memref_squeeze %dma_wait3A_101 : memref<1x10112x64xf32, #tpu.memory_space<hbm>> -> memref<10112x64xf32, #tpu.memory_space<hbm>>
      %dma_wait3A_103 = arith.constant 0 : i32
      %dma_wait3A_104 = tpu.memref_slice %dma_wait3A_102[%add3A_65, %dma_wait3A_103] : memref<10112x64xf32, #tpu.memory_space<hbm>> -> memref<158x64xf32, #tpu.memory_space<hbm>>
      tpu.wait_dma2 semaphore(%run_scoped3A : memref<!tpu.dma_semaphore, #tpu.memory_space<semaphore_mem>>) src(%arg10 : memref<158x64xf32, #tpu.memory_space<vmem>>) dst(%dma_wait3A_104 : memref<158x64xf32, #tpu.memory_space<hbm>>)
      tpu.yield
    }) : () -> ()
    %mul3A_66 = arith.constant 632 : i32
    %mul3A_67 = arith.muli %arg1, %mul3A_66 : i32
    %add3A_68 = arith.constant 316 : i32
    %add3A_69 = arith.addi %mul3A_67, %add3A_68 : i32
    "tpu.region"() ({
      %run_scoped3A = tpu.sem_alloc : memref<!tpu.dma_semaphore, #tpu.memory_space<semaphore_mem>>
      %dma_start3A_82 = arith.constant 0 : i32
      %dma_start3A_83 = tpu.memref_slice %arg11[%add3A_69, %dma_start3A_82] : memref<10112x64xf32, #tpu.memory_space<vmem_shared>> -> memref<158x64xf32, #tpu.memory_space<vmem_shared>>
      %dma_start3A_84 = arith.constant 0 : i32
      %dma_start3A_85 = tpu.memref_slice %arg11[%add3A_69, %dma_start3A_84] : memref<10112x64xf32, #tpu.memory_space<vmem_shared>> -> memref<158x64xf32, #tpu.memory_space<vmem_shared>>
      tpu.enqueue_dma source(%dma_start3A_85 : memref<158x64xf32, #tpu.memory_space<vmem_shared>>) target(%arg10 : memref<158x64xf32, #tpu.memory_space<vmem>>) target_semaphore(%run_scoped3A : memref<!tpu.dma_semaphore, #tpu.memory_space<semaphore_mem>>)
      %dma_wait3A = arith.constant 0 : i32
      %dma_wait3A_86 = tpu.memref_slice %arg11[%add3A_69, %dma_wait3A] : memref<10112x64xf32, #tpu.memory_space<vmem_shared>> -> memref<158x64xf32, #tpu.memory_space<vmem_shared>>
      %dma_wait3A_87 = arith.constant 0 : i32
      %dma_wait3A_88 = tpu.memref_slice %arg11[%add3A_69, %dma_wait3A_87] : memref<10112x64xf32, #tpu.memory_space<vmem_shared>> -> memref<158x64xf32, #tpu.memory_space<vmem_shared>>
      tpu.wait_dma2 semaphore(%run_scoped3A : memref<!tpu.dma_semaphore, #tpu.memory_space<semaphore_mem>>) src(%dma_wait3A_88 : memref<158x64xf32, #tpu.memory_space<vmem_shared>>) dst(%arg10 : memref<158x64xf32, #tpu.memory_space<vmem>>)
      tpu.yield
    }) : () -> ()
    %mul3A_70 = arith.constant 632 : i32
    %mul3A_71 = arith.muli %arg1, %mul3A_70 : i32
    %add3A_72 = arith.constant 316 : i32
    %add3A_73 = arith.addi %mul3A_71, %add3A_72 : i32
    "tpu.region"() ({
      %run_scoped3A = tpu.sem_alloc : memref<!tpu.dma_semaphore, #tpu.memory_space<semaphore_mem>>
      %dma_start3A_82 = arith.constant 0 : i32
      %dma_start3A_83 = arith.constant 0 : i32
      %dma_start3A_84 = tpu.memref_slice %arg6[%arg0, %dma_start3A_82, %dma_start3A_83] : memref<2x10112x64xf32, #tpu.memory_space<hbm>> -> memref<1x10112x64xf32, #tpu.memory_space<hbm>>
      %dma_start3A_85 = tpu.memref_squeeze %dma_start3A_84 : memref<1x10112x64xf32, #tpu.memory_space<hbm>> -> memref<10112x64xf32, #tpu.memory_space<hbm>>
      %dma_start3A_86 = arith.constant 0 : i32
      %dma_start3A_87 = tpu.memref_slice %dma_start3A_85[%add3A_73, %dma_start3A_86] : memref<10112x64xf32, #tpu.memory_space<hbm>> -> memref<158x64xf32, #tpu.memory_space<hbm>>
      %dma_start3A_88 = arith.constant 0 : i32
      %dma_start3A_89 = arith.constant 0 : i32
      %dma_start3A_90 = tpu.memref_slice %arg6[%arg0, %dma_start3A_88, %dma_start3A_89] : memref<2x10112x64xf32, #tpu.memory_space<hbm>> -> memref<1x10112x64xf32, #tpu.memory_space<hbm>>
      %dma_start3A_91 = tpu.memref_squeeze %dma_start3A_90 : memref<1x10112x64xf32, #tpu.memory_space<hbm>> -> memref<10112x64xf32, #tpu.memory_space<hbm>>
      %dma_start3A_92 = arith.constant 0 : i32
      %dma_start3A_93 = tpu.memref_slice %dma_start3A_91[%add3A_73, %dma_start3A_92] : memref<10112x64xf32, #tpu.memory_space<hbm>> -> memref<158x64xf32, #tpu.memory_space<hbm>>
      tpu.enqueue_dma source(%arg10 : memref<158x64xf32, #tpu.memory_space<vmem>>) target(%dma_start3A_93 : memref<158x64xf32, #tpu.memory_space<hbm>>) target_semaphore(%run_scoped3A : memref<!tpu.dma_semaphore, #tpu.memory_space<semaphore_mem>>)
      %dma_wait3A = arith.constant 0 : i32
      %dma_wait3A_94 = arith.constant 0 : i32
      %dma_wait3A_95 = tpu.memref_slice %arg6[%arg0, %dma_wait3A, %dma_wait3A_94] : memref<2x10112x64xf32, #tpu.memory_space<hbm>> -> memref<1x10112x64xf32, #tpu.memory_space<hbm>>
      %dma_wait3A_96 = tpu.memref_squeeze %dma_wait3A_95 : memref<1x10112x64xf32, #tpu.memory_space<hbm>> -> memref<10112x64xf32, #tpu.memory_space<hbm>>
      %dma_wait3A_97 = arith.constant 0 : i32
      %dma_wait3A_98 = tpu.memref_slice %dma_wait3A_96[%add3A_73, %dma_wait3A_97] : memref<10112x64xf32, #tpu.memory_space<hbm>> -> memref<158x64xf32, #tpu.memory_space<hbm>>
      %dma_wait3A_99 = arith.constant 0 : i32
      %dma_wait3A_100 = arith.constant 0 : i32
      %dma_wait3A_101 = tpu.memref_slice %arg6[%arg0, %dma_wait3A_99, %dma_wait3A_100] : memref<2x10112x64xf32, #tpu.memory_space<hbm>> -> memref<1x10112x64xf32, #tpu.memory_space<hbm>>
      %dma_wait3A_102 = tpu.memref_squeeze %dma_wait3A_101 : memref<1x10112x64xf32, #tpu.memory_space<hbm>> -> memref<10112x64xf32, #tpu.memory_space<hbm>>
      %dma_wait3A_103 = arith.constant 0 : i32
      %dma_wait3A_104 = tpu.memref_slice %dma_wait3A_102[%add3A_73, %dma_wait3A_103] : memref<10112x64xf32, #tpu.memory_space<hbm>> -> memref<158x64xf32, #tpu.memory_space<hbm>>
      tpu.wait_dma2 semaphore(%run_scoped3A : memref<!tpu.dma_semaphore, #tpu.memory_space<semaphore_mem>>) src(%arg10 : memref<158x64xf32, #tpu.memory_space<vmem>>) dst(%dma_wait3A_104 : memref<158x64xf32, #tpu.memory_space<hbm>>)
      tpu.yield
    }) : () -> ()
    %mul3A_74 = arith.constant 632 : i32
    %mul3A_75 = arith.muli %arg1, %mul3A_74 : i32
    %add3A_76 = arith.constant 474 : i32
    %add3A_77 = arith.addi %mul3A_75, %add3A_76 : i32
    "tpu.region"() ({
      %run_scoped3A = tpu.sem_alloc : memref<!tpu.dma_semaphore, #tpu.memory_space<semaphore_mem>>
      %dma_start3A_82 = arith.constant 0 : i32
      %dma_start3A_83 = tpu.memref_slice %arg11[%add3A_77, %dma_start3A_82] : memref<10112x64xf32, #tpu.memory_space<vmem_shared>> -> memref<158x64xf32, #tpu.memory_space<vmem_shared>>
      %dma_start3A_84 = arith.constant 0 : i32
      %dma_start3A_85 = tpu.memref_slice %arg11[%add3A_77, %dma_start3A_84] : memref<10112x64xf32, #tpu.memory_space<vmem_shared>> -> memref<158x64xf32, #tpu.memory_space<vmem_shared>>
      tpu.enqueue_dma source(%dma_start3A_85 : memref<158x64xf32, #tpu.memory_space<vmem_shared>>) target(%arg10 : memref<158x64xf32, #tpu.memory_space<vmem>>) target_semaphore(%run_scoped3A : memref<!tpu.dma_semaphore, #tpu.memory_space<semaphore_mem>>)
      %dma_wait3A = arith.constant 0 : i32
      %dma_wait3A_86 = tpu.memref_slice %arg11[%add3A_77, %dma_wait3A] : memref<10112x64xf32, #tpu.memory_space<vmem_shared>> -> memref<158x64xf32, #tpu.memory_space<vmem_shared>>
      %dma_wait3A_87 = arith.constant 0 : i32
      %dma_wait3A_88 = tpu.memref_slice %arg11[%add3A_77, %dma_wait3A_87] : memref<10112x64xf32, #tpu.memory_space<vmem_shared>> -> memref<158x64xf32, #tpu.memory_space<vmem_shared>>
      tpu.wait_dma2 semaphore(%run_scoped3A : memref<!tpu.dma_semaphore, #tpu.memory_space<semaphore_mem>>) src(%dma_wait3A_88 : memref<158x64xf32, #tpu.memory_space<vmem_shared>>) dst(%arg10 : memref<158x64xf32, #tpu.memory_space<vmem>>)
      tpu.yield
    }) : () -> ()
    %mul3A_78 = arith.constant 632 : i32
    %mul3A_79 = arith.muli %arg1, %mul3A_78 : i32
    %add3A_80 = arith.constant 474 : i32
    %add3A_81 = arith.addi %mul3A_79, %add3A_80 : i32
    "tpu.region"() ({
      %run_scoped3A = tpu.sem_alloc : memref<!tpu.dma_semaphore, #tpu.memory_space<semaphore_mem>>
      %dma_start3A_82 = arith.constant 0 : i32
      %dma_start3A_83 = arith.constant 0 : i32
      %dma_start3A_84 = tpu.memref_slice %arg6[%arg0, %dma_start3A_82, %dma_start3A_83] : memref<2x10112x64xf32, #tpu.memory_space<hbm>> -> memref<1x10112x64xf32, #tpu.memory_space<hbm>>
      %dma_start3A_85 = tpu.memref_squeeze %dma_start3A_84 : memref<1x10112x64xf32, #tpu.memory_space<hbm>> -> memref<10112x64xf32, #tpu.memory_space<hbm>>
      %dma_start3A_86 = arith.constant 0 : i32
      %dma_start3A_87 = tpu.memref_slice %dma_start3A_85[%add3A_81, %dma_start3A_86] : memref<10112x64xf32, #tpu.memory_space<hbm>> -> memref<158x64xf32, #tpu.memory_space<hbm>>
      %dma_start3A_88 = arith.constant 0 : i32
      %dma_start3A_89 = arith.constant 0 : i32
      %dma_start3A_90 = tpu.memref_slice %arg6[%arg0, %dma_start3A_88, %dma_start3A_89] : memref<2x10112x64xf32, #tpu.memory_space<hbm>> -> memref<1x10112x64xf32, #tpu.memory_space<hbm>>
      %dma_start3A_91 = tpu.memref_squeeze %dma_start3A_90 : memref<1x10112x64xf32, #tpu.memory_space<hbm>> -> memref<10112x64xf32, #tpu.memory_space<hbm>>
      %dma_start3A_92 = arith.constant 0 : i32
      %dma_start3A_93 = tpu.memref_slice %dma_start3A_91[%add3A_81, %dma_start3A_92] : memref<10112x64xf32, #tpu.memory_space<hbm>> -> memref<158x64xf32, #tpu.memory_space<hbm>>
      tpu.enqueue_dma source(%arg10 : memref<158x64xf32, #tpu.memory_space<vmem>>) target(%dma_start3A_93 : memref<158x64xf32, #tpu.memory_space<hbm>>) target_semaphore(%run_scoped3A : memref<!tpu.dma_semaphore, #tpu.memory_space<semaphore_mem>>)
      %dma_wait3A = arith.constant 0 : i32
      %dma_wait3A_94 = arith.constant 0 : i32
      %dma_wait3A_95 = tpu.memref_slice %arg6[%arg0, %dma_wait3A, %dma_wait3A_94] : memref<2x10112x64xf32, #tpu.memory_space<hbm>> -> memref<1x10112x64xf32, #tpu.memory_space<hbm>>
      %dma_wait3A_96 = tpu.memref_squeeze %dma_wait3A_95 : memref<1x10112x64xf32, #tpu.memory_space<hbm>> -> memref<10112x64xf32, #tpu.memory_space<hbm>>
      %dma_wait3A_97 = arith.constant 0 : i32
      %dma_wait3A_98 = tpu.memref_slice %dma_wait3A_96[%add3A_81, %dma_wait3A_97] : memref<10112x64xf32, #tpu.memory_space<hbm>> -> memref<158x64xf32, #tpu.memory_space<hbm>>
      %dma_wait3A_99 = arith.constant 0 : i32
      %dma_wait3A_100 = arith.constant 0 : i32
      %dma_wait3A_101 = tpu.memref_slice %arg6[%arg0, %dma_wait3A_99, %dma_wait3A_100] : memref<2x10112x64xf32, #tpu.memory_space<hbm>> -> memref<1x10112x64xf32, #tpu.memory_space<hbm>>
      %dma_wait3A_102 = tpu.memref_squeeze %dma_wait3A_101 : memref<1x10112x64xf32, #tpu.memory_space<hbm>> -> memref<10112x64xf32, #tpu.memory_space<hbm>>
      %dma_wait3A_103 = arith.constant 0 : i32
      %dma_wait3A_104 = tpu.memref_slice %dma_wait3A_102[%add3A_81, %dma_wait3A_103] : memref<10112x64xf32, #tpu.memory_space<hbm>> -> memref<158x64xf32, #tpu.memory_space<hbm>>
      tpu.wait_dma2 semaphore(%run_scoped3A : memref<!tpu.dma_semaphore, #tpu.memory_space<semaphore_mem>>) src(%arg10 : memref<158x64xf32, #tpu.memory_space<vmem>>) dst(%dma_wait3A_104 : memref<158x64xf32, #tpu.memory_space<hbm>>)
      tpu.yield
    }) : () -> ()
    return
  }
}

module attributes {stable_mosaic.version = 14 : i64} {
  func.func @_tc_pre_body(%arg0: memref<10112x128xf32, #tpu.memory_space<vmem>>, %arg1: memref<128x64xf32, #tpu.memory_space<vmem>>, %arg2: memref<2x10112x8xf32, #tpu.memory_space<vmem>>, %arg3: memref<10112x64xf32, #tpu.memory_space<vmem>>, %arg4: memref<10112x1xf32, #tpu.memory_space<vmem>>) attributes {dimension_semantics = [], scalar_prefetch = 0 : i64, scratch_operands = 0 : i64, tpu.core_type = #tpu.core_type<tc>} {
    %get3A = arith.constant 0 : index
    %get3A_0 = arith.constant 0 : index
    %get3A_1 = vector.load %arg0[%get3A, %get3A_0] : memref<10112x128xf32, #tpu.memory_space<vmem>>, vector<10112x128xf32>
    %get3A_2 = arith.constant 0 : index
    %get3A_3 = arith.constant 0 : index
    %get3A_4 = vector.load %arg1[%get3A_2, %get3A_3] : memref<128x64xf32, #tpu.memory_space<vmem>>, vector<128x64xf32>
    %dot_general3A = arith.constant dense<0.000000e+00> : vector<10112x64xf32>
    %dot_general3A_5 = tpu.matmul %get3A_1, %get3A_4, %dot_general3A {dimension_numbers = #tpu.dot_dimension_numbers<[1], [0], [0], [1], [0, 0, 1, 1], [], []>, transpose_lhs_hint = false} : vector<10112x128xf32>, vector<128x64xf32>, vector<10112x64xf32> -> vector<10112x64xf32>
    %get3A_6 = arith.constant 0 : index
    %get3A_7 = arith.constant 0 : index
    %get3A_8 = arith.constant 0 : index
    %get3A_9 = vector.load %arg2[%get3A_6, %get3A_7, %get3A_8] : memref<2x10112x8xf32, #tpu.memory_space<vmem>>, vector<1x10112x1xf32>
    %get3A_10 = vector.shape_cast %get3A_9 : vector<1x10112x1xf32> to vector<10112x1xf32>
    %get3A_11 = arith.constant 1 : index
    %get3A_12 = arith.constant 0 : index
    %get3A_13 = arith.constant 0 : index
    %get3A_14 = vector.load %arg2[%get3A_11, %get3A_12, %get3A_13] : memref<2x10112x8xf32, #tpu.memory_space<vmem>>, vector<1x10112x1xf32>
    %get3A_15 = vector.shape_cast %get3A_14 : vector<1x10112x1xf32> to vector<10112x1xf32>
    %add3A = arith.addf %get3A_10, %get3A_15 : vector<10112x1xf32>
    %add3A_16 = arith.constant 1.000000e+00 : f32
    %add3A_17 = vector.broadcast %add3A_16 : f32 to vector<10112x1xf32>
    %add3A_18 = arith.addf %add3A, %add3A_17 : vector<10112x1xf32>
    %rsqrt3A = math.rsqrt %add3A_18 : vector<10112x1xf32>
    %swap3A = arith.constant 0 : index
    %swap3A_19 = arith.constant 0 : index
    %swap3A_20 = vector.load %arg4[%swap3A, %swap3A_19] : memref<10112x1xf32, #tpu.memory_space<vmem>>, vector<10112x1xf32>
    tpu.vector_store %arg4[%swap3A, %swap3A_19], %rsqrt3A {strides = array<i32>} : memref<10112x1xf32, #tpu.memory_space<vmem>>, vector<10112x1xf32>,
    %mul3A = vector.broadcast %rsqrt3A : vector<10112x1xf32> to vector<10112x64xf32>
    %mul3A_21 = arith.mulf %dot_general3A_5, %mul3A : vector<10112x64xf32>
    %swap3A_22 = arith.constant 0 : index
    %swap3A_23 = arith.constant 0 : index
    %swap3A_24 = vector.load %arg3[%swap3A_22, %swap3A_23] : memref<10112x64xf32, #tpu.memory_space<vmem>>, vector<10112x64xf32>
    tpu.vector_store %arg3[%swap3A_22, %swap3A_23], %mul3A_21 {strides = array<i32>} : memref<10112x64xf32, #tpu.memory_space<vmem>>, vector<10112x64xf32>,
    return
  }
}

module attributes {stable_mosaic.version = 14 : i64} {
  func.func @_tc_mid_body(%arg0: memref<2x10112x64xf32, #tpu.memory_space<vmem>>, %arg1: memref<10112x64xf32, #tpu.memory_space<vmem>>, %arg2: memref<10112x1xf32, #tpu.memory_space<vmem>>, %arg3: memref<10112x64xf32, #tpu.memory_space<vmem>>) attributes {dimension_semantics = [], scalar_prefetch = 0 : i64, scratch_operands = 0 : i64, tpu.core_type = #tpu.core_type<tc>} {
    %get3A = arith.constant 0 : index
    %get3A_0 = arith.constant 0 : index
    %get3A_1 = vector.load %arg2[%get3A, %get3A_0] : memref<10112x1xf32, #tpu.memory_space<vmem>>, vector<10112x1xf32>
    %get3A_2 = arith.constant 0 : index
    %get3A_3 = arith.constant 0 : index
    %get3A_4 = arith.constant 0 : index
    %get3A_5 = vector.load %arg0[%get3A_2, %get3A_3, %get3A_4] : memref<2x10112x64xf32, #tpu.memory_space<vmem>>, vector<1x10112x64xf32>
    %get3A_6 = vector.shape_cast %get3A_5 : vector<1x10112x64xf32> to vector<10112x64xf32>
    %get3A_7 = arith.constant 1 : index
    %get3A_8 = arith.constant 0 : index
    %get3A_9 = arith.constant 0 : index
    %get3A_10 = vector.load %arg0[%get3A_7, %get3A_8, %get3A_9] : memref<2x10112x64xf32, #tpu.memory_space<vmem>>, vector<1x10112x64xf32>
    %get3A_11 = vector.shape_cast %get3A_10 : vector<1x10112x64xf32> to vector<10112x64xf32>
    %add3A = arith.addf %get3A_6, %get3A_11 : vector<10112x64xf32>
    %get3A_12 = arith.constant 0 : index
    %get3A_13 = arith.constant 0 : index
    %get3A_14 = vector.load %arg1[%get3A_12, %get3A_13] : memref<10112x64xf32, #tpu.memory_space<vmem>>, vector<10112x64xf32>
    %add3A_15 = arith.addf %add3A, %get3A_14 : vector<10112x64xf32>
    %mul3A = arith.mulf %get3A_1, %get3A_1 : vector<10112x1xf32>
    %mul3A_16 = vector.broadcast %mul3A : vector<10112x1xf32> to vector<10112x64xf32>
    %mul3A_17 = arith.mulf %add3A_15, %mul3A_16 : vector<10112x64xf32>
    %swap3A = arith.constant 0 : index
    %swap3A_18 = arith.constant 0 : index
    %swap3A_19 = vector.load %arg3[%swap3A, %swap3A_18] : memref<10112x64xf32, #tpu.memory_space<vmem>>, vector<10112x64xf32>
    tpu.vector_store %arg3[%swap3A, %swap3A_18], %mul3A_17 {strides = array<i32>} : memref<10112x64xf32, #tpu.memory_space<vmem>>, vector<10112x64xf32>,
    return
  }
}

module attributes {stable_mosaic.version = 14 : i64} {
  func.func @_tc_final_body(%arg0: memref<2x10112x64xf32, #tpu.memory_space<vmem>>, %arg1: memref<10112x64xf32, #tpu.memory_space<vmem>>, %arg2: memref<10112x1xf32, #tpu.memory_space<vmem>>, %arg3: memref<1x64xf32, #tpu.memory_space<vmem>>, %arg4: memref<10112x64xf32, #tpu.memory_space<vmem>>) attributes {dimension_semantics = [], scalar_prefetch = 0 : i64, scratch_operands = 0 : i64, tpu.core_type = #tpu.core_type<tc>} {
    %get3A = arith.constant 0 : index
    %get3A_0 = arith.constant 0 : index
    %get3A_1 = arith.constant 0 : index
    %get3A_2 = vector.load %arg0[%get3A, %get3A_0, %get3A_1] : memref<2x10112x64xf32, #tpu.memory_space<vmem>>, vector<1x10112x64xf32>
    %get3A_3 = vector.shape_cast %get3A_2 : vector<1x10112x64xf32> to vector<10112x64xf32>
    %get3A_4 = arith.constant 1 : index
    %get3A_5 = arith.constant 0 : index
    %get3A_6 = arith.constant 0 : index
    %get3A_7 = vector.load %arg0[%get3A_4, %get3A_5, %get3A_6] : memref<2x10112x64xf32, #tpu.memory_space<vmem>>, vector<1x10112x64xf32>
    %get3A_8 = vector.shape_cast %get3A_7 : vector<1x10112x64xf32> to vector<10112x64xf32>
    %add3A = arith.addf %get3A_3, %get3A_8 : vector<10112x64xf32>
    %get3A_9 = arith.constant 0 : index
    %get3A_10 = arith.constant 0 : index
    %get3A_11 = vector.load %arg1[%get3A_9, %get3A_10] : memref<10112x64xf32, #tpu.memory_space<vmem>>, vector<10112x64xf32>
    %add3A_12 = arith.addf %add3A, %get3A_11 : vector<10112x64xf32>
    %get3A_13 = arith.constant 0 : index
    %get3A_14 = arith.constant 0 : index
    %get3A_15 = vector.load %arg2[%get3A_13, %get3A_14] : memref<10112x1xf32, #tpu.memory_space<vmem>>, vector<10112x1xf32>
    %mul3A = vector.broadcast %get3A_15 : vector<10112x1xf32> to vector<10112x64xf32>
    %mul3A_16 = arith.mulf %add3A_12, %mul3A : vector<10112x64xf32>
    %get3A_17 = arith.constant 0 : index
    %get3A_18 = arith.constant 0 : index
    %get3A_19 = vector.load %arg3[%get3A_17, %get3A_18] : memref<1x64xf32, #tpu.memory_space<vmem>>, vector<1x64xf32>
    %add3A_20 = vector.broadcast %get3A_19 : vector<1x64xf32> to vector<10112x64xf32>
    %add3A_21 = arith.addf %mul3A_16, %add3A_20 : vector<10112x64xf32>
    %reduce_max3A = arith.constant dense<0xFF800000> : vector<10112xf32>
    %reduce_max3A_22 = vector.multi_reduction <maximumf>, %add3A_21, %reduce_max3A [1] : vector<10112x64xf32> to vector<10112xf32>
    %broadcast_in_dim3A = vector.shape_cast %reduce_max3A_22 : vector<10112xf32> to vector<10112x1xf32>
    %sub3A = vector.broadcast %broadcast_in_dim3A : vector<10112x1xf32> to vector<10112x64xf32>
    %sub3A_23 = arith.subf %add3A_21, %sub3A : vector<10112x64xf32>
    %exp3A = math.exp %sub3A_23 : vector<10112x64xf32>
    %reduce_sum3A = arith.constant dense<0.000000e+00> : vector<10112xf32>
    %reduce_sum3A_24 = vector.multi_reduction <add>, %exp3A, %reduce_sum3A [1] : vector<10112x64xf32> to vector<10112xf32>
    %broadcast_in_dim3A_25 = vector.shape_cast %reduce_sum3A_24 : vector<10112xf32> to vector<10112x1xf32>
    %log3A = math.log %broadcast_in_dim3A_25 : vector<10112x1xf32>
    %add3A_26 = arith.addf %log3A, %broadcast_in_dim3A : vector<10112x1xf32>
    %sub3A_27 = vector.broadcast %add3A_26 : vector<10112x1xf32> to vector<10112x64xf32>
    %sub3A_28 = arith.subf %add3A_21, %sub3A_27 : vector<10112x64xf32>
    %swap3A = arith.constant 0 : index
    %swap3A_29 = arith.constant 0 : index
    %swap3A_30 = vector.load %arg4[%swap3A, %swap3A_29] : memref<10112x64xf32, #tpu.memory_space<vmem>>, vector<10112x64xf32>
    tpu.vector_store %arg4[%swap3A, %swap3A_29], %sub3A_28 {strides = array<i32>} : memref<10112x64xf32, #tpu.memory_space<vmem>>, vector<10112x64xf32>,
    return
  }
}

</mosaic_0001>

<sc_bundles>
// kernel: kernel.11.cloned.1.call-start
scs
__scs_entry_jumppad:
0x0: {  	(pc) =	sbr.rel $0x88, $3  }
0x1: {  	(tag) =	ssettag $0x0;
	lr =	simm.s32 $0x1  }
0x2: {  	[smem:$0x3F9D] =	sst lr;
	_ =	strace $0xD0000000  }
0x3: {  	_ = 	snop  }
0x4: {  	_ = 	snop  }
0x5: {  	_ = 	snop  }
0x6: {  	_ = 	snop  }
0x7: {  	_ = 	snop  }
__scs_overlays_trampoline_lowered:
0x8: {  	[smem:$0x3FAC] =	sst s0  }
0x9: {  	[smem:$0x3FAD] =	sst s1  }
0xa: {  	[smem:$0x3FAE] =	sst s2  }
0xb: {  	[smem:$0x3FAF] =	sst s3  }
0xc: {  	[smem:$0x3FB0] =	sst s4  }
0xd: {  	[smem:$0x3FB1] =	sst s5  }
0xe: {  	[smem:$0x3FB2] =	sst s6  }
0xf: {  	[smem:$0x3FB3] =	sst s7  }
0x10: {  	[smem:$0x3FB4] =	sst s8  }
0x11: {  	[smem:$0x3FB5] =	sst s9;
	s0 =	simm.s32 @!p0 $0x0  }
0x12: {  	s1 =	sld [smem:$0x3F9B];
	s0 =	simm.s32 @p0 $0x1  }
0x13: {  	[smem:$0x3FB6] =	sst s0;
	s0 =	simm.s32 @!p1 $0x0  }
0x14: {  	s2 =	sld [smem:$0x3F9A];
	s0 =	simm.s32 @p1 $0x1  }
0x15: {  	[smem:$0x3FB7] =	sst s0;
	s0 =	simm.s32 @!p2 $0x0  }
0x16: {  	s3 =	sld [smem:$0x3FDB];
	s0 =	simm.s32 @p2 $0x1  }
0x17: {  	s4 =	simm.s32 $0x1BF5;
	[smem:$0x3FB9] =	sst s0  }
0x18: {  	s0 =	sld [smem:$0x3F9C];
	_ =	swait.ge [sflag:s4], $0x0  }
0x19: {  	s7 =	sld [smem:$0x3F9D]  }
0x1a: {  	s8 =	sadd.s32 $0xFFFFE003, lr  }
0x1b: {  	s9 =	sadd.s32 $0xFFFFFEF7, lr;
	s5 =	simm.s32 $0xFFFFFFFF;
	p2 =	slt.u32 s8, $0xFFFFF086  }
0x1c: {  	p1 =	slt.u32 s9, $0xF7A;
	s5 =	simm.s32 @!p2 $0x0  }
0x1d: {  	s5 =	simm.s32 @p1 $0x1;
	p0 =	seq.s32 s7, s2  }
0x1e: {  	s7 =	smul.u32 @!p0 $0xF7A, s2;
	p2 =	seq.s32 @!p0 s5, $0x0  }
0x1f: {  	s9 =	smul.u32 $0xF7A, s1;
	s8 =	simm.s32 @!p0 $0x1BF5;
	p2 =	por !p2, p0  }
0x20: {  	[sflag:s8] =	ssyncset.s32 @!p0 $0xFFFFF086;
	s6 =	sadd.s32 @!p0 s3, s7;
	s7 =	simm.s32 @!p0 $0x108  }
0x21: {  	s3 =	sadd.s32 s3, s9;
	s6 =	sadd.s32 @!p0 $0x88, s6;
	s7 =	simm.s32 @p2 $0x1082  }
0x22: {  	[simem:s7], [sflag:s8] =	dma.local @!p0 [hbm:s6], $0xF7A  }
0x23: {  	s9 =	sor.u32 $0xD0000000, s2;
	s6 =	simm.s32 $0x108;
	_ =	swait.ge @!p0 [sflag:s8], $0x0  }
0x24: {  	s3 =	sadd.s32 $0x88, s3;
	s6 =	simm.s32 @!p1 $0x1082;
	[sflag:s4] =	ssyncset.s32 $0xFFFFF086  }
0x25: {  	[simem:s6], [sflag:s4] =	dma.local [hbm:s3], $0xF7A  }
0x26: {  	[smem:$0x3F9D] =	sst s1;
	(tag) =	ssettag s2;
	_ =	strace s9  }
0x27: {  	s1 =	sld [smem:$0x3FAD]  }
0x28: {  	s2 =	sld [smem:$0x3FAE]  }
0x29: {  	s4 =	sld [smem:$0x3FB0]  }
0x2a: {  	p0 =	seq.s32 s5, $0x0;
	s5 =	sld [smem:$0x3FB1]  }
0x2b: {  	s6 =	sld [smem:$0x3FB2]  }
0x2c: {  	s7 =	sld [smem:$0x3FB3]  }
0x2d: {  	s3 =	simm.s32 $0x108;
	s8 =	sld [smem:$0x3FB4]  }
0x2e: {  	s3 =	simm.s32 @!p0 $0x1082;
	s9 =	sld [smem:$0x3FB5]  }
0x2f: {  	lr =	sadd.s32 s0, s3;
	s0 =	sld [smem:$0x3FAC]  }
0x30: {  	s3 =	sld [smem:$0x3FAF]  }
0x31: {  	[smem:$0x3FB8] =	sst s10  }
0x32: {  	s10 =	sld [smem:$0x3FB6];
	_ =	sdelay $0x3  }
0x33: {  	p0 =	seq.s32 s10, $0x1;
	s10 =	sld [smem:$0x3FB8];
	_ =	sdelay $0x3  }
0x34: {  	[smem:$0x3FB8] =	sst s10  }
0x35: {  	s10 =	sld [smem:$0x3FB7];
	_ =	sdelay $0x3  }
0x36: {  	p1 =	seq.s32 s10, $0x1;
	s10 =	sld [smem:$0x3FB8];
	_ =	sdelay $0x3  }
0x37: {  	[smem:$0x3FB8] =	sst s10  }
0x38: {  	s10 =	sld [smem:$0x3FB9]  }
0x39: {  	_ = 	snop;
	(pc) =	sbr.ind lr, $3  }
0x3a: {  	_ = 	snop  }
0x3b: {  	_ = 	snop  }
0x3c: {  	p2 =	seq.s32 s10, $0x1;
	s10 =	sld [smem:$0x3FB8]  }
0x3d: {  	_ =	shalt  }
0x3e: {  	_ =	shalt  }
0x3f: {  	_ =	shalt  }
0x40: {  	_ =	shalt  }
0x41: {  	_ =	shalt  }
0x42: {  	_ =	shalt  }
0x43: {  	_ =	shalt  }
0x44: {  	_ =	shalt  }
0x45: {  	_ =	shalt  }
0x46: {  	_ =	shalt  }
0x47: {  	_ =	shalt  }
0x48: {  	_ =	shalt  }
0x49: {  	_ =	shalt  }
0x4a: {  	_ =	shalt  }
0x4b: {  	_ =	shalt  }
0x4c: {  	_ =	shalt  }
0x4d: {  	_ =	shalt  }
0x4e: {  	_ =	shalt  }
0x4f: {  	_ =	shalt  }
0x50: {  	_ =	shalt  }
0x51: {  	_ =	shalt  }
0x52: {  	_ =	shalt  }
0x53: {  	_ =	shalt  }
0x54: {  	_ =	shalt  }
0x55: {  	_ =	shalt  }
0x56: {  	_ =	shalt  }
0x57: {  	_ =	shalt  }
0x58: {  	_ =	shalt  }
0x59: {  	_ =	shalt  }
0x5a: {  	_ =	shalt  }
0x5b: {  	_ =	shalt  }
0x5c: {  	_ =	shalt  }
0x5d: {  	_ =	shalt  }
0x5e: {  	_ =	shalt  }
0x5f: {  	_ =	shalt  }
0x60: {  	_ =	shalt  }
0x61: {  	_ =	shalt  }
0x62: {  	_ =	shalt  }
0x63: {  	_ =	shalt  }
0x64: {  	_ =	shalt  }
0x65: {  	_ =	shalt  }
0x66: {  	_ =	shalt  }
0x67: {  	_ =	shalt  }
0x68: {  	_ =	shalt  }
0x69: {  	_ =	shalt  }
0x6a: {  	_ =	shalt  }
0x6b: {  	_ =	shalt  }
0x6c: {  	_ =	shalt  }
0x6d: {  	_ =	shalt  }
0x6e: {  	_ =	shalt  }
0x6f: {  	_ =	shalt  }
0x70: {  	_ =	shalt  }
0x71: {  	_ =	shalt  }
0x72: {  	_ =	shalt  }
0x73: {  	_ =	shalt  }
0x74: {  	_ =	shalt  }
0x75: {  	_ =	shalt  }
0x76: {  	_ =	shalt  }
0x77: {  	_ =	shalt  }
0x78: {  	_ =	shalt  }
0x79: {  	_ =	shalt  }
0x7a: {  	_ =	shalt  }
0x7b: {  	_ =	shalt  }
0x7c: {  	_ =	shalt  }
0x7d: {  	_ =	shalt  }
0x7e: {  	_ =	shalt  }
0x7f: {  	_ =	shalt  }
0x80: {  	_ =	shalt  }
0x81: {  	_ =	shalt  }
0x82: {  	_ =	shalt  }
0x83: {  	_ =	shalt  }
0x84: {  	_ =	shalt  }
0x85: {  	_ =	shalt  }
0x86: {  	_ =	shalt  }
0x87: {  	_ =	shalt  }
.Lfunc_end0:
.L_simem_size_0:
called_computation.1_lowered:
.L_overlay_start_0:
0x88: {  	s2 =	sld [smem:$0x3FD9]  }
0x89: {  	s3 =	sld [smem:$0x3FFE];
	_ =	sdelay $0x1  }
0x8a: {  	s1 =	srdreg.scid  }
0x8b: {  	s0 =	sand.u32 $0x1, s1  }
0x8c: {  	s17 =	sshll.u32 s0, $0xA;
	s2 =	sadd.s32 s3, s2  }
0x8d: {  	s2 =	sadd.s32 s2, s17  }
0x8e: {  	[smem:$0x3FC4] =	sst s2  }
0x8f: {  	_ = 	snop  }
0x90: {  	s2 =	sld [smem:$0x3FD0];
	(tm) =	ssettm $0x1  }
0x91: {  	s18 =	sld [smem:$0x3FFB];
	_ =	sdelay $0x3  }
0x92: {  	_ =	strace s18  }
0x93: {  	s3 =	sld [smem:$0x3FFC];
	_ =	sdelay $0x3  }
0x94: {  	_ =	strace s3  }
0x95: {  	s3 =	sld [smem:$0x3FFD];
	_ =	sdelay $0x3  }
0x96: {  	_ =	strace s3  }
0x97: {  	_ =	strace $0x8FFFFFFF  }
0x98: {  	s19 =	sld [smem:$0x3FDB];
	_ =	sdelay $0x1  }
0x99: {  	s4 =	simm.s32 $_scs_section_size  }
0x9a: {  	s5 =	simm.s32 $_size__tile_overlayer_lowered;
	s6 =	simm.s32 $_tile_overlayer_lowered  }
0x9b: {  	s22 =	simm.s32 $0x1BFF;
	s21 =	sshll.u32 s6, $0x1;
	s3 =	sadd.s32 s4, s19  }
0x9c: {  	s7 =	simm.s32 $0x0;
	s20 =	sshll.u32 s5, $0x1;
	s5 =	sadd.s32 s21, s3  }
0x9d: {  	[timem:s7], [sflag:s22] =	dma.local [hbm:s5], s20  }
0x9e: {  	_ =	swait.ge [sflag:s22], s20  }
0x9f: {  	s4 =	ssub.s32 $0x0, s20;
	[sflag:s22] =	ssyncset.done $0x0  }
0xa0: {  	[sflag:s22] =	ssyncadd.s32 s4;
	_ =	sdelay $0x1  }
0xa1: {  	s23 =	simm.s32 $0x1B8B  }
0xa2: {  	_ =	swait.ge [sflag:s23], $0x1  }
0xa3: {  	[sflag:s23] =	ssyncset.done $0x0  }
0xa4: {  	s25 =	simm.s32 $0x1B8E;
	s24 =	sld [smem:$0x3FFE];
	[sflag:s23] =	ssyncadd.s32 $0xFFFFFFFF  }
0xa5: {  	s26 =	simm.s32 $execute0_lowered;
	[smem:$0x3FD2] =	sst s25  }
0xa6: {  	s5 =	sshll.u32 s26, $0x1;
	_ =	strace $0x80000049;
	[dreg:$0x1] =	wrdreg $0xFFFFFFFF  }
0xa7: {  	s28 =	simm.s32 $_size_execute0_lowered;
	s3 =	sadd.s32 s3, s5;
	[dreg:$0x0] =	wrdreg $0x0  }
0xa8: {  	s5 =	sshll.u32 s28, $0x1;
	[dreg:$0x2] =	wrdreg s3  }
0xa9: {  	[dreg:$0x3] =	wrdreg s5  }
0xaa: {  	[dreg:$0x4] =	wrdreg $0xC0  }
0xab: {  	_ =	task [dreg:s7], $0x5FFFF  }
0xac: {  	[dreg:$0x1] =	wrdreg $0xFFFFFFFF  }
0xad: {  	[dreg:$0x0] =	wrdreg $0x60  }
0xae: {  	[dreg:$0x2] =	wrdreg s24  }
0xaf: {  	[dreg:$0x3] =	wrdreg s2  }
0xb0: {  	[dreg:$0x4] =	wrdreg $0x13DA00  }
0xb1: {  	[dreg:$0x5] =	wrdreg $0x9  }
0xb2: {  	_ =	task.clear_ibuf [dreg:s7], $0x6FFFF;
	_ =	strace $0x90000049  }
0xb3: {  	s29 =	simm.s32 $0x9;
	_ =	strace $0x8000004B  }
0xb4: {  	_ =	swait.ge [sflag:s29], $0x1  }
0xb5: {  	[sflag:s29] =	ssyncadd.s32 $0xFFFFFFFF  }
0xb6: {  	_ =	strace $0x9000004B  }
0xb7: {  	_ =	sfence  }
0xb8: {  	s30 =	sld [smem:$0x0];
	_ =	sdelay $0x2  }
0xb9: {  	s31 =	sshll.u32 s1, $0xD;
	s1 =	sshrl.u32 s1, $0x2  }
0xba: {  	s3 =	sand.u32 $0x4000, s31;
	s1 =	sadd.s32 s1, s30  }
0xbb: {  	s0 =	sor.u32 s3, s0;
	s1 =	sshll.u32 s1, $0x11  }
0xbc: {  	s0 =	sor.u32 s1, s0  }
0xbd: {  	s0 =	sadd.s32 $0x8F2B, s0  }
0xbe: {  	[sflag:s0] =	ssyncadd.remote.s32 $0x1  }
0xbf: {  	_ =	sfence.sel $0xFFFF  }
0xc0: {  	[dreg:$0x0] =	wrdreg $0xFFFFFFFF;
	(pc) =	sbr.abs _section_cstart, $3  }
0xc1: {  	[dreg:$0x1] =	wrdreg $0xFFFFFFFF  }
0xc2: {  	_ =	task.clear_ibuf [dreg:s7], $0x2FFFF;
	_ =	strace $0x9FFFFFFF  }
0xc3: {  	(tm) =	ssettm $0x7FFFFFFF  }
tec
execute0_lowered:
.L_overlay_start_1:
0x0: {  	(tag) =	ssettag $0x1  }
0x1: {  	s5 =	rddreg [dreg:$0x0]  }
0x2: {  	s2 =	rddreg [dreg:$0x1]  }
0x3: {  	s0 =	srdreg.scid;
	s3 =	rddreg [dreg:$0x2]  }
0x4: {  	s1 =	stileid.u32;
	s4 =	simm.s32 $0x0;
	s21 =	simm.s32 $0x2  }
0x5: {  	s22 =	simm.s32 $0x4E20;
	s23 =	simm.s32 $0x11620;
	s24 =	simm.s32 $0x1  }
0x6: {  	s25 =	simm.s32 $0x190;
	s26 =	simm.s32 $0x4C90;
	s28 =	simm.s32 $0x0  }
0x7: {  	s6 =	sand.u32 $0x1, s0;
	[smem:$0x7FF] =	sst s4;
	s13 =	smul.u32 $0x9E00, s1  }
0x8: {  	s17 =	sadd.s32 $0x14800, s5;
	s7 =	sshll.u32 s6, $0x4;
	_ =	strace $0x8000004A  }
0x9: {  	s8 =	smul.u32 $0x13C00, s6;
	s6 =	ssub.s32 $0x2, s6;
	s7 =	sor.u32 s1, s7  }
0xa: {  	s31 =	sshrl.u32 s6, $0x1;
	s14 =	sadd.s32 $0x2780, s13;
	s9 =	sadd.s32 s13, s3  }
0xb: {  	s16 =	sadd.s32 $0x4F00, s13;
	s18 =	sadd.s32 $0x7680, s13;
	s7 =	smul.u32 $0x4E2, s7  }
0xc: {  	s19 =	sadd.s32 s8, s5;
	s20 =	ssub.s32 s6, s31;
	s6 =	sshrl.u32 s13, $0x3  }
0xd: {  	s10 =	sshrl.u32 s14, $0x3;
	s12 =	sshrl.u32 s16, $0x3;
	s13 =	sadd.s32 s14, s3  }
0xe: {  	s15 =	sshrl.u32 s18, $0x3;
	s16 =	sadd.s32 s16, s3;
	s18 =	sadd.s32 s18, s3  }
0xf: {  	s8 =	sadd.s32 s17, s6;
	s11 =	sadd.s32 s17, s10;
	s14 =	sadd.s32 s17, s12  }
0x10: {  	s17 =	sadd.s32 s17, s15;
	s19 =	sadd.s32 $0x28400, s19;
	s7 =	sadd.s32 s7, s5  }
0x11: {  	s20 =	smax.u32 s20, $0x1;
	s5 =	sadd.s32 $0xAA00, s7;
	s7 =	sadd.s32 $0xC00, s7  }
.LBB2_1:
0x12: {  	[tilespmem:s4], [sflag:$0x2] =	stream.linear.gather [hbm4b:s5+s4], $0x2710, $0x38;
	[tilespmem:$0x1DBA0] =	vst v63  }
0x13: {  	_ =	swait.ge [sflag:s21], $0x2710  }
0x14: {  	[sflag:s21] =	ssyncset.done $0x0  }
0x15: {  	[sflag:s21] =	ssyncadd.s32 $0xFFFFD8F0  }
0x16: {  	[tilespmem:s22], [sflag:$0x1] =	stream.indirect.gather [hbm4b:s2+s25], $0x40, s4, s25, $0xb8;
	[tilespmem:$0x1DBA0] =	vst v63  }
0x17: {  	s29 =	simm.s32 $0x2710  }
0x18: {  	[tilespmem:s29], [sflag:$0x2] =	stream.linear.gather [hbm4b:s7+s4], $0x2710, $0x38;
	[tilespmem:$0x1DBA0] =	vst v63  }
0x19: {  	_ =	swait.ge [sflag:s21], $0x2710  }
0x1a: {  	[sflag:s21] =	ssyncset.done $0x0  }
0x1b: {  	[sflag:s21] =	ssyncadd.s32 $0xFFFFD8F0  }
0x1c: {  	[tilespmem:s23], [sflag:$0x2] =	stream.linear.gather [hbm4b:s8+s4], $0x2780, $0x38;
	[tilespmem:$0x1DBA0] =	vst v63  }
0x1d: {  	_ =	swait.ge [sflag:s21], $0x2780  }
0x1e: {  	[sflag:s21] =	ssyncset.done $0x0  }
0x1f: {  	[sflag:s21] =	ssyncadd.s32 $0xFFFFD880  }
0x20: {  	[spmem:s9] =	stream.linear.scatter [tilespmem:s23], [sflag:$0x2], $0x2780, $0x38;
	[tilespmem:$0x1DBA0] =	vst v63  }
0x21: {  	_ =	swait.ge [sflag:s21], $0x2780  }
0x22: {  	[sflag:s21] =	ssyncset.done $0x0  }
0x23: {  	[sflag:s21] =	ssyncadd.s32 $0xFFFFD880  }
0x24: {  	[tilespmem:s23], [sflag:$0x2] =	stream.linear.gather [hbm4b:s11+s4], $0x2780, $0x38;
	[tilespmem:$0x1DBA0] =	vst v63  }
0x25: {  	_ =	swait.ge [sflag:s21], $0x2780  }
0x26: {  	[sflag:s21] =	ssyncset.done $0x0  }
0x27: {  	[sflag:s21] =	ssyncadd.s32 $0xFFFFD880  }
0x28: {  	[spmem:s13] =	stream.linear.scatter [tilespmem:s23], [sflag:$0x2], $0x2780, $0x38;
	[tilespmem:$0x1DBA0] =	vst v63  }
0x29: {  	_ =	swait.ge [sflag:s21], $0x2780  }
0x2a: {  	[sflag:s21] =	ssyncset.done $0x0  }
0x2b: {  	[sflag:s21] =	ssyncadd.s32 $0xFFFFD880  }
0x2c: {  	[tilespmem:s23], [sflag:$0x2] =	stream.linear.gather [hbm4b:s14+s4], $0x2780, $0x38;
	[tilespmem:$0x1DBA0] =	vst v63  }
0x2d: {  	_ =	swait.ge [sflag:s21], $0x2780  }
0x2e: {  	[sflag:s21] =	ssyncset.done $0x0  }
0x2f: {  	[sflag:s21] =	ssyncadd.s32 $0xFFFFD880  }
0x30: {  	[spmem:s16] =	stream.linear.scatter [tilespmem:s23], [sflag:$0x2], $0x2780, $0x38;
	[tilespmem:$0x1DBA0] =	vst v63  }
0x31: {  	_ =	swait.ge [sflag:s21], $0x2780  }
0x32: {  	[sflag:s21] =	ssyncset.done $0x0  }
0x33: {  	[sflag:s21] =	ssyncadd.s32 $0xFFFFD880  }
0x34: {  	[tilespmem:s23], [sflag:$0x2] =	stream.linear.gather [hbm4b:s17+s4], $0x2780, $0x38;
	[tilespmem:$0x1DBA0] =	vst v63  }
0x35: {  	_ =	swait.ge [sflag:s21], $0x2780  }
0x36: {  	[sflag:s21] =	ssyncset.done $0x0  }
0x37: {  	[sflag:s21] =	ssyncadd.s32 $0xFFFFD880  }
0x38: {  	[spmem:s18] =	stream.linear.scatter [tilespmem:s23], [sflag:$0x2], $0x2780, $0x38;
	[tilespmem:$0x1DBA0] =	vst v63  }
0x39: {  	_ =	swait.ge [sflag:s21], $0x2780  }
0x3a: {  	[sflag:s21] =	ssyncset.done $0x0  }
0x3b: {  	[sflag:s21] =	ssyncadd.s32 $0xFFFFD880  }
0x3c: {  	[bflag:$0x0] =	sbarrier.arrive $0xFFFF  }
0x3d: {  	s30 =	sand.u32 $0x1, s24;
	_ =	swait.ge [sflag:s24], $0x6400  }
0x3e: {  	p0 =	seq.s32 s30, $0x1;
	s30 =	simm.s32 $0xB220;
	[sflag:s24] =	ssyncset.done $0x0  }
0x3f: {  	s30 =	simm.s32 @!p0 $0x4E20;
	[sflag:s24] =	ssyncadd.s32 $0xFFFF9C00  }
0x40: {  	[tilespmem:s30], [sflag:$0x1] =	stream.indirect.gather [hbm4b:s2+s25], $0x40, s25, s25, $0xb8;
	[tilespmem:$0x1DBA0] =	vst v63  }
0x41: {  	s30 =	simm.s32 $0x4E20  }
0x42: {  	s30 =	simm.s32 @!p0 $0xB220  }
0x43: {  	[spmem:s3] =	stream.indirect.scatter.add.f32 [tilespmem:s30], [sflag:$0x2], $0x40, s29, s25, $0xb8;
	[tilespmem:$0x1DBA0] =	vst v63  }
0x44: {  	_ =	swait.ge [sflag:s21], $0x6400  }
0x45: {  	s31 =	simm.s32 $0x190;
	s30 =	simm.s32 $0x2;
	[sflag:s21] =	ssyncset.done $0x0  }
.LBB2_2:
0x46: {  	[sflag:s21] =	ssyncadd.s32 $0xFFFF9C00;
	s29 =	sadd.s32 $0x190, s29;
	s31 =	sadd.s32 $0x190, s31  }
0x47: {  	p0 =	sne.s32 s30, $0x18;
	s0 =	smov.u32 s30;
	s30 =	sadd.s32 $0x1, s30  }
0x48: {  	s0 =	sand.u32 $0x1, s0;
	_ =	swait.ge [sflag:s24], $0x6400  }
0x49: {  	p1 =	seq.s32 s0, $0x1;
	s0 =	simm.s32 $0xB220;
	[sflag:s24] =	ssyncset.done $0x0  }
0x4a: {  	s0 =	simm.s32 @!p1 $0x4E20;
	[sflag:s24] =	ssyncadd.s32 $0xFFFF9C00  }
0x4b: {  	[tilespmem:s0], [sflag:$0x1] =	stream.indirect.gather [hbm4b:s2+s25], $0x40, s31, s25, $0xb8;
	[tilespmem:$0x1DBA0] =	vst v63  }
.Ltmp0:
0x4c: {  	s0 =	simm.s32 $0x4E20;
	(pc) =	sbr.rel @p0 .LBB2_2-.Ltmp0, $4  }
0x4d: {  	s0 =	simm.s32 @!p1 $0xB220  }
0x4e: {  	[spmem:s3] =	stream.indirect.scatter.add.f32 [tilespmem:s0], [sflag:$0x2], $0x40, s29, s25, $0xb8;
	[tilespmem:$0x1DBA0] =	vst v63  }
0x4f: {  	_ =	swait.ge [sflag:s21], $0x6400  }
0x50: {  	[sflag:s21] =	ssyncset.done $0x0  }
0x51: {  	[sflag:s21] =	ssyncadd.s32 $0xFFFF9C00  }
0x52: {  	_ =	swait.ge [sflag:s24], $0x6400  }
0x53: {  	[sflag:s24] =	ssyncset.done $0x0  }
0x54: {  	[sflag:s24] =	ssyncadd.s32 $0xFFFF9C00  }
0x55: {  	[spmem:s3] =	stream.indirect.scatter.add.f32 [tilespmem:s22], [sflag:$0x2], $0x40, s26, s25, $0xb8;
	[tilespmem:$0x1DBA0] =	vst v63  }
0x56: {  	_ =	swait.ge [sflag:s21], $0x6400  }
0x57: {  	[sflag:s21] =	ssyncset.done $0x0  }
0x58: {  	[sflag:s21] =	ssyncadd.s32 $0xFFFF9C00  }
0x59: {  	[bflag:$0x0] =	sbarrier.arrive $0xFFFF  }
0x5a: {  	[tilespmem:s23], [sflag:$0x2] =	stream.linear.gather [spmem:s9], $0x2780, $0x38;
	[tilespmem:$0x1DBA0] =	vst v63  }
0x5b: {  	_ =	swait.ge [sflag:s21], $0x2780  }
0x5c: {  	[sflag:s21] =	ssyncset.done $0x0  }
0x5d: {  	s0 =	sadd.s32 s6, s19;
	[sflag:s21] =	ssyncadd.s32 $0xFFFFD880  }
0x5e: {  	[hbm4b:s0+s4] =	stream.linear.scatter [tilespmem:s23], [sflag:$0x2], $0x2780, $0x38;
	[tilespmem:$0x1DBA0] =	vst v63  }
0x5f: {  	_ =	swait.ge [sflag:s21], $0x2780  }
0x60: {  	[sflag:s21] =	ssyncset.done $0x0  }
0x61: {  	[sflag:s21] =	ssyncadd.s32 $0xFFFFD880  }
0x62: {  	[tilespmem:s23], [sflag:$0x2] =	stream.linear.gather [spmem:s13], $0x2780, $0x38;
	[tilespmem:$0x1DBA0] =	vst v63  }
0x63: {  	_ =	swait.ge [sflag:s21], $0x2780  }
0x64: {  	[sflag:s21] =	ssyncset.done $0x0  }
0x65: {  	s29 =	sadd.s32 s10, s19;
	[sflag:s21] =	ssyncadd.s32 $0xFFFFD880  }
0x66: {  	[hbm4b:s29+s4] =	stream.linear.scatter [tilespmem:s23], [sflag:$0x2], $0x2780, $0x38;
	[tilespmem:$0x1DBA0] =	vst v63  }
0x67: {  	_ =	swait.ge [sflag:s21], $0x2780  }
0x68: {  	[sflag:s21] =	ssyncset.done $0x0  }
0x69: {  	[sflag:s21] =	ssyncadd.s32 $0xFFFFD880  }
0x6a: {  	[tilespmem:s23], [sflag:$0x2] =	stream.linear.gather [spmem:s16], $0x2780, $0x38;
	[tilespmem:$0x1DBA0] =	vst v63  }
0x6b: {  	_ =	swait.ge [sflag:s21], $0x2780  }
0x6c: {  	[sflag:s21] =	ssyncset.done $0x0  }
0x6d: {  	s30 =	sadd.s32 s12, s19;
	[sflag:s21] =	ssyncadd.s32 $0xFFFFD880  }
0x6e: {  	[hbm4b:s30+s4] =	stream.linear.scatter [tilespmem:s23], [sflag:$0x2], $0x2780, $0x38;
	[tilespmem:$0x1DBA0] =	vst v63  }
0x6f: {  	_ =	swait.ge [sflag:s21], $0x2780  }
0x70: {  	[sflag:s21] =	ssyncset.done $0x0  }
0x71: {  	[sflag:s21] =	ssyncadd.s32 $0xFFFFD880  }
0x72: {  	[tilespmem:s23], [sflag:$0x2] =	stream.linear.gather [spmem:s18], $0x2780, $0x38;
	[tilespmem:$0x1DBA0] =	vst v63  }
0x73: {  	s28 =	sadd.s32 $0x1, s28;
	_ =	swait.ge [sflag:s21], $0x2780  }
0x74: {  	p0 =	sne.s32 s28, s20;
	[sflag:s21] =	ssyncset.done $0x0  }
.Ltmp1:
0x75: {  	s31 =	sadd.s32 s15, s19;
	[sflag:s21] =	ssyncadd.s32 $0xFFFFD880;
	(pc) =	sbr.rel @p0 .LBB2_1-.Ltmp1, $4  }
0x76: {  	[hbm4b:s31+s4] =	stream.linear.scatter [tilespmem:s23], [sflag:$0x2], $0x2780, $0x38;
	[tilespmem:$0x1DBA0] =	vst v63  }
0x77: {  	_ =	swait.ge [sflag:s21], $0x2780  }
0x78: {  	[sflag:s21] =	ssyncset.done $0x0  }
0x79: {  	[sflag:s21] =	ssyncadd.s32 $0xFFFFD880  }
0x7a: {  	_ =	sfence.sel $0x180000  }
0x7b: {  	[bflag:$0x0] =	sbarrier.arrive $0xFFFF  }
0x7c: {  	_ =	strace $0x9000004A  }
0x7d: {  	[bflag:$0x2] =	sbarrier.arrive $0xFFFF  }
0x7e: {  	p0 =	sne.s32 s1, $0x0;
	s0 =	rddreg [dreg:$0x3]  }
0x7f: {  	s0 =	sadd.s32 @!p0 $0x100000, s0  }
0x80: {  	[sflag:s0] =	ssyncadd.tile.s32 @!p0 $0x1;
	_ =	shalt  }
.Lfunc_end2:
_tile_overlayer_lowered:
.L_overlay_start_2:
0x81: {  	(tag) =	ssettag $0x2  }
0x82: {  	s0 =	rddreg [dreg:$0x0];
	s2 =	stileid.u32  }
0x83: {  	s1 =	rddreg [dreg:$0x1];
	p0 =	sne.s32 s2, $0x0  }
0x84: {  	s3 =	rddreg [dreg:$0x2];
	[bflag:$0x3] =	sbarrier.arrive $0xFFFF;
	s2 =	simm.s32 @!p0 $0x1C02  }
0x85: {  	[timem:s3], [sflag:s2] =	dma.local @!p0 [hbm:s0], s1  }
0x86: {  	s0 =	simm.s32 @!p0 $0x2  }
0x87: {  	_ =	swait.ge @!p0 [sflag:s0], s1  }
0x88: {  	s1 =	ssub.s32 @!p0 $0x0, s1;
	[sflag:s0] =	ssyncset.done @!p0 $0x0  }
0x89: {  	[sflag:s0] =	ssyncadd.s32 @!p0 s1  }
0x8a: {  	[bflag:$0x3] =	sbarrier.arrive $0xFFFF  }
0x8b: {  	_ =	shalt  }

// kernel: kernel.14.cloned.1.call-start
scs
__scs_entry_jumppad:
0x0: {  	(pc) =	sbr.rel $0x88, $3  }
0x1: {  	(tag) =	ssettag $0x0;
	lr =	simm.s32 $0x1  }
0x2: {  	[smem:$0x3F9D] =	sst lr;
	_ =	strace $0xD0000000  }
0x3: {  	_ = 	snop  }
0x4: {  	_ = 	snop  }
0x5: {  	_ = 	snop  }
0x6: {  	_ = 	snop  }
0x7: {  	_ = 	snop  }
__scs_overlays_trampoline_lowered:
0x8: {  	[smem:$0x3FAC] =	sst s0  }
0x9: {  	[smem:$0x3FAD] =	sst s1  }
0xa: {  	[smem:$0x3FAE] =	sst s2  }
0xb: {  	[smem:$0x3FAF] =	sst s3  }
0xc: {  	[smem:$0x3FB0] =	sst s4  }
0xd: {  	[smem:$0x3FB1] =	sst s5  }
0xe: {  	[smem:$0x3FB2] =	sst s6  }
0xf: {  	[smem:$0x3FB3] =	sst s7  }
0x10: {  	[smem:$0x3FB4] =	sst s8  }
0x11: {  	[smem:$0x3FB5] =	sst s9;
	s0 =	simm.s32 @!p0 $0x0  }
0x12: {  	s1 =	sld [smem:$0x3F9B];
	s0 =	simm.s32 @p0 $0x1  }
0x13: {  	[smem:$0x3FB6] =	sst s0;
	s0 =	simm.s32 @!p1 $0x0  }
0x14: {  	s2 =	sld [smem:$0x3F9A];
	s0 =	simm.s32 @p1 $0x1  }
0x15: {  	[smem:$0x3FB7] =	sst s0;
	s0 =	simm.s32 @!p2 $0x0  }
0x16: {  	s3 =	sld [smem:$0x3FDB];
	s0 =	simm.s32 @p2 $0x1  }
0x17: {  	s4 =	simm.s32 $0x1BF5;
	[smem:$0x3FB9] =	sst s0  }
0x18: {  	s0 =	sld [smem:$0x3F9C];
	_ =	swait.ge [sflag:s4], $0x0  }
0x19: {  	s7 =	sld [smem:$0x3F9D]  }
0x1a: {  	s8 =	sadd.s32 $0xFFFFE003, lr  }
0x1b: {  	s9 =	sadd.s32 $0xFFFFFEF7, lr;
	s5 =	simm.s32 $0xFFFFFFFF;
	p2 =	slt.u32 s8, $0xFFFFF086  }
0x1c: {  	p1 =	slt.u32 s9, $0xF7A;
	s5 =	simm.s32 @!p2 $0x0  }
0x1d: {  	s5 =	simm.s32 @p1 $0x1;
	p0 =	seq.s32 s7, s2  }
0x1e: {  	s7 =	smul.u32 @!p0 $0xF7A, s2;
	p2 =	seq.s32 @!p0 s5, $0x0  }
0x1f: {  	s9 =	smul.u32 $0xF7A, s1;
	s8 =	simm.s32 @!p0 $0x1BF5;
	p2 =	por !p2, p0  }
0x20: {  	[sflag:s8] =	ssyncset.s32 @!p0 $0xFFFFF086;
	s6 =	sadd.s32 @!p0 s3, s7;
	s7 =	simm.s32 @!p0 $0x108  }
0x21: {  	s3 =	sadd.s32 s3, s9;
	s6 =	sadd.s32 @!p0 $0x88, s6;
	s7 =	simm.s32 @p2 $0x1082  }
0x22: {  	[simem:s7], [sflag:s8] =	dma.local @!p0 [hbm:s6], $0xF7A  }
0x23: {  	s9 =	sor.u32 $0xD0000000, s2;
	s6 =	simm.s32 $0x108;
	_ =	swait.ge @!p0 [sflag:s8], $0x0  }
0x24: {  	s3 =	sadd.s32 $0x88, s3;
	s6 =	simm.s32 @!p1 $0x1082;
	[sflag:s4] =	ssyncset.s32 $0xFFFFF086  }
0x25: {  	[simem:s6], [sflag:s4] =	dma.local [hbm:s3], $0xF7A  }
0x26: {  	[smem:$0x3F9D] =	sst s1;
	(tag) =	ssettag s2;
	_ =	strace s9  }
0x27: {  	s1 =	sld [smem:$0x3FAD]  }
0x28: {  	s2 =	sld [smem:$0x3FAE]  }
0x29: {  	s4 =	sld [smem:$0x3FB0]  }
0x2a: {  	p0 =	seq.s32 s5, $0x0;
	s5 =	sld [smem:$0x3FB1]  }
0x2b: {  	s6 =	sld [smem:$0x3FB2]  }
0x2c: {  	s7 =	sld [smem:$0x3FB3]  }
0x2d: {  	s3 =	simm.s32 $0x108;
	s8 =	sld [smem:$0x3FB4]  }
0x2e: {  	s3 =	simm.s32 @!p0 $0x1082;
	s9 =	sld [smem:$0x3FB5]  }
0x2f: {  	lr =	sadd.s32 s0, s3;
	s0 =	sld [smem:$0x3FAC]  }
0x30: {  	s3 =	sld [smem:$0x3FAF]  }
0x31: {  	[smem:$0x3FB8] =	sst s10  }
0x32: {  	s10 =	sld [smem:$0x3FB6];
	_ =	sdelay $0x3  }
0x33: {  	p0 =	seq.s32 s10, $0x1;
	s10 =	sld [smem:$0x3FB8];
	_ =	sdelay $0x3  }
0x34: {  	[smem:$0x3FB8] =	sst s10  }
0x35: {  	s10 =	sld [smem:$0x3FB7];
	_ =	sdelay $0x3  }
0x36: {  	p1 =	seq.s32 s10, $0x1;
	s10 =	sld [smem:$0x3FB8];
	_ =	sdelay $0x3  }
0x37: {  	[smem:$0x3FB8] =	sst s10  }
0x38: {  	s10 =	sld [smem:$0x3FB9]  }
0x39: {  	_ = 	snop;
	(pc) =	sbr.ind lr, $3  }
0x3a: {  	_ = 	snop  }
0x3b: {  	_ = 	snop  }
0x3c: {  	p2 =	seq.s32 s10, $0x1;
	s10 =	sld [smem:$0x3FB8]  }
0x3d: {  	_ =	shalt  }
0x3e: {  	_ =	shalt  }
0x3f: {  	_ =	shalt  }
0x40: {  	_ =	shalt  }
0x41: {  	_ =	shalt  }
0x42: {  	_ =	shalt  }
0x43: {  	_ =	shalt  }
0x44: {  	_ =	shalt  }
0x45: {  	_ =	shalt  }
0x46: {  	_ =	shalt  }
0x47: {  	_ =	shalt  }
0x48: {  	_ =	shalt  }
0x49: {  	_ =	shalt  }
0x4a: {  	_ =	shalt  }
0x4b: {  	_ =	shalt  }
0x4c: {  	_ =	shalt  }
0x4d: {  	_ =	shalt  }
0x4e: {  	_ =	shalt  }
0x4f: {  	_ =	shalt  }
0x50: {  	_ =	shalt  }
0x51: {  	_ =	shalt  }
0x52: {  	_ =	shalt  }
0x53: {  	_ =	shalt  }
0x54: {  	_ =	shalt  }
0x55: {  	_ =	shalt  }
0x56: {  	_ =	shalt  }
0x57: {  	_ =	shalt  }
0x58: {  	_ =	shalt  }
0x59: {  	_ =	shalt  }
0x5a: {  	_ =	shalt  }
0x5b: {  	_ =	shalt  }
0x5c: {  	_ =	shalt  }
0x5d: {  	_ =	shalt  }
0x5e: {  	_ =	shalt  }
0x5f: {  	_ =	shalt  }
0x60: {  	_ =	shalt  }
0x61: {  	_ =	shalt  }
0x62: {  	_ =	shalt  }
0x63: {  	_ =	shalt  }
0x64: {  	_ =	shalt  }
0x65: {  	_ =	shalt  }
0x66: {  	_ =	shalt  }
0x67: {  	_ =	shalt  }
0x68: {  	_ =	shalt  }
0x69: {  	_ =	shalt  }
0x6a: {  	_ =	shalt  }
0x6b: {  	_ =	shalt  }
0x6c: {  	_ =	shalt  }
0x6d: {  	_ =	shalt  }
0x6e: {  	_ =	shalt  }
0x6f: {  	_ =	shalt  }
0x70: {  	_ =	shalt  }
0x71: {  	_ =	shalt  }
0x72: {  	_ =	shalt  }
0x73: {  	_ =	shalt  }
0x74: {  	_ =	shalt  }
0x75: {  	_ =	shalt  }
0x76: {  	_ =	shalt  }
0x77: {  	_ =	shalt  }
0x78: {  	_ =	shalt  }
0x79: {  	_ =	shalt  }
0x7a: {  	_ =	shalt  }
0x7b: {  	_ =	shalt  }
0x7c: {  	_ =	shalt  }
0x7d: {  	_ =	shalt  }
0x7e: {  	_ =	shalt  }
0x7f: {  	_ =	shalt  }
0x80: {  	_ =	shalt  }
0x81: {  	_ =	shalt  }
0x82: {  	_ =	shalt  }
0x83: {  	_ =	shalt  }
0x84: {  	_ =	shalt  }
0x85: {  	_ =	shalt  }
0x86: {  	_ =	shalt  }
0x87: {  	_ =	shalt  }
.Lfunc_end0:
.L_simem_size_0:
called_computation.2_lowered:
.L_overlay_start_0:
0x88: {  	s2 =	sld [smem:$0x3FD9]  }
0x89: {  	s3 =	sld [smem:$0x3FFE];
	_ =	sdelay $0x1  }
0x8a: {  	s1 =	srdreg.scid  }
0x8b: {  	s0 =	sand.u32 $0x1, s1  }
0x8c: {  	s17 =	sshll.u32 s0, $0xA;
	s2 =	sadd.s32 s3, s2  }
0x8d: {  	s2 =	sadd.s32 s2, s17  }
0x8e: {  	[smem:$0x3FC4] =	sst s2  }
0x8f: {  	_ = 	snop  }
0x90: {  	s2 =	sld [smem:$0x3FD0];
	(tm) =	ssettm $0x1  }
0x91: {  	s18 =	sld [smem:$0x3FFB];
	_ =	sdelay $0x3  }
0x92: {  	_ =	strace s18  }
0x93: {  	s3 =	sld [smem:$0x3FFC];
	_ =	sdelay $0x3  }
0x94: {  	_ =	strace s3  }
0x95: {  	s3 =	sld [smem:$0x3FFD];
	_ =	sdelay $0x3  }
0x96: {  	_ =	strace s3  }
0x97: {  	_ =	strace $0x8FFFFFFF  }
0x98: {  	s19 =	sld [smem:$0x3FDB];
	_ =	sdelay $0x1  }
0x99: {  	s4 =	simm.s32 $_scs_section_size  }
0x9a: {  	s5 =	simm.s32 $_size__tile_overlayer_lowered;
	s6 =	simm.s32 $_tile_overlayer_lowered  }
0x9b: {  	s22 =	simm.s32 $0x1BFF;
	s21 =	sshll.u32 s6, $0x1;
	s3 =	sadd.s32 s4, s19  }
0x9c: {  	s7 =	simm.s32 $0x0;
	s20 =	sshll.u32 s5, $0x1;
	s5 =	sadd.s32 s21, s3  }
0x9d: {  	[timem:s7], [sflag:s22] =	dma.local [hbm:s5], s20  }
0x9e: {  	_ =	swait.ge [sflag:s22], s20  }
0x9f: {  	s4 =	ssub.s32 $0x0, s20;
	[sflag:s22] =	ssyncset.done $0x0  }
0xa0: {  	[sflag:s22] =	ssyncadd.s32 s4;
	_ =	sdelay $0x1  }
0xa1: {  	s23 =	simm.s32 $0x1B8B  }
0xa2: {  	_ =	swait.ge [sflag:s23], $0x1  }
0xa3: {  	[sflag:s23] =	ssyncset.done $0x0  }
0xa4: {  	s25 =	simm.s32 $0x1B8E;
	s24 =	sld [smem:$0x3FFE];
	[sflag:s23] =	ssyncadd.s32 $0xFFFFFFFF  }
0xa5: {  	s26 =	simm.s32 $execute0_lowered;
	[smem:$0x3FD2] =	sst s25  }
0xa6: {  	s5 =	sshll.u32 s26, $0x1;
	_ =	strace $0x8000004C;
	[dreg:$0x1] =	wrdreg $0xFFFFFFFF  }
0xa7: {  	s28 =	simm.s32 $_size_execute0_lowered;
	s3 =	sadd.s32 s3, s5;
	[dreg:$0x0] =	wrdreg $0x0  }
0xa8: {  	s5 =	sshll.u32 s28, $0x1;
	[dreg:$0x2] =	wrdreg s3  }
0xa9: {  	[dreg:$0x3] =	wrdreg s5  }
0xaa: {  	[dreg:$0x4] =	wrdreg $0xC0  }
0xab: {  	_ =	task [dreg:s7], $0x5FFFF  }
0xac: {  	[dreg:$0x1] =	wrdreg $0xFFFFFFFF  }
0xad: {  	[dreg:$0x0] =	wrdreg $0x60  }
0xae: {  	[dreg:$0x2] =	wrdreg s24  }
0xaf: {  	[dreg:$0x3] =	wrdreg s2  }
0xb0: {  	[dreg:$0x4] =	wrdreg $0x13DA00  }
0xb1: {  	[dreg:$0x5] =	wrdreg $0x9  }
0xb2: {  	_ =	task.clear_ibuf [dreg:s7], $0x6FFFF;
	_ =	strace $0x9000004C  }
0xb3: {  	s29 =	simm.s32 $0x9;
	_ =	strace $0x8000004E  }
0xb4: {  	_ =	swait.ge [sflag:s29], $0x1  }
0xb5: {  	[sflag:s29] =	ssyncadd.s32 $0xFFFFFFFF  }
0xb6: {  	_ =	strace $0x9000004E  }
0xb7: {  	_ =	sfence  }
0xb8: {  	s30 =	sld [smem:$0x0];
	_ =	sdelay $0x2  }
0xb9: {  	s31 =	sshll.u32 s1, $0xD;
	s1 =	sshrl.u32 s1, $0x2  }
0xba: {  	s3 =	sand.u32 $0x4000, s31;
	s1 =	sadd.s32 s1, s30  }
0xbb: {  	s0 =	sor.u32 s3, s0;
	s1 =	sshll.u32 s1, $0x11  }
0xbc: {  	s0 =	sor.u32 s1, s0  }
0xbd: {  	s0 =	sadd.s32 $0x8F2B, s0  }
0xbe: {  	[sflag:s0] =	ssyncadd.remote.s32 $0x1  }
0xbf: {  	_ =	sfence.sel $0xFFFF  }
0xc0: {  	[dreg:$0x0] =	wrdreg $0xFFFFFFFF;
	(pc) =	sbr.abs _section_cstart, $3  }
0xc1: {  	[dreg:$0x1] =	wrdreg $0xFFFFFFFF  }
0xc2: {  	_ =	task.clear_ibuf [dreg:s7], $0x2FFFF;
	_ =	strace $0x9FFFFFFF  }
0xc3: {  	(tm) =	ssettm $0x7FFFFFFF  }
tec
execute0_lowered:
.L_overlay_start_1:
0x0: {  	(tag) =	ssettag $0x1  }
0x1: {  	s5 =	rddreg [dreg:$0x0]  }
0x2: {  	s2 =	rddreg [dreg:$0x1]  }
0x3: {  	s0 =	srdreg.scid;
	s3 =	rddreg [dreg:$0x2]  }
0x4: {  	s1 =	stileid.u32;
	s4 =	simm.s32 $0x0;
	s21 =	simm.s32 $0x2  }
0x5: {  	s22 =	simm.s32 $0x4E20;
	s23 =	simm.s32 $0x11620;
	s24 =	simm.s32 $0x1  }
0x6: {  	s25 =	simm.s32 $0x190;
	s26 =	simm.s32 $0x4C90;
	s28 =	simm.s32 $0x0  }
0x7: {  	s6 =	sand.u32 $0x1, s0;
	[smem:$0x7FF] =	sst s4;
	s13 =	smul.u32 $0x9E00, s1  }
0x8: {  	s17 =	sadd.s32 $0x14800, s5;
	s7 =	sshll.u32 s6, $0x4;
	_ =	strace $0x8000004D  }
0x9: {  	s8 =	smul.u32 $0x13C00, s6;
	s6 =	ssub.s32 $0x2, s6;
	s7 =	sor.u32 s1, s7  }
0xa: {  	s31 =	sshrl.u32 s6, $0x1;
	s14 =	sadd.s32 $0x2780, s13;
	s9 =	sadd.s32 s13, s3  }
0xb: {  	s16 =	sadd.s32 $0x4F00, s13;
	s18 =	sadd.s32 $0x7680, s13;
	s7 =	smul.u32 $0x4E2, s7  }
0xc: {  	s19 =	sadd.s32 s8, s5;
	s20 =	ssub.s32 s6, s31;
	s6 =	sshrl.u32 s13, $0x3  }
0xd: {  	s10 =	sshrl.u32 s14, $0x3;
	s12 =	sshrl.u32 s16, $0x3;
	s13 =	sadd.s32 s14, s3  }
0xe: {  	s15 =	sshrl.u32 s18, $0x3;
	s16 =	sadd.s32 s16, s3;
	s18 =	sadd.s32 s18, s3  }
0xf: {  	s8 =	sadd.s32 s17, s6;
	s11 =	sadd.s32 s17, s10;
	s14 =	sadd.s32 s17, s12  }
0x10: {  	s17 =	sadd.s32 s17, s15;
	s19 =	sadd.s32 $0x28400, s19;
	s7 =	sadd.s32 s7, s5  }
0x11: {  	s20 =	smax.u32 s20, $0x1;
	s5 =	sadd.s32 $0xAA00, s7;
	s7 =	sadd.s32 $0xC00, s7  }
.LBB2_1:
0x12: {  	[tilespmem:s4], [sflag:$0x2] =	stream.linear.gather [hbm4b:s5+s4], $0x2710, $0x38;
	[tilespmem:$0x1DBA0] =	vst v63  }
0x13: {  	_ =	swait.ge [sflag:s21], $0x2710  }
0x14: {  	[sflag:s21] =	ssyncset.done $0x0  }
0x15: {  	[sflag:s21] =	ssyncadd.s32 $0xFFFFD8F0  }
0x16: {  	[tilespmem:s22], [sflag:$0x1] =	stream.indirect.gather [hbm4b:s2+s25], $0x40, s4, s25, $0xb8;
	[tilespmem:$0x1DBA0] =	vst v63  }
0x17: {  	s29 =	simm.s32 $0x2710  }
0x18: {  	[tilespmem:s29], [sflag:$0x2] =	stream.linear.gather [hbm4b:s7+s4], $0x2710, $0x38;
	[tilespmem:$0x1DBA0] =	vst v63  }
0x19: {  	_ =	swait.ge [sflag:s21], $0x2710  }
0x1a: {  	[sflag:s21] =	ssyncset.done $0x0  }
0x1b: {  	[sflag:s21] =	ssyncadd.s32 $0xFFFFD8F0  }
0x1c: {  	[tilespmem:s23], [sflag:$0x2] =	stream.linear.gather [hbm4b:s8+s4], $0x2780, $0x38;
	[tilespmem:$0x1DBA0] =	vst v63  }
0x1d: {  	_ =	swait.ge [sflag:s21], $0x2780  }
0x1e: {  	[sflag:s21] =	ssyncset.done $0x0  }
0x1f: {  	[sflag:s21] =	ssyncadd.s32 $0xFFFFD880  }
0x20: {  	[spmem:s9] =	stream.linear.scatter [tilespmem:s23], [sflag:$0x2], $0x2780, $0x38;
	[tilespmem:$0x1DBA0] =	vst v63  }
0x21: {  	_ =	swait.ge [sflag:s21], $0x2780  }
0x22: {  	[sflag:s21] =	ssyncset.done $0x0  }
0x23: {  	[sflag:s21] =	ssyncadd.s32 $0xFFFFD880  }
0x24: {  	[tilespmem:s23], [sflag:$0x2] =	stream.linear.gather [hbm4b:s11+s4], $0x2780, $0x38;
	[tilespmem:$0x1DBA0] =	vst v63  }
0x25: {  	_ =	swait.ge [sflag:s21], $0x2780  }
0x26: {  	[sflag:s21] =	ssyncset.done $0x0  }
0x27: {  	[sflag:s21] =	ssyncadd.s32 $0xFFFFD880  }
0x28: {  	[spmem:s13] =	stream.linear.scatter [tilespmem:s23], [sflag:$0x2], $0x2780, $0x38;
	[tilespmem:$0x1DBA0] =	vst v63  }
0x29: {  	_ =	swait.ge [sflag:s21], $0x2780  }
0x2a: {  	[sflag:s21] =	ssyncset.done $0x0  }
0x2b: {  	[sflag:s21] =	ssyncadd.s32 $0xFFFFD880  }
0x2c: {  	[tilespmem:s23], [sflag:$0x2] =	stream.linear.gather [hbm4b:s14+s4], $0x2780, $0x38;
	[tilespmem:$0x1DBA0] =	vst v63  }
0x2d: {  	_ =	swait.ge [sflag:s21], $0x2780  }
0x2e: {  	[sflag:s21] =	ssyncset.done $0x0  }
0x2f: {  	[sflag:s21] =	ssyncadd.s32 $0xFFFFD880  }
0x30: {  	[spmem:s16] =	stream.linear.scatter [tilespmem:s23], [sflag:$0x2], $0x2780, $0x38;
	[tilespmem:$0x1DBA0] =	vst v63  }
0x31: {  	_ =	swait.ge [sflag:s21], $0x2780  }
0x32: {  	[sflag:s21] =	ssyncset.done $0x0  }
0x33: {  	[sflag:s21] =	ssyncadd.s32 $0xFFFFD880  }
0x34: {  	[tilespmem:s23], [sflag:$0x2] =	stream.linear.gather [hbm4b:s17+s4], $0x2780, $0x38;
	[tilespmem:$0x1DBA0] =	vst v63  }
0x35: {  	_ =	swait.ge [sflag:s21], $0x2780  }
0x36: {  	[sflag:s21] =	ssyncset.done $0x0  }
0x37: {  	[sflag:s21] =	ssyncadd.s32 $0xFFFFD880  }
0x38: {  	[spmem:s18] =	stream.linear.scatter [tilespmem:s23], [sflag:$0x2], $0x2780, $0x38;
	[tilespmem:$0x1DBA0] =	vst v63  }
0x39: {  	_ =	swait.ge [sflag:s21], $0x2780  }
0x3a: {  	[sflag:s21] =	ssyncset.done $0x0  }
0x3b: {  	[sflag:s21] =	ssyncadd.s32 $0xFFFFD880  }
0x3c: {  	[bflag:$0x0] =	sbarrier.arrive $0xFFFF  }
0x3d: {  	s30 =	sand.u32 $0x1, s24;
	_ =	swait.ge [sflag:s24], $0x6400  }
0x3e: {  	p0 =	seq.s32 s30, $0x1;
	s30 =	simm.s32 $0xB220;
	[sflag:s24] =	ssyncset.done $0x0  }
0x3f: {  	s30 =	simm.s32 @!p0 $0x4E20;
	[sflag:s24] =	ssyncadd.s32 $0xFFFF9C00  }
0x40: {  	[tilespmem:s30], [sflag:$0x1] =	stream.indirect.gather [hbm4b:s2+s25], $0x40, s25, s25, $0xb8;
	[tilespmem:$0x1DBA0] =	vst v63  }
0x41: {  	s30 =	simm.s32 $0x4E20  }
0x42: {  	s30 =	simm.s32 @!p0 $0xB220  }
0x43: {  	[spmem:s3] =	stream.indirect.scatter.add.f32 [tilespmem:s30], [sflag:$0x2], $0x40, s29, s25, $0xb8;
	[tilespmem:$0x1DBA0] =	vst v63  }
0x44: {  	_ =	swait.ge [sflag:s21], $0x6400  }
0x45: {  	s31 =	simm.s32 $0x190;
	s30 =	simm.s32 $0x2;
	[sflag:s21] =	ssyncset.done $0x0  }
.LBB2_2:
0x46: {  	[sflag:s21] =	ssyncadd.s32 $0xFFFF9C00;
	s29 =	sadd.s32 $0x190, s29;
	s31 =	sadd.s32 $0x190, s31  }
0x47: {  	p0 =	sne.s32 s30, $0x18;
	s0 =	smov.u32 s30;
	s30 =	sadd.s32 $0x1, s30  }
0x48: {  	s0 =	sand.u32 $0x1, s0;
	_ =	swait.ge [sflag:s24], $0x6400  }
0x49: {  	p1 =	seq.s32 s0, $0x1;
	s0 =	simm.s32 $0xB220;
	[sflag:s24] =	ssyncset.done $0x0  }
0x4a: {  	s0 =	simm.s32 @!p1 $0x4E20;
	[sflag:s24] =	ssyncadd.s32 $0xFFFF9C00  }
0x4b: {  	[tilespmem:s0], [sflag:$0x1] =	stream.indirect.gather [hbm4b:s2+s25], $0x40, s31, s25, $0xb8;
	[tilespmem:$0x1DBA0] =	vst v63  }
.Ltmp0:
0x4c: {  	s0 =	simm.s32 $0x4E20;
	(pc) =	sbr.rel @p0 .LBB2_2-.Ltmp0, $4  }
0x4d: {  	s0 =	simm.s32 @!p1 $0xB220  }
0x4e: {  	[spmem:s3] =	stream.indirect.scatter.add.f32 [tilespmem:s0], [sflag:$0x2], $0x40, s29, s25, $0xb8;
	[tilespmem:$0x1DBA0] =	vst v63  }
0x4f: {  	_ =	swait.ge [sflag:s21], $0x6400  }
0x50: {  	[sflag:s21] =	ssyncset.done $0x0  }
0x51: {  	[sflag:s21] =	ssyncadd.s32 $0xFFFF9C00  }
0x52: {  	_ =	swait.ge [sflag:s24], $0x6400  }
0x53: {  	[sflag:s24] =	ssyncset.done $0x0  }
0x54: {  	[sflag:s24] =	ssyncadd.s32 $0xFFFF9C00  }
0x55: {  	[spmem:s3] =	stream.indirect.scatter.add.f32 [tilespmem:s22], [sflag:$0x2], $0x40, s26, s25, $0xb8;
	[tilespmem:$0x1DBA0] =	vst v63  }
0x56: {  	_ =	swait.ge [sflag:s21], $0x6400  }
0x57: {  	[sflag:s21] =	ssyncset.done $0x0  }
0x58: {  	[sflag:s21] =	ssyncadd.s32 $0xFFFF9C00  }
0x59: {  	[bflag:$0x0] =	sbarrier.arrive $0xFFFF  }
0x5a: {  	[tilespmem:s23], [sflag:$0x2] =	stream.linear.gather [spmem:s9], $0x2780, $0x38;
	[tilespmem:$0x1DBA0] =	vst v63  }
0x5b: {  	_ =	swait.ge [sflag:s21], $0x2780  }
0x5c: {  	[sflag:s21] =	ssyncset.done $0x0  }
0x5d: {  	s0 =	sadd.s32 s6, s19;
	[sflag:s21] =	ssyncadd.s32 $0xFFFFD880  }
0x5e: {  	[hbm4b:s0+s4] =	stream.linear.scatter [tilespmem:s23], [sflag:$0x2], $0x2780, $0x38;
	[tilespmem:$0x1DBA0] =	vst v63  }
0x5f: {  	_ =	swait.ge [sflag:s21], $0x2780  }
0x60: {  	[sflag:s21] =	ssyncset.done $0x0  }
0x61: {  	[sflag:s21] =	ssyncadd.s32 $0xFFFFD880  }
0x62: {  	[tilespmem:s23], [sflag:$0x2] =	stream.linear.gather [spmem:s13], $0x2780, $0x38;
	[tilespmem:$0x1DBA0] =	vst v63  }
0x63: {  	_ =	swait.ge [sflag:s21], $0x2780  }
0x64: {  	[sflag:s21] =	ssyncset.done $0x0  }
0x65: {  	s29 =	sadd.s32 s10, s19;
	[sflag:s21] =	ssyncadd.s32 $0xFFFFD880  }
0x66: {  	[hbm4b:s29+s4] =	stream.linear.scatter [tilespmem:s23], [sflag:$0x2], $0x2780, $0x38;
	[tilespmem:$0x1DBA0] =	vst v63  }
0x67: {  	_ =	swait.ge [sflag:s21], $0x2780  }
0x68: {  	[sflag:s21] =	ssyncset.done $0x0  }
0x69: {  	[sflag:s21] =	ssyncadd.s32 $0xFFFFD880  }
0x6a: {  	[tilespmem:s23], [sflag:$0x2] =	stream.linear.gather [spmem:s16], $0x2780, $0x38;
	[tilespmem:$0x1DBA0] =	vst v63  }
0x6b: {  	_ =	swait.ge [sflag:s21], $0x2780  }
0x6c: {  	[sflag:s21] =	ssyncset.done $0x0  }
0x6d: {  	s30 =	sadd.s32 s12, s19;
	[sflag:s21] =	ssyncadd.s32 $0xFFFFD880  }
0x6e: {  	[hbm4b:s30+s4] =	stream.linear.scatter [tilespmem:s23], [sflag:$0x2], $0x2780, $0x38;
	[tilespmem:$0x1DBA0] =	vst v63  }
0x6f: {  	_ =	swait.ge [sflag:s21], $0x2780  }
0x70: {  	[sflag:s21] =	ssyncset.done $0x0  }
0x71: {  	[sflag:s21] =	ssyncadd.s32 $0xFFFFD880  }
0x72: {  	[tilespmem:s23], [sflag:$0x2] =	stream.linear.gather [spmem:s18], $0x2780, $0x38;
	[tilespmem:$0x1DBA0] =	vst v63  }
0x73: {  	s28 =	sadd.s32 $0x1, s28;
	_ =	swait.ge [sflag:s21], $0x2780  }
0x74: {  	p0 =	sne.s32 s28, s20;
	[sflag:s21] =	ssyncset.done $0x0  }
.Ltmp1:
0x75: {  	s31 =	sadd.s32 s15, s19;
	[sflag:s21] =	ssyncadd.s32 $0xFFFFD880;
	(pc) =	sbr.rel @p0 .LBB2_1-.Ltmp1, $4  }
0x76: {  	[hbm4b:s31+s4] =	stream.linear.scatter [tilespmem:s23], [sflag:$0x2], $0x2780, $0x38;
	[tilespmem:$0x1DBA0] =	vst v63  }
0x77: {  	_ =	swait.ge [sflag:s21], $0x2780  }
0x78: {  	[sflag:s21] =	ssyncset.done $0x0  }
0x79: {  	[sflag:s21] =	ssyncadd.s32 $0xFFFFD880  }
0x7a: {  	_ =	sfence.sel $0x180000  }
0x7b: {  	[bflag:$0x0] =	sbarrier.arrive $0xFFFF  }
0x7c: {  	_ =	strace $0x9000004D  }
0x7d: {  	[bflag:$0x2] =	sbarrier.arrive $0xFFFF  }
0x7e: {  	p0 =	sne.s32 s1, $0x0;
	s0 =	rddreg [dreg:$0x3]  }
0x7f: {  	s0 =	sadd.s32 @!p0 $0x100000, s0  }
0x80: {  	[sflag:s0] =	ssyncadd.tile.s32 @!p0 $0x1;
	_ =	shalt  }
.Lfunc_end2:
_tile_overlayer_lowered:
.L_overlay_start_2:
0x81: {  	(tag) =	ssettag $0x2  }
0x82: {  	s0 =	rddreg [dreg:$0x0];
	s2 =	stileid.u32  }
0x83: {  	s1 =	rddreg [dreg:$0x1];
	p0 =	sne.s32 s2, $0x0  }
0x84: {  	s3 =	rddreg [dreg:$0x2];
	[bflag:$0x3] =	sbarrier.arrive $0xFFFF;
	s2 =	simm.s32 @!p0 $0x1C02  }
0x85: {  	[timem:s3], [sflag:s2] =	dma.local @!p0 [hbm:s0], s1  }
0x86: {  	s0 =	simm.s32 @!p0 $0x2  }
0x87: {  	_ =	swait.ge @!p0 [sflag:s0], s1  }
0x88: {  	s1 =	ssub.s32 @!p0 $0x0, s1;
	[sflag:s0] =	ssyncset.done @!p0 $0x0  }
0x89: {  	[sflag:s0] =	ssyncadd.s32 @!p0 s1  }
0x8a: {  	[bflag:$0x3] =	sbarrier.arrive $0xFFFF  }
0x8b: {  	_ =	shalt  }

// kernel: kernel.8.cloned.1.call-start
scs
__scs_entry_jumppad:
0x0: {  	(pc) =	sbr.rel $0x88, $3  }
0x1: {  	(tag) =	ssettag $0x0;
	lr =	simm.s32 $0x1  }
0x2: {  	[smem:$0x3F9D] =	sst lr;
	_ =	strace $0xD0000000  }
0x3: {  	_ = 	snop  }
0x4: {  	_ = 	snop  }
0x5: {  	_ = 	snop  }
0x6: {  	_ = 	snop  }
0x7: {  	_ = 	snop  }
__scs_overlays_trampoline_lowered:
0x8: {  	[smem:$0x3FAC] =	sst s0  }
0x9: {  	[smem:$0x3FAD] =	sst s1  }
0xa: {  	[smem:$0x3FAE] =	sst s2  }
0xb: {  	[smem:$0x3FAF] =	sst s3  }
0xc: {  	[smem:$0x3FB0] =	sst s4  }
0xd: {  	[smem:$0x3FB1] =	sst s5  }
0xe: {  	[smem:$0x3FB2] =	sst s6  }
0xf: {  	[smem:$0x3FB3] =	sst s7  }
0x10: {  	[smem:$0x3FB4] =	sst s8  }
0x11: {  	[smem:$0x3FB5] =	sst s9;
	s0 =	simm.s32 @!p0 $0x0  }
0x12: {  	s1 =	sld [smem:$0x3F9B];
	s0 =	simm.s32 @p0 $0x1  }
0x13: {  	[smem:$0x3FB6] =	sst s0;
	s0 =	simm.s32 @!p1 $0x0  }
0x14: {  	s2 =	sld [smem:$0x3F9A];
	s0 =	simm.s32 @p1 $0x1  }
0x15: {  	[smem:$0x3FB7] =	sst s0;
	s0 =	simm.s32 @!p2 $0x0  }
0x16: {  	s3 =	sld [smem:$0x3FDB];
	s0 =	simm.s32 @p2 $0x1  }
0x17: {  	s4 =	simm.s32 $0x1BF5;
	[smem:$0x3FB9] =	sst s0  }
0x18: {  	s0 =	sld [smem:$0x3F9C];
	_ =	swait.ge [sflag:s4], $0x0  }
0x19: {  	s7 =	sld [smem:$0x3F9D]  }
0x1a: {  	s8 =	sadd.s32 $0xFFFFE003, lr  }
0x1b: {  	s9 =	sadd.s32 $0xFFFFFEF7, lr;
	s5 =	simm.s32 $0xFFFFFFFF;
	p2 =	slt.u32 s8, $0xFFFFF086  }
0x1c: {  	p1 =	slt.u32 s9, $0xF7A;
	s5 =	simm.s32 @!p2 $0x0  }
0x1d: {  	s5 =	simm.s32 @p1 $0x1;
	p0 =	seq.s32 s7, s2  }
0x1e: {  	s7 =	smul.u32 @!p0 $0xF7A, s2;
	p2 =	seq.s32 @!p0 s5, $0x0  }
0x1f: {  	s9 =	smul.u32 $0xF7A, s1;
	s8 =	simm.s32 @!p0 $0x1BF5;
	p2 =	por !p2, p0  }
0x20: {  	[sflag:s8] =	ssyncset.s32 @!p0 $0xFFFFF086;
	s6 =	sadd.s32 @!p0 s3, s7;
	s7 =	simm.s32 @!p0 $0x108  }
0x21: {  	s3 =	sadd.s32 s3, s9;
	s6 =	sadd.s32 @!p0 $0x88, s6;
	s7 =	simm.s32 @p2 $0x1082  }
0x22: {  	[simem:s7], [sflag:s8] =	dma.local @!p0 [hbm:s6], $0xF7A  }
0x23: {  	s9 =	sor.u32 $0xD0000000, s2;
	s6 =	simm.s32 $0x108;
	_ =	swait.ge @!p0 [sflag:s8], $0x0  }
0x24: {  	s3 =	sadd.s32 $0x88, s3;
	s6 =	simm.s32 @!p1 $0x1082;
	[sflag:s4] =	ssyncset.s32 $0xFFFFF086  }
0x25: {  	[simem:s6], [sflag:s4] =	dma.local [hbm:s3], $0xF7A  }
0x26: {  	[smem:$0x3F9D] =	sst s1;
	(tag) =	ssettag s2;
	_ =	strace s9  }
0x27: {  	s1 =	sld [smem:$0x3FAD]  }
0x28: {  	s2 =	sld [smem:$0x3FAE]  }
0x29: {  	s4 =	sld [smem:$0x3FB0]  }
0x2a: {  	p0 =	seq.s32 s5, $0x0;
	s5 =	sld [smem:$0x3FB1]  }
0x2b: {  	s6 =	sld [smem:$0x3FB2]  }
0x2c: {  	s7 =	sld [smem:$0x3FB3]  }
0x2d: {  	s3 =	simm.s32 $0x108;
	s8 =	sld [smem:$0x3FB4]  }
0x2e: {  	s3 =	simm.s32 @!p0 $0x1082;
	s9 =	sld [smem:$0x3FB5]  }
0x2f: {  	lr =	sadd.s32 s0, s3;
	s0 =	sld [smem:$0x3FAC]  }
0x30: {  	s3 =	sld [smem:$0x3FAF]  }
0x31: {  	[smem:$0x3FB8] =	sst s10  }
0x32: {  	s10 =	sld [smem:$0x3FB6];
	_ =	sdelay $0x3  }
0x33: {  	p0 =	seq.s32 s10, $0x1;
	s10 =	sld [smem:$0x3FB8];
	_ =	sdelay $0x3  }
0x34: {  	[smem:$0x3FB8] =	sst s10  }
0x35: {  	s10 =	sld [smem:$0x3FB7];
	_ =	sdelay $0x3  }
0x36: {  	p1 =	seq.s32 s10, $0x1;
	s10 =	sld [smem:$0x3FB8];
	_ =	sdelay $0x3  }
0x37: {  	[smem:$0x3FB8] =	sst s10  }
0x38: {  	s10 =	sld [smem:$0x3FB9]  }
0x39: {  	_ = 	snop;
	(pc) =	sbr.ind lr, $3  }
0x3a: {  	_ = 	snop  }
0x3b: {  	_ = 	snop  }
0x3c: {  	p2 =	seq.s32 s10, $0x1;
	s10 =	sld [smem:$0x3FB8]  }
0x3d: {  	_ =	shalt  }
0x3e: {  	_ =	shalt  }
0x3f: {  	_ =	shalt  }
0x40: {  	_ =	shalt  }
0x41: {  	_ =	shalt  }
0x42: {  	_ =	shalt  }
0x43: {  	_ =	shalt  }
0x44: {  	_ =	shalt  }
0x45: {  	_ =	shalt  }
0x46: {  	_ =	shalt  }
0x47: {  	_ =	shalt  }
0x48: {  	_ =	shalt  }
0x49: {  	_ =	shalt  }
0x4a: {  	_ =	shalt  }
0x4b: {  	_ =	shalt  }
0x4c: {  	_ =	shalt  }
0x4d: {  	_ =	shalt  }
0x4e: {  	_ =	shalt  }
0x4f: {  	_ =	shalt  }
0x50: {  	_ =	shalt  }
0x51: {  	_ =	shalt  }
0x52: {  	_ =	shalt  }
0x53: {  	_ =	shalt  }
0x54: {  	_ =	shalt  }
0x55: {  	_ =	shalt  }
0x56: {  	_ =	shalt  }
0x57: {  	_ =	shalt  }
0x58: {  	_ =	shalt  }
0x59: {  	_ =	shalt  }
0x5a: {  	_ =	shalt  }
0x5b: {  	_ =	shalt  }
0x5c: {  	_ =	shalt  }
0x5d: {  	_ =	shalt  }
0x5e: {  	_ =	shalt  }
0x5f: {  	_ =	shalt  }
0x60: {  	_ =	shalt  }
0x61: {  	_ =	shalt  }
0x62: {  	_ =	shalt  }
0x63: {  	_ =	shalt  }
0x64: {  	_ =	shalt  }
0x65: {  	_ =	shalt  }
0x66: {  	_ =	shalt  }
0x67: {  	_ =	shalt  }
0x68: {  	_ =	shalt  }
0x69: {  	_ =	shalt  }
0x6a: {  	_ =	shalt  }
0x6b: {  	_ =	shalt  }
0x6c: {  	_ =	shalt  }
0x6d: {  	_ =	shalt  }
0x6e: {  	_ =	shalt  }
0x6f: {  	_ =	shalt  }
0x70: {  	_ =	shalt  }
0x71: {  	_ =	shalt  }
0x72: {  	_ =	shalt  }
0x73: {  	_ =	shalt  }
0x74: {  	_ =	shalt  }
0x75: {  	_ =	shalt  }
0x76: {  	_ =	shalt  }
0x77: {  	_ =	shalt  }
0x78: {  	_ =	shalt  }
0x79: {  	_ =	shalt  }
0x7a: {  	_ =	shalt  }
0x7b: {  	_ =	shalt  }
0x7c: {  	_ =	shalt  }
0x7d: {  	_ =	shalt  }
0x7e: {  	_ =	shalt  }
0x7f: {  	_ =	shalt  }
0x80: {  	_ =	shalt  }
0x81: {  	_ =	shalt  }
0x82: {  	_ =	shalt  }
0x83: {  	_ =	shalt  }
0x84: {  	_ =	shalt  }
0x85: {  	_ =	shalt  }
0x86: {  	_ =	shalt  }
0x87: {  	_ =	shalt  }
.Lfunc_end0:
.L_simem_size_0:
called_computation_lowered:
.L_overlay_start_0:
0x88: {  	s2 =	sld [smem:$0x3FD9]  }
0x89: {  	s3 =	sld [smem:$0x3FFE];
	_ =	sdelay $0x1  }
0x8a: {  	s1 =	srdreg.scid  }
0x8b: {  	s0 =	sand.u32 $0x1, s1  }
0x8c: {  	s17 =	sshll.u32 s0, $0xA;
	s2 =	sadd.s32 s3, s2  }
0x8d: {  	s2 =	sadd.s32 s2, s17  }
0x8e: {  	[smem:$0x3FC4] =	sst s2  }
0x8f: {  	_ = 	snop  }
0x90: {  	s2 =	sld [smem:$0x3FD0];
	(tm) =	ssettm $0x1  }
0x91: {  	s18 =	sld [smem:$0x3FFB];
	_ =	sdelay $0x3  }
0x92: {  	_ =	strace s18  }
0x93: {  	s3 =	sld [smem:$0x3FFC];
	_ =	sdelay $0x3  }
0x94: {  	_ =	strace s3  }
0x95: {  	s3 =	sld [smem:$0x3FFD];
	_ =	sdelay $0x3  }
0x96: {  	_ =	strace s3  }
0x97: {  	_ =	strace $0x8FFFFFFF  }
0x98: {  	s19 =	sld [smem:$0x3FDB];
	_ =	sdelay $0x1  }
0x99: {  	s4 =	simm.s32 $_scs_section_size  }
0x9a: {  	s5 =	simm.s32 $_size__tile_overlayer_lowered;
	s6 =	simm.s32 $_tile_overlayer_lowered  }
0x9b: {  	s22 =	simm.s32 $0x1BFF;
	s21 =	sshll.u32 s6, $0x1;
	s3 =	sadd.s32 s4, s19  }
0x9c: {  	s7 =	simm.s32 $0x0;
	s20 =	sshll.u32 s5, $0x1;
	s5 =	sadd.s32 s21, s3  }
0x9d: {  	[timem:s7], [sflag:s22] =	dma.local [hbm:s5], s20  }
0x9e: {  	_ =	swait.ge [sflag:s22], s20  }
0x9f: {  	s4 =	ssub.s32 $0x0, s20;
	[sflag:s22] =	ssyncset.done $0x0  }
0xa0: {  	[sflag:s22] =	ssyncadd.s32 s4;
	_ =	sdelay $0x1  }
0xa1: {  	s23 =	simm.s32 $0x1B8B  }
0xa2: {  	_ =	swait.ge [sflag:s23], $0x1  }
0xa3: {  	[sflag:s23] =	ssyncset.done $0x0  }
0xa4: {  	s25 =	simm.s32 $0x1B8E;
	s24 =	sld [smem:$0x3FFE];
	[sflag:s23] =	ssyncadd.s32 $0xFFFFFFFF  }
0xa5: {  	s26 =	simm.s32 $execute0_lowered;
	[smem:$0x3FD2] =	sst s25  }
0xa6: {  	s5 =	sshll.u32 s26, $0x1;
	_ =	strace $0x80000046;
	[dreg:$0x1] =	wrdreg $0xFFFFFFFF  }
0xa7: {  	s28 =	simm.s32 $_size_execute0_lowered;
	s3 =	sadd.s32 s3, s5;
	[dreg:$0x0] =	wrdreg $0x0  }
0xa8: {  	s5 =	sshll.u32 s28, $0x1;
	[dreg:$0x2] =	wrdreg s3  }
0xa9: {  	[dreg:$0x3] =	wrdreg s5  }
0xaa: {  	[dreg:$0x4] =	wrdreg $0xC0  }
0xab: {  	_ =	task [dreg:s7], $0x5FFFF  }
0xac: {  	[dreg:$0x1] =	wrdreg $0xFFFFFFFF  }
0xad: {  	[dreg:$0x0] =	wrdreg $0x60  }
0xae: {  	[dreg:$0x2] =	wrdreg s24  }
0xaf: {  	[dreg:$0x3] =	wrdreg s2  }
0xb0: {  	[dreg:$0x4] =	wrdreg $0x47500  }
0xb1: {  	[dreg:$0x5] =	wrdreg $0x9  }
0xb2: {  	_ =	task.clear_ibuf [dreg:s7], $0x6FFFF;
	_ =	strace $0x90000046  }
0xb3: {  	s29 =	simm.s32 $0x9;
	_ =	strace $0x80000048  }
0xb4: {  	_ =	swait.ge [sflag:s29], $0x1  }
0xb5: {  	[sflag:s29] =	ssyncadd.s32 $0xFFFFFFFF  }
0xb6: {  	_ =	strace $0x90000048  }
0xb7: {  	_ =	sfence  }
0xb8: {  	s30 =	sld [smem:$0x0];
	_ =	sdelay $0x2  }
0xb9: {  	s31 =	sshll.u32 s1, $0xD;
	s1 =	sshrl.u32 s1, $0x2  }
0xba: {  	s3 =	sand.u32 $0x4000, s31;
	s1 =	sadd.s32 s1, s30  }
0xbb: {  	s0 =	sor.u32 s3, s0;
	s1 =	sshll.u32 s1, $0x11  }
0xbc: {  	s0 =	sor.u32 s1, s0  }
0xbd: {  	s0 =	sadd.s32 $0x8F2B, s0  }
0xbe: {  	[sflag:s0] =	ssyncadd.remote.s32 $0x1  }
0xbf: {  	_ =	sfence.sel $0xFFFF  }
0xc0: {  	[dreg:$0x0] =	wrdreg $0xFFFFFFFF;
	(pc) =	sbr.abs _section_cstart, $3  }
0xc1: {  	[dreg:$0x1] =	wrdreg $0xFFFFFFFF  }
0xc2: {  	_ =	task.clear_ibuf [dreg:s7], $0x2FFFF;
	_ =	strace $0x9FFFFFFF  }
0xc3: {  	(tm) =	ssettm $0x7FFFFFFF  }
tec
execute0_lowered:
.L_overlay_start_1:
0x0: {  	(tag) =	ssettag $0x1  }
0x1: {  	s1 =	rddreg [dreg:$0x0]  }
0x2: {  	s0 =	srdreg.scid;
	s3 =	rddreg [dreg:$0x1]  }
0x3: {  	s11 =	stileid.u32;
	s8 =	rddreg [dreg:$0x2]  }
0x4: {  	s24 =	simm.s32 $0x320;
	s25 =	simm.s32 $0x4B0;
	s10 =	simm.s32 $0x190  }
0x5: {  	s26 =	simm.s32 $0x640;
	s13 =	simm.s32 $0x960;
	s14 =	simm.s32 $0xAF0  }
0x6: {  	s15 =	simm.s32 $0xC80;
	s16 =	simm.s32 $0xE10;
	s17 =	simm.s32 $0xFA0  }
0x7: {  	s18 =	simm.s32 $0x1130;
	s19 =	simm.s32 $0x12C0;
	s20 =	simm.s32 $0x1450  }
0x8: {  	s21 =	simm.s32 $0x15E0;
	s22 =	simm.s32 $0x1770;
	s23 =	simm.s32 $0x1900  }
0x9: {  	p0 =	por $0x0, $0x0;
	s28 =	simm.s32 $0x1F40;
	s29 =	simm.s32 $0x20D0  }
0xa: {  	s30 =	simm.s32 $0x2260;
	s31 =	simm.s32 $0x23F0;
	s0 =	sand.u32 $0x1, s0  }
0xb: {  	s5 =	smul.u32 $0x13C0, s11;
	s6 =	sadd.s32 $0x17000, s1;
	s2 =	sshll.u32 s0, $0x4  }
0xc: {  	s7 =	ssub.s32 $0x2, s0;
	s4 =	sor.u32 s11, s2;
	s2 =	simm.s32 $0x0  }
0xd: {  	s0 =	smul.u32 $0x2780, s0;
	s9 =	sshrl.u32 s7, $0x1;
	[smem:$0x7FF] =	sst s2  }
0xe: {  	s4 =	smul.u32 $0x4E2, s4;
	_ =	strace $0x80000047;
	[dreg:$0x4] =	wrdreg s6  }
0xf: {  	s7 =	ssub.s32 s7, s9;
	s0 =	sadd.s32 s3, s0;
	[dreg:$0x7] =	wrdreg s24  }
0x10: {  	s3 =	simm.s32 $0x2;
	s9 =	simm.s32 $0x2710;
	[dreg:$0x8] =	wrdreg s25  }
0x11: {  	s6 =	sshrl.u32 s5, $0x3;
	s12 =	smax.u32 s7, $0x1;
	[dreg:$0x9] =	wrdreg s26  }
0x12: {  	s24 =	simm.s32 $0x1A90;
	s25 =	simm.s32 $0x1C20;
	p1 =	sne.s32 s12, $0x1  }
.Ltmp0:
0x13: {  	s26 =	simm.s32 $0x1DB0;
	s4 =	sadd.s32 s4, s1;
	(pc) =	sbr.rel @!p1 .LBB2_1-.Ltmp0, $4  }
0x14: {  	s7 =	simm.s32 $0x1;
	s1 =	sadd.s32 s6, s1;
	s4 =	sadd.s32 $0xC00, s4  }
0x15: {  	s6 =	sadd.s32 s6, s0;
	s1 =	sadd.s32 $0x14800, s1;
	[dreg:$0x5] =	wrdreg s4  }
0x16: {  	[dreg:$0x6] =	wrdreg s1;
	s4 =	sadd.s32 s5, s8;
	s5 =	simm.s32 $0x3390  }
0x17: {  	s1 =	sadd.s32 $0xFFFFFFFF, s12;
	s12 =	simm.s32 $0x2580;
	s0 =	rddreg [dreg:$0x5]  }
0x18: {  	[tilespmem:s2], [sflag:$0x2] =	stream.linear.gather [hbm4b:s0+s2], $0x2710, $0x38;
	[tilespmem:$0x5B10] =	vst v63  }
0x19: {  	_ =	swait.ge [sflag:s3], $0x2710  }
0x1a: {  	[sflag:s3] =	ssyncset.done $0x0  }
0x1b: {  	s11 =	rddreg [dreg:$0x4];
	[sflag:s3] =	ssyncadd.s32 $0xFFFFD8F0  }
0x1c: {  	[tilespmem:s9], [sflag:$0x2] =	stream.linear.gather [hbm4b:s11+s2], $0xC80, $0x38;
	[tilespmem:$0x5B10] =	vst v63  }
0x1d: {  	_ =	swait.ge [sflag:s3], $0xC80  }
0x1e: {  	[sflag:s3] =	ssyncset.done $0x0  }
0x1f: {  	s11 =	rddreg [dreg:$0x6];
	[sflag:s3] =	ssyncadd.s32 $0xFFFFF380  }
0x20: {  	[tilespmem:s5], [sflag:$0x2] =	stream.linear.gather [hbm4b:s11+s2], $0x13C0, $0x38;
	[tilespmem:$0x5B10] =	vst v63  }
0x21: {  	_ =	swait.ge [sflag:s3], $0x13C0  }
0x22: {  	[sflag:s3] =	ssyncset.done $0x0  }
0x23: {  	[sflag:s3] =	ssyncadd.s32 $0xFFFFEC40  }
0x24: {  	[spmem:s4] =	stream.linear.scatter [tilespmem:s5], [sflag:$0x2], $0x13C0, $0x38;
	[tilespmem:$0x5B10] =	vst v63  }
0x25: {  	_ =	swait.ge [sflag:s3], $0x13C0  }
0x26: {  	[sflag:s3] =	ssyncset.done $0x0  }
0x27: {  	[sflag:s3] =	ssyncadd.s32 $0xFFFFEC40  }
0x28: {  	[bflag:$0x0] =	sbarrier.arrive $0xFFFF  }
0x29: {  	[spmem:s8] =	stream.indirect.scatter.add.f32 [tilespmem:s9], [sflag:$0x1], $0x8, s2, s10, $0xb8;
	[tilespmem:$0x5B10] =	vst v63  }
0x2a: {  	_ = 	snop  }
0x2b: {  	[spmem:s8] =	stream.indirect.scatter.add.f32 [tilespmem:s9], [sflag:$0x1], $0x8, s10, s10, $0xb8;
	[tilespmem:$0x5B10] =	vst v63  }
0x2c: {  	s0 =	rddreg [dreg:$0x7]  }
0x2d: {  	[spmem:s8] =	stream.indirect.scatter.add.f32 [tilespmem:s9], [sflag:$0x1], $0x8, s0, s10, $0xb8;
	[tilespmem:$0x5B10] =	vst v63  }
0x2e: {  	s11 =	smov.u32 s1;
	s1 =	rddreg [dreg:$0x8]  }
0x2f: {  	[spmem:s8] =	stream.indirect.scatter.add.f32 [tilespmem:s9], [sflag:$0x1], $0x8, s1, s10, $0xb8;
	[tilespmem:$0x5B10] =	vst v63  }
0x30: {  	s0 =	rddreg [dreg:$0x9]  }
0x31: {  	[spmem:s8] =	stream.indirect.scatter.add.f32 [tilespmem:s9], [sflag:$0x1], $0x8, s0, s10, $0xb8;
	[tilespmem:$0x5B10] =	vst v63  }
0x32: {  	s1 =	simm.s32 $0x7D0  }
0x33: {  	[spmem:s8] =	stream.indirect.scatter.add.f32 [tilespmem:s9], [sflag:$0x1], $0x8, s1, s10, $0xb8;
	[tilespmem:$0x5B10] =	vst v63  }
0x34: {  	_ = 	snop  }
0x35: {  	[spmem:s8] =	stream.indirect.scatter.add.f32 [tilespmem:s9], [sflag:$0x1], $0x8, s13, s10, $0xb8;
	[tilespmem:$0x5B10] =	vst v63  }
0x36: {  	_ = 	snop  }
0x37: {  	[spmem:s8] =	stream.indirect.scatter.add.f32 [tilespmem:s9], [sflag:$0x1], $0x8, s14, s10, $0xb8;
	[tilespmem:$0x5B10] =	vst v63  }
0x38: {  	_ = 	snop  }
0x39: {  	[spmem:s8] =	stream.indirect.scatter.add.f32 [tilespmem:s9], [sflag:$0x1], $0x8, s15, s10, $0xb8;
	[tilespmem:$0x5B10] =	vst v63  }
0x3a: {  	_ = 	snop  }
0x3b: {  	[spmem:s8] =	stream.indirect.scatter.add.f32 [tilespmem:s9], [sflag:$0x1], $0x8, s16, s10, $0xb8;
	[tilespmem:$0x5B10] =	vst v63  }
0x3c: {  	_ = 	snop  }
0x3d: {  	[spmem:s8] =	stream.indirect.scatter.add.f32 [tilespmem:s9], [sflag:$0x1], $0x8, s17, s10, $0xb8;
	[tilespmem:$0x5B10] =	vst v63  }
0x3e: {  	_ = 	snop  }
0x3f: {  	[spmem:s8] =	stream.indirect.scatter.add.f32 [tilespmem:s9], [sflag:$0x1], $0x8, s18, s10, $0xb8;
	[tilespmem:$0x5B10] =	vst v63  }
0x40: {  	_ = 	snop  }
0x41: {  	[spmem:s8] =	stream.indirect.scatter.add.f32 [tilespmem:s9], [sflag:$0x1], $0x8, s19, s10, $0xb8;
	[tilespmem:$0x5B10] =	vst v63  }
0x42: {  	_ = 	snop  }
0x43: {  	[spmem:s8] =	stream.indirect.scatter.add.f32 [tilespmem:s9], [sflag:$0x1], $0x8, s20, s10, $0xb8;
	[tilespmem:$0x5B10] =	vst v63  }
0x44: {  	_ = 	snop  }
0x45: {  	[spmem:s8] =	stream.indirect.scatter.add.f32 [tilespmem:s9], [sflag:$0x1], $0x8, s21, s10, $0xb8;
	[tilespmem:$0x5B10] =	vst v63  }
0x46: {  	_ = 	snop  }
0x47: {  	[spmem:s8] =	stream.indirect.scatter.add.f32 [tilespmem:s9], [sflag:$0x1], $0x8, s22, s10, $0xb8;
	[tilespmem:$0x5B10] =	vst v63  }
0x48: {  	_ = 	snop  }
0x49: {  	[spmem:s8] =	stream.indirect.scatter.add.f32 [tilespmem:s9], [sflag:$0x1], $0x8, s23, s10, $0xb8;
	[tilespmem:$0x5B10] =	vst v63  }
0x4a: {  	_ = 	snop  }
0x4b: {  	[spmem:s8] =	stream.indirect.scatter.add.f32 [tilespmem:s9], [sflag:$0x1], $0x8, s24, s10, $0xb8;
	[tilespmem:$0x5B10] =	vst v63  }
0x4c: {  	_ = 	snop  }
0x4d: {  	[spmem:s8] =	stream.indirect.scatter.add.f32 [tilespmem:s9], [sflag:$0x1], $0x8, s25, s10, $0xb8;
	[tilespmem:$0x5B10] =	vst v63  }
0x4e: {  	_ = 	snop  }
0x4f: {  	[spmem:s8] =	stream.indirect.scatter.add.f32 [tilespmem:s9], [sflag:$0x1], $0x8, s26, s10, $0xb8;
	[tilespmem:$0x5B10] =	vst v63  }
0x50: {  	_ = 	snop  }
0x51: {  	[spmem:s8] =	stream.indirect.scatter.add.f32 [tilespmem:s9], [sflag:$0x1], $0x8, s28, s10, $0xb8;
	[tilespmem:$0x5B10] =	vst v63  }
0x52: {  	_ = 	snop  }
0x53: {  	[spmem:s8] =	stream.indirect.scatter.add.f32 [tilespmem:s9], [sflag:$0x1], $0x8, s29, s10, $0xb8;
	[tilespmem:$0x5B10] =	vst v63  }
0x54: {  	_ = 	snop  }
0x55: {  	[spmem:s8] =	stream.indirect.scatter.add.f32 [tilespmem:s9], [sflag:$0x1], $0x8, s30, s10, $0xb8;
	[tilespmem:$0x5B10] =	vst v63  }
0x56: {  	_ = 	snop  }
0x57: {  	[spmem:s8] =	stream.indirect.scatter.add.f32 [tilespmem:s9], [sflag:$0x1], $0x8, s31, s10, $0xb8;
	[tilespmem:$0x5B10] =	vst v63  }
0x58: {  	_ = 	snop  }
0x59: {  	[spmem:s8] =	stream.indirect.scatter.add.f32 [tilespmem:s9], [sflag:$0x1], $0x8, s12, s10, $0xb8;
	[tilespmem:$0x5B10] =	vst v63  }
0x5a: {  	_ =	swait.ge [sflag:s7], $0xC80  }
0x5b: {  	[sflag:s7] =	ssyncset.done $0x0  }
0x5c: {  	[sflag:s7] =	ssyncadd.s32 $0xFFFFF380  }
0x5d: {  	_ =	swait.ge [sflag:s7], $0xC80  }
0x5e: {  	[sflag:s7] =	ssyncset.done $0x0  }
0x5f: {  	[sflag:s7] =	ssyncadd.s32 $0xFFFFF380  }
0x60: {  	_ =	swait.ge [sflag:s7], $0xC80  }
0x61: {  	[sflag:s7] =	ssyncset.done $0x0  }
0x62: {  	[sflag:s7] =	ssyncadd.s32 $0xFFFFF380  }
0x63: {  	_ =	swait.ge [sflag:s7], $0xC80  }
0x64: {  	[sflag:s7] =	ssyncset.done $0x0  }
0x65: {  	[sflag:s7] =	ssyncadd.s32 $0xFFFFF380  }
0x66: {  	_ =	swait.ge [sflag:s7], $0xC80  }
0x67: {  	[sflag:s7] =	ssyncset.done $0x0  }
0x68: {  	[sflag:s7] =	ssyncadd.s32 $0xFFFFF380  }
0x69: {  	_ =	swait.ge [sflag:s7], $0xC80  }
0x6a: {  	[sflag:s7] =	ssyncset.done $0x0  }
0x6b: {  	[sflag:s7] =	ssyncadd.s32 $0xFFFFF380  }
0x6c: {  	_ =	swait.ge [sflag:s7], $0xC80  }
0x6d: {  	[sflag:s7] =	ssyncset.done $0x0  }
0x6e: {  	[sflag:s7] =	ssyncadd.s32 $0xFFFFF380  }
0x6f: {  	_ =	swait.ge [sflag:s7], $0xC80  }
0x70: {  	[sflag:s7] =	ssyncset.done $0x0  }
0x71: {  	[sflag:s7] =	ssyncadd.s32 $0xFFFFF380  }
0x72: {  	_ =	swait.ge [sflag:s7], $0xC80  }
0x73: {  	[sflag:s7] =	ssyncset.done $0x0  }
0x74: {  	[sflag:s7] =	ssyncadd.s32 $0xFFFFF380  }
0x75: {  	_ =	swait.ge [sflag:s7], $0xC80  }
0x76: {  	[sflag:s7] =	ssyncset.done $0x0  }
0x77: {  	[sflag:s7] =	ssyncadd.s32 $0xFFFFF380  }
0x78: {  	_ =	swait.ge [sflag:s7], $0xC80  }
0x79: {  	[sflag:s7] =	ssyncset.done $0x0  }
0x7a: {  	[sflag:s7] =	ssyncadd.s32 $0xFFFFF380  }
0x7b: {  	_ =	swait.ge [sflag:s7], $0xC80  }
0x7c: {  	[sflag:s7] =	ssyncset.done $0x0  }
0x7d: {  	[sflag:s7] =	ssyncadd.s32 $0xFFFFF380  }
0x7e: {  	_ =	swait.ge [sflag:s7], $0xC80  }
0x7f: {  	[sflag:s7] =	ssyncset.done $0x0  }
0x80: {  	[sflag:s7] =	ssyncadd.s32 $0xFFFFF380  }
0x81: {  	_ =	swait.ge [sflag:s7], $0xC80  }
0x82: {  	[sflag:s7] =	ssyncset.done $0x0  }
0x83: {  	[sflag:s7] =	ssyncadd.s32 $0xFFFFF380  }
0x84: {  	_ =	swait.ge [sflag:s7], $0xC80  }
0x85: {  	[sflag:s7] =	ssyncset.done $0x0  }
0x86: {  	[sflag:s7] =	ssyncadd.s32 $0xFFFFF380  }
0x87: {  	_ =	swait.ge [sflag:s7], $0xC80  }
0x88: {  	[sflag:s7] =	ssyncset.done $0x0  }
0x89: {  	[sflag:s7] =	ssyncadd.s32 $0xFFFFF380  }
0x8a: {  	_ =	swait.ge [sflag:s7], $0xC80  }
0x8b: {  	[sflag:s7] =	ssyncset.done $0x0  }
0x8c: {  	[sflag:s7] =	ssyncadd.s32 $0xFFFFF380  }
0x8d: {  	_ =	swait.ge [sflag:s7], $0xC80  }
0x8e: {  	[sflag:s7] =	ssyncset.done $0x0  }
0x8f: {  	[sflag:s7] =	ssyncadd.s32 $0xFFFFF380  }
0x90: {  	_ =	swait.ge [sflag:s7], $0xC80  }
0x91: {  	[sflag:s7] =	ssyncset.done $0x0  }
0x92: {  	[sflag:s7] =	ssyncadd.s32 $0xFFFFF380  }
0x93: {  	_ =	swait.ge [sflag:s7], $0xC80  }
0x94: {  	[sflag:s7] =	ssyncset.done $0x0  }
0x95: {  	[sflag:s7] =	ssyncadd.s32 $0xFFFFF380  }
0x96: {  	_ =	swait.ge [sflag:s7], $0xC80  }
0x97: {  	[sflag:s7] =	ssyncset.done $0x0  }
0x98: {  	[sflag:s7] =	ssyncadd.s32 $0xFFFFF380  }
0x99: {  	_ =	swait.ge [sflag:s7], $0xC80  }
0x9a: {  	[sflag:s7] =	ssyncset.done $0x0  }
0x9b: {  	[sflag:s7] =	ssyncadd.s32 $0xFFFFF380  }
0x9c: {  	_ =	swait.ge [sflag:s7], $0xC80  }
0x9d: {  	[sflag:s7] =	ssyncset.done $0x0  }
0x9e: {  	[sflag:s7] =	ssyncadd.s32 $0xFFFFF380  }
0x9f: {  	_ =	swait.ge [sflag:s7], $0xC80  }
0xa0: {  	[sflag:s7] =	ssyncset.done $0x0  }
0xa1: {  	[sflag:s7] =	ssyncadd.s32 $0xFFFFF380  }
0xa2: {  	_ =	swait.ge [sflag:s7], $0xC80  }
0xa3: {  	[sflag:s7] =	ssyncset.done $0x0  }
0xa4: {  	[sflag:s7] =	ssyncadd.s32 $0xFFFFF380  }
0xa5: {  	[bflag:$0x0] =	sbarrier.arrive $0xFFFF  }
0xa6: {  	[tilespmem:s5], [sflag:$0x2] =	stream.linear.gather [spmem:s4], $0x13C0, $0x38;
	[tilespmem:$0x5B10] =	vst v63  }
0xa7: {  	p1 =	sne.s32 s11, $0x1;
	_ =	swait.ge [sflag:s3], $0x13C0  }
.Ltmp1:
0xa8: {  	[sflag:s3] =	ssyncset.done $0x0;
	(pc) =	sbr.rel @!p1 .LBB2_3-.Ltmp1, $4  }
0xa9: {  	[sflag:s3] =	ssyncadd.s32 $0xFFFFEC40  }
0xaa: {  	[hbm4b:s6+s2] =	stream.linear.scatter [tilespmem:s5], [sflag:$0x2], $0x13C0, $0x38;
	[tilespmem:$0x5B10] =	vst v63  }
0xab: {  	p0 =	por $0x1, $0x1;
	_ =	swait.ge [sflag:s3], $0x13C0  }
0xac: {  	s1 =	sadd.s32 $0xFFFFFFFF, s11;
	s0 =	rddreg [dreg:$0x5];
	[sflag:s3] =	ssyncset.done $0x0  }
.LBB2_4:
0xad: {  	[sflag:s3] =	ssyncadd.s32 $0xFFFFEC40  }
0xae: {  	[tilespmem:s2], [sflag:$0x2] =	stream.linear.gather [hbm4b:s0+s2], $0x2710, $0x38;
	[tilespmem:$0x5B10] =	vst v63  }
0xaf: {  	_ =	swait.ge [sflag:s3], $0x2710  }
0xb0: {  	[sflag:s3] =	ssyncset.done $0x0  }
0xb1: {  	s11 =	rddreg [dreg:$0x4];
	[sflag:s3] =	ssyncadd.s32 $0xFFFFD8F0  }
0xb2: {  	[tilespmem:s9], [sflag:$0x2] =	stream.linear.gather [hbm4b:s11+s2], $0xC80, $0x38;
	[tilespmem:$0x5B10] =	vst v63  }
0xb3: {  	_ =	swait.ge [sflag:s3], $0xC80  }
0xb4: {  	[sflag:s3] =	ssyncset.done $0x0  }
0xb5: {  	s11 =	rddreg [dreg:$0x6];
	[sflag:s3] =	ssyncadd.s32 $0xFFFFF380  }
0xb6: {  	[tilespmem:s5], [sflag:$0x2] =	stream.linear.gather [hbm4b:s11+s2], $0x13C0, $0x38;
	[tilespmem:$0x5B10] =	vst v63  }
0xb7: {  	_ =	swait.ge [sflag:s3], $0x13C0  }
0xb8: {  	[sflag:s3] =	ssyncset.done $0x0  }
0xb9: {  	[sflag:s3] =	ssyncadd.s32 $0xFFFFEC40  }
0xba: {  	[spmem:s4] =	stream.linear.scatter [tilespmem:s5], [sflag:$0x2], $0x13C0, $0x38;
	[tilespmem:$0x5B10] =	vst v63  }
0xbb: {  	_ =	swait.ge [sflag:s3], $0x13C0  }
0xbc: {  	[sflag:s3] =	ssyncset.done $0x0  }
0xbd: {  	[sflag:s3] =	ssyncadd.s32 $0xFFFFEC40  }
0xbe: {  	[bflag:$0x0] =	sbarrier.arrive $0xFFFF  }
0xbf: {  	[spmem:s8] =	stream.indirect.scatter.add.f32 [tilespmem:s9], [sflag:$0x1], $0x8, s2, s10, $0xb8;
	[tilespmem:$0x5B10] =	vst v63  }
0xc0: {  	_ = 	snop  }
0xc1: {  	[spmem:s8] =	stream.indirect.scatter.add.f32 [tilespmem:s9], [sflag:$0x1], $0x8, s10, s10, $0xb8;
	[tilespmem:$0x5B10] =	vst v63  }
0xc2: {  	s0 =	rddreg [dreg:$0x7]  }
0xc3: {  	[spmem:s8] =	stream.indirect.scatter.add.f32 [tilespmem:s9], [sflag:$0x1], $0x8, s0, s10, $0xb8;
	[tilespmem:$0x5B10] =	vst v63  }
0xc4: {  	s11 =	rddreg [dreg:$0x8]  }
0xc5: {  	[spmem:s8] =	stream.indirect.scatter.add.f32 [tilespmem:s9], [sflag:$0x1], $0x8, s11, s10, $0xb8;
	[tilespmem:$0x5B10] =	vst v63  }
0xc6: {  	s0 =	rddreg [dreg:$0x9]  }
0xc7: {  	[spmem:s8] =	stream.indirect.scatter.add.f32 [tilespmem:s9], [sflag:$0x1], $0x8, s0, s10, $0xb8;
	[tilespmem:$0x5B10] =	vst v63  }
0xc8: {  	s11 =	simm.s32 $0x7D0  }
0xc9: {  	[spmem:s8] =	stream.indirect.scatter.add.f32 [tilespmem:s9], [sflag:$0x1], $0x8, s11, s10, $0xb8;
	[tilespmem:$0x5B10] =	vst v63  }
0xca: {  	_ = 	snop  }
0xcb: {  	[spmem:s8] =	stream.indirect.scatter.add.f32 [tilespmem:s9], [sflag:$0x1], $0x8, s13, s10, $0xb8;
	[tilespmem:$0x5B10] =	vst v63  }
0xcc: {  	_ = 	snop  }
0xcd: {  	[spmem:s8] =	stream.indirect.scatter.add.f32 [tilespmem:s9], [sflag:$0x1], $0x8, s14, s10, $0xb8;
	[tilespmem:$0x5B10] =	vst v63  }
0xce: {  	_ = 	snop  }
0xcf: {  	[spmem:s8] =	stream.indirect.scatter.add.f32 [tilespmem:s9], [sflag:$0x1], $0x8, s15, s10, $0xb8;
	[tilespmem:$0x5B10] =	vst v63  }
0xd0: {  	_ = 	snop  }
0xd1: {  	[spmem:s8] =	stream.indirect.scatter.add.f32 [tilespmem:s9], [sflag:$0x1], $0x8, s16, s10, $0xb8;
	[tilespmem:$0x5B10] =	vst v63  }
0xd2: {  	_ = 	snop  }
0xd3: {  	[spmem:s8] =	stream.indirect.scatter.add.f32 [tilespmem:s9], [sflag:$0x1], $0x8, s17, s10, $0xb8;
	[tilespmem:$0x5B10] =	vst v63  }
0xd4: {  	_ = 	snop  }
0xd5: {  	[spmem:s8] =	stream.indirect.scatter.add.f32 [tilespmem:s9], [sflag:$0x1], $0x8, s18, s10, $0xb8;
	[tilespmem:$0x5B10] =	vst v63  }
0xd6: {  	_ = 	snop  }
0xd7: {  	[spmem:s8] =	stream.indirect.scatter.add.f32 [tilespmem:s9], [sflag:$0x1], $0x8, s19, s10, $0xb8;
	[tilespmem:$0x5B10] =	vst v63  }
0xd8: {  	_ = 	snop  }
0xd9: {  	[spmem:s8] =	stream.indirect.scatter.add.f32 [tilespmem:s9], [sflag:$0x1], $0x8, s20, s10, $0xb8;
	[tilespmem:$0x5B10] =	vst v63  }
0xda: {  	_ = 	snop  }
0xdb: {  	[spmem:s8] =	stream.indirect.scatter.add.f32 [tilespmem:s9], [sflag:$0x1], $0x8, s21, s10, $0xb8;
	[tilespmem:$0x5B10] =	vst v63  }
0xdc: {  	_ = 	snop  }
0xdd: {  	[spmem:s8] =	stream.indirect.scatter.add.f32 [tilespmem:s9], [sflag:$0x1], $0x8, s22, s10, $0xb8;
	[tilespmem:$0x5B10] =	vst v63  }
0xde: {  	_ = 	snop  }
0xdf: {  	[spmem:s8] =	stream.indirect.scatter.add.f32 [tilespmem:s9], [sflag:$0x1], $0x8, s23, s10, $0xb8;
	[tilespmem:$0x5B10] =	vst v63  }
0xe0: {  	_ = 	snop  }
0xe1: {  	[spmem:s8] =	stream.indirect.scatter.add.f32 [tilespmem:s9], [sflag:$0x1], $0x8, s24, s10, $0xb8;
	[tilespmem:$0x5B10] =	vst v63  }
0xe2: {  	_ = 	snop  }
0xe3: {  	[spmem:s8] =	stream.indirect.scatter.add.f32 [tilespmem:s9], [sflag:$0x1], $0x8, s25, s10, $0xb8;
	[tilespmem:$0x5B10] =	vst v63  }
0xe4: {  	_ = 	snop  }
0xe5: {  	[spmem:s8] =	stream.indirect.scatter.add.f32 [tilespmem:s9], [sflag:$0x1], $0x8, s26, s10, $0xb8;
	[tilespmem:$0x5B10] =	vst v63  }
0xe6: {  	_ = 	snop  }
0xe7: {  	[spmem:s8] =	stream.indirect.scatter.add.f32 [tilespmem:s9], [sflag:$0x1], $0x8, s28, s10, $0xb8;
	[tilespmem:$0x5B10] =	vst v63  }
0xe8: {  	_ = 	snop  }
0xe9: {  	[spmem:s8] =	stream.indirect.scatter.add.f32 [tilespmem:s9], [sflag:$0x1], $0x8, s29, s10, $0xb8;
	[tilespmem:$0x5B10] =	vst v63  }
0xea: {  	_ = 	snop  }
0xeb: {  	[spmem:s8] =	stream.indirect.scatter.add.f32 [tilespmem:s9], [sflag:$0x1], $0x8, s30, s10, $0xb8;
	[tilespmem:$0x5B10] =	vst v63  }
0xec: {  	_ = 	snop  }
0xed: {  	[spmem:s8] =	stream.indirect.scatter.add.f32 [tilespmem:s9], [sflag:$0x1], $0x8, s31, s10, $0xb8;
	[tilespmem:$0x5B10] =	vst v63  }
0xee: {  	_ = 	snop  }
0xef: {  	[spmem:s8] =	stream.indirect.scatter.add.f32 [tilespmem:s9], [sflag:$0x1], $0x8, s12, s10, $0xb8;
	[tilespmem:$0x5B10] =	vst v63  }
0xf0: {  	_ =	swait.ge [sflag:s7], $0xC80  }
0xf1: {  	[sflag:s7] =	ssyncset.done $0x0  }
0xf2: {  	[sflag:s7] =	ssyncadd.s32 $0xFFFFF380  }
0xf3: {  	_ =	swait.ge [sflag:s7], $0xC80  }
0xf4: {  	[sflag:s7] =	ssyncset.done $0x0  }
0xf5: {  	[sflag:s7] =	ssyncadd.s32 $0xFFFFF380  }
0xf6: {  	_ =	swait.ge [sflag:s7], $0xC80  }
0xf7: {  	[sflag:s7] =	ssyncset.done $0x0  }
0xf8: {  	[sflag:s7] =	ssyncadd.s32 $0xFFFFF380  }
0xf9: {  	_ =	swait.ge [sflag:s7], $0xC80  }
0xfa: {  	[sflag:s7] =	ssyncset.done $0x0  }
0xfb: {  	[sflag:s7] =	ssyncadd.s32 $0xFFFFF380  }
0xfc: {  	_ =	swait.ge [sflag:s7], $0xC80  }
0xfd: {  	[sflag:s7] =	ssyncset.done $0x0  }
0xfe: {  	[sflag:s7] =	ssyncadd.s32 $0xFFFFF380  }
0xff: {  	_ =	swait.ge [sflag:s7], $0xC80  }
0x100: {  	[sflag:s7] =	ssyncset.done $0x0  }
0x101: {  	[sflag:s7] =	ssyncadd.s32 $0xFFFFF380  }
0x102: {  	_ =	swait.ge [sflag:s7], $0xC80  }
0x103: {  	[sflag:s7] =	ssyncset.done $0x0  }
0x104: {  	[sflag:s7] =	ssyncadd.s32 $0xFFFFF380  }
0x105: {  	_ =	swait.ge [sflag:s7], $0xC80  }
0x106: {  	[sflag:s7] =	ssyncset.done $0x0  }
0x107: {  	[sflag:s7] =	ssyncadd.s32 $0xFFFFF380  }
0x108: {  	_ =	swait.ge [sflag:s7], $0xC80  }
0x109: {  	[sflag:s7] =	ssyncset.done $0x0  }
0x10a: {  	[sflag:s7] =	ssyncadd.s32 $0xFFFFF380  }
0x10b: {  	_ =	swait.ge [sflag:s7], $0xC80  }
0x10c: {  	[sflag:s7] =	ssyncset.done $0x0  }
0x10d: {  	[sflag:s7] =	ssyncadd.s32 $0xFFFFF380  }
0x10e: {  	_ =	swait.ge [sflag:s7], $0xC80  }
0x10f: {  	[sflag:s7] =	ssyncset.done $0x0  }
0x110: {  	[sflag:s7] =	ssyncadd.s32 $0xFFFFF380  }
0x111: {  	_ =	swait.ge [sflag:s7], $0xC80  }
0x112: {  	[sflag:s7] =	ssyncset.done $0x0  }
0x113: {  	[sflag:s7] =	ssyncadd.s32 $0xFFFFF380  }
0x114: {  	_ =	swait.ge [sflag:s7], $0xC80  }
0x115: {  	[sflag:s7] =	ssyncset.done $0x0  }
0x116: {  	[sflag:s7] =	ssyncadd.s32 $0xFFFFF380  }
0x117: {  	_ =	swait.ge [sflag:s7], $0xC80  }
0x118: {  	[sflag:s7] =	ssyncset.done $0x0  }
0x119: {  	[sflag:s7] =	ssyncadd.s32 $0xFFFFF380  }
0x11a: {  	_ =	swait.ge [sflag:s7], $0xC80  }
0x11b: {  	[sflag:s7] =	ssyncset.done $0x0  }
0x11c: {  	[sflag:s7] =	ssyncadd.s32 $0xFFFFF380  }
0x11d: {  	_ =	swait.ge [sflag:s7], $0xC80  }
0x11e: {  	[sflag:s7] =	ssyncset.done $0x0  }
0x11f: {  	[sflag:s7] =	ssyncadd.s32 $0xFFFFF380  }
0x120: {  	_ =	swait.ge [sflag:s7], $0xC80  }
0x121: {  	[sflag:s7] =	ssyncset.done $0x0  }
0x122: {  	[sflag:s7] =	ssyncadd.s32 $0xFFFFF380  }
0x123: {  	_ =	swait.ge [sflag:s7], $0xC80  }
0x124: {  	[sflag:s7] =	ssyncset.done $0x0  }
0x125: {  	[sflag:s7] =	ssyncadd.s32 $0xFFFFF380  }
0x126: {  	_ =	swait.ge [sflag:s7], $0xC80  }
0x127: {  	[sflag:s7] =	ssyncset.done $0x0  }
0x128: {  	[sflag:s7] =	ssyncadd.s32 $0xFFFFF380  }
0x129: {  	_ =	swait.ge [sflag:s7], $0xC80  }
0x12a: {  	[sflag:s7] =	ssyncset.done $0x0  }
0x12b: {  	[sflag:s7] =	ssyncadd.s32 $0xFFFFF380  }
0x12c: {  	_ =	swait.ge [sflag:s7], $0xC80  }
0x12d: {  	[sflag:s7] =	ssyncset.done $0x0  }
0x12e: {  	[sflag:s7] =	ssyncadd.s32 $0xFFFFF380  }
0x12f: {  	_ =	swait.ge [sflag:s7], $0xC80  }
0x130: {  	[sflag:s7] =	ssyncset.done $0x0  }
0x131: {  	[sflag:s7] =	ssyncadd.s32 $0xFFFFF380  }
0x132: {  	_ =	swait.ge [sflag:s7], $0xC80  }
0x133: {  	[sflag:s7] =	ssyncset.done $0x0  }
0x134: {  	[sflag:s7] =	ssyncadd.s32 $0xFFFFF380  }
0x135: {  	_ =	swait.ge [sflag:s7], $0xC80  }
0x136: {  	[sflag:s7] =	ssyncset.done $0x0  }
0x137: {  	[sflag:s7] =	ssyncadd.s32 $0xFFFFF380  }
0x138: {  	_ =	swait.ge [sflag:s7], $0xC80  }
0x139: {  	[sflag:s7] =	ssyncset.done $0x0  }
0x13a: {  	[sflag:s7] =	ssyncadd.s32 $0xFFFFF380  }
0x13b: {  	[bflag:$0x0] =	sbarrier.arrive $0xFFFF  }
0x13c: {  	[tilespmem:s5], [sflag:$0x2] =	stream.linear.gather [spmem:s4], $0x13C0, $0x38;
	[tilespmem:$0x5B10] =	vst v63  }
0x13d: {  	p1 =	sne.s32 s1, $0x1;
	_ =	swait.ge [sflag:s3], $0x13C0  }
.Ltmp2:
0x13e: {  	[sflag:s3] =	ssyncset.done $0x0;
	(pc) =	sbr.rel @p1 .LBB2_4-.Ltmp2, $4  }
0x13f: {  	[sflag:s3] =	ssyncadd.s32 $0xFFFFEC40  }
0x140: {  	[hbm4b:s6+s2] =	stream.linear.scatter [tilespmem:s5], [sflag:$0x2], $0x13C0, $0x38;
	[tilespmem:$0x5B10] =	vst v63  }
0x141: {  	_ =	swait.ge [sflag:s3], $0x13C0  }
0x142: {  	s1 =	sadd.s32 $0xFFFFFFFF, s1;
	s0 =	rddreg [dreg:$0x5];
	[sflag:s3] =	ssyncset.done $0x0  }
0x143: {  	s31 =	simm.s32 $0x23F0;
	s30 =	simm.s32 $0x2260  }
0x144: {  	s29 =	simm.s32 $0x20D0;
	s28 =	simm.s32 $0x1F40;
	s26 =	simm.s32 $0x1DB0  }
0x145: {  	s25 =	simm.s32 $0x1C20;
	s24 =	simm.s32 $0x1A90;
	s23 =	simm.s32 $0x1900  }
0x146: {  	s22 =	simm.s32 $0x1770;
	s21 =	simm.s32 $0x15E0;
	s20 =	simm.s32 $0x1450  }
0x147: {  	s19 =	simm.s32 $0x12C0;
	s18 =	simm.s32 $0x1130;
	s17 =	simm.s32 $0xFA0  }
0x148: {  	s16 =	simm.s32 $0xE10;
	s15 =	simm.s32 $0xC80;
	s14 =	simm.s32 $0xAF0  }
0x149: {  	s13 =	simm.s32 $0x960;
	s12 =	simm.s32 $0x7D0;
	s11 =	stileid.u32  }
.LBB2_6:
0x14a: {  	[sflag:s3] =	ssyncadd.s32 @p0 $0xFFFFEC40  }
0x14b: {  	[tilespmem:s2], [sflag:$0x2] =	stream.linear.gather [hbm4b:s0+s2], $0x2710, $0x38;
	[tilespmem:$0x5B10] =	vst v63  }
0x14c: {  	_ =	swait.ge [sflag:s3], $0x2710  }
0x14d: {  	[sflag:s3] =	ssyncset.done $0x0  }
0x14e: {  	s1 =	rddreg [dreg:$0x4];
	[sflag:s3] =	ssyncadd.s32 $0xFFFFD8F0  }
0x14f: {  	[tilespmem:s9], [sflag:$0x2] =	stream.linear.gather [hbm4b:s1+s2], $0xC80, $0x38;
	[tilespmem:$0x5B10] =	vst v63  }
0x150: {  	_ =	swait.ge [sflag:s3], $0xC80  }
0x151: {  	[sflag:s3] =	ssyncset.done $0x0  }
0x152: {  	s1 =	rddreg [dreg:$0x6];
	[sflag:s3] =	ssyncadd.s32 $0xFFFFF380  }
0x153: {  	[tilespmem:s5], [sflag:$0x2] =	stream.linear.gather [hbm4b:s1+s2], $0x13C0, $0x38;
	[tilespmem:$0x5B10] =	vst v63  }
0x154: {  	_ =	swait.ge [sflag:s3], $0x13C0  }
0x155: {  	[sflag:s3] =	ssyncset.done $0x0  }
0x156: {  	[sflag:s3] =	ssyncadd.s32 $0xFFFFEC40  }
0x157: {  	[spmem:s4] =	stream.linear.scatter [tilespmem:s5], [sflag:$0x2], $0x13C0, $0x38;
	[tilespmem:$0x5B10] =	vst v63  }
0x158: {  	_ =	swait.ge [sflag:s3], $0x13C0  }
0x159: {  	[sflag:s3] =	ssyncset.done $0x0  }
0x15a: {  	[sflag:s3] =	ssyncadd.s32 $0xFFFFEC40  }
0x15b: {  	[bflag:$0x0] =	sbarrier.arrive $0xFFFF  }
0x15c: {  	[spmem:s8] =	stream.indirect.scatter.add.f32 [tilespmem:s9], [sflag:$0x1], $0x8, s2, s10, $0xb8;
	[tilespmem:$0x5B10] =	vst v63  }
0x15d: {  	_ = 	snop  }
0x15e: {  	[spmem:s8] =	stream.indirect.scatter.add.f32 [tilespmem:s9], [sflag:$0x1], $0x8, s10, s10, $0xb8;
	[tilespmem:$0x5B10] =	vst v63  }
0x15f: {  	s0 =	rddreg [dreg:$0x7]  }
0x160: {  	[spmem:s8] =	stream.indirect.scatter.add.f32 [tilespmem:s9], [sflag:$0x1], $0x8, s0, s10, $0xb8;
	[tilespmem:$0x5B10] =	vst v63  }
0x161: {  	s1 =	rddreg [dreg:$0x8]  }
0x162: {  	[spmem:s8] =	stream.indirect.scatter.add.f32 [tilespmem:s9], [sflag:$0x1], $0x8, s1, s10, $0xb8;
	[tilespmem:$0x5B10] =	vst v63  }
0x163: {  	s0 =	rddreg [dreg:$0x9]  }
0x164: {  	[spmem:s8] =	stream.indirect.scatter.add.f32 [tilespmem:s9], [sflag:$0x1], $0x8, s0, s10, $0xb8;
	[tilespmem:$0x5B10] =	vst v63  }
0x165: {  	_ = 	snop  }
0x166: {  	[spmem:s8] =	stream.indirect.scatter.add.f32 [tilespmem:s9], [sflag:$0x1], $0x8, s12, s10, $0xb8;
	[tilespmem:$0x5B10] =	vst v63  }
0x167: {  	_ = 	snop  }
0x168: {  	[spmem:s8] =	stream.indirect.scatter.add.f32 [tilespmem:s9], [sflag:$0x1], $0x8, s13, s10, $0xb8;
	[tilespmem:$0x5B10] =	vst v63  }
0x169: {  	_ = 	snop  }
0x16a: {  	[spmem:s8] =	stream.indirect.scatter.add.f32 [tilespmem:s9], [sflag:$0x1], $0x8, s14, s10, $0xb8;
	[tilespmem:$0x5B10] =	vst v63  }
0x16b: {  	_ = 	snop  }
0x16c: {  	[spmem:s8] =	stream.indirect.scatter.add.f32 [tilespmem:s9], [sflag:$0x1], $0x8, s15, s10, $0xb8;
	[tilespmem:$0x5B10] =	vst v63  }
0x16d: {  	_ = 	snop  }
0x16e: {  	[spmem:s8] =	stream.indirect.scatter.add.f32 [tilespmem:s9], [sflag:$0x1], $0x8, s16, s10, $0xb8;
	[tilespmem:$0x5B10] =	vst v63  }
0x16f: {  	_ = 	snop  }
0x170: {  	[spmem:s8] =	stream.indirect.scatter.add.f32 [tilespmem:s9], [sflag:$0x1], $0x8, s17, s10, $0xb8;
	[tilespmem:$0x5B10] =	vst v63  }
0x171: {  	_ = 	snop  }
0x172: {  	[spmem:s8] =	stream.indirect.scatter.add.f32 [tilespmem:s9], [sflag:$0x1], $0x8, s18, s10, $0xb8;
	[tilespmem:$0x5B10] =	vst v63  }
0x173: {  	_ = 	snop  }
0x174: {  	[spmem:s8] =	stream.indirect.scatter.add.f32 [tilespmem:s9], [sflag:$0x1], $0x8, s19, s10, $0xb8;
	[tilespmem:$0x5B10] =	vst v63  }
0x175: {  	_ = 	snop  }
0x176: {  	[spmem:s8] =	stream.indirect.scatter.add.f32 [tilespmem:s9], [sflag:$0x1], $0x8, s20, s10, $0xb8;
	[tilespmem:$0x5B10] =	vst v63  }
0x177: {  	_ = 	snop  }
0x178: {  	[spmem:s8] =	stream.indirect.scatter.add.f32 [tilespmem:s9], [sflag:$0x1], $0x8, s21, s10, $0xb8;
	[tilespmem:$0x5B10] =	vst v63  }
0x179: {  	_ = 	snop  }
0x17a: {  	[spmem:s8] =	stream.indirect.scatter.add.f32 [tilespmem:s9], [sflag:$0x1], $0x8, s22, s10, $0xb8;
	[tilespmem:$0x5B10] =	vst v63  }
0x17b: {  	_ = 	snop  }
0x17c: {  	[spmem:s8] =	stream.indirect.scatter.add.f32 [tilespmem:s9], [sflag:$0x1], $0x8, s23, s10, $0xb8;
	[tilespmem:$0x5B10] =	vst v63  }
0x17d: {  	_ = 	snop  }
0x17e: {  	[spmem:s8] =	stream.indirect.scatter.add.f32 [tilespmem:s9], [sflag:$0x1], $0x8, s24, s10, $0xb8;
	[tilespmem:$0x5B10] =	vst v63  }
0x17f: {  	_ = 	snop  }
0x180: {  	[spmem:s8] =	stream.indirect.scatter.add.f32 [tilespmem:s9], [sflag:$0x1], $0x8, s25, s10, $0xb8;
	[tilespmem:$0x5B10] =	vst v63  }
0x181: {  	_ = 	snop  }
0x182: {  	[spmem:s8] =	stream.indirect.scatter.add.f32 [tilespmem:s9], [sflag:$0x1], $0x8, s26, s10, $0xb8;
	[tilespmem:$0x5B10] =	vst v63  }
0x183: {  	_ = 	snop  }
0x184: {  	[spmem:s8] =	stream.indirect.scatter.add.f32 [tilespmem:s9], [sflag:$0x1], $0x8, s28, s10, $0xb8;
	[tilespmem:$0x5B10] =	vst v63  }
0x185: {  	_ = 	snop  }
0x186: {  	[spmem:s8] =	stream.indirect.scatter.add.f32 [tilespmem:s9], [sflag:$0x1], $0x8, s29, s10, $0xb8;
	[tilespmem:$0x5B10] =	vst v63  }
0x187: {  	_ = 	snop  }
0x188: {  	[spmem:s8] =	stream.indirect.scatter.add.f32 [tilespmem:s9], [sflag:$0x1], $0x8, s30, s10, $0xb8;
	[tilespmem:$0x5B10] =	vst v63  }
0x189: {  	_ = 	snop  }
0x18a: {  	[spmem:s8] =	stream.indirect.scatter.add.f32 [tilespmem:s9], [sflag:$0x1], $0x8, s31, s10, $0xb8;
	[tilespmem:$0x5B10] =	vst v63  }
0x18b: {  	s31 =	simm.s32 $0x2580  }
0x18c: {  	[spmem:s8] =	stream.indirect.scatter.add.f32 [tilespmem:s9], [sflag:$0x1], $0x8, s31, s10, $0xb8;
	[tilespmem:$0x5B10] =	vst v63  }
0x18d: {  	_ =	swait.ge [sflag:s7], $0xC80  }
0x18e: {  	[sflag:s7] =	ssyncset.done $0x0  }
0x18f: {  	[sflag:s7] =	ssyncadd.s32 $0xFFFFF380  }
0x190: {  	_ =	swait.ge [sflag:s7], $0xC80  }
0x191: {  	[sflag:s7] =	ssyncset.done $0x0  }
0x192: {  	[sflag:s7] =	ssyncadd.s32 $0xFFFFF380  }
0x193: {  	_ =	swait.ge [sflag:s7], $0xC80  }
0x194: {  	[sflag:s7] =	ssyncset.done $0x0  }
0x195: {  	[sflag:s7] =	ssyncadd.s32 $0xFFFFF380  }
0x196: {  	_ =	swait.ge [sflag:s7], $0xC80  }
0x197: {  	[sflag:s7] =	ssyncset.done $0x0  }
0x198: {  	[sflag:s7] =	ssyncadd.s32 $0xFFFFF380  }
0x199: {  	_ =	swait.ge [sflag:s7], $0xC80  }
0x19a: {  	[sflag:s7] =	ssyncset.done $0x0  }
0x19b: {  	[sflag:s7] =	ssyncadd.s32 $0xFFFFF380  }
0x19c: {  	_ =	swait.ge [sflag:s7], $0xC80  }
0x19d: {  	[sflag:s7] =	ssyncset.done $0x0  }
0x19e: {  	[sflag:s7] =	ssyncadd.s32 $0xFFFFF380  }
0x19f: {  	_ =	swait.ge [sflag:s7], $0xC80  }
0x1a0: {  	[sflag:s7] =	ssyncset.done $0x0  }
0x1a1: {  	[sflag:s7] =	ssyncadd.s32 $0xFFFFF380  }
0x1a2: {  	_ =	swait.ge [sflag:s7], $0xC80  }
0x1a3: {  	[sflag:s7] =	ssyncset.done $0x0  }
0x1a4: {  	[sflag:s7] =	ssyncadd.s32 $0xFFFFF380  }
0x1a5: {  	_ =	swait.ge [sflag:s7], $0xC80  }
0x1a6: {  	[sflag:s7] =	ssyncset.done $0x0  }
0x1a7: {  	[sflag:s7] =	ssyncadd.s32 $0xFFFFF380  }
0x1a8: {  	_ =	swait.ge [sflag:s7], $0xC80  }
0x1a9: {  	[sflag:s7] =	ssyncset.done $0x0  }
0x1aa: {  	[sflag:s7] =	ssyncadd.s32 $0xFFFFF380  }
0x1ab: {  	_ =	swait.ge [sflag:s7], $0xC80  }
0x1ac: {  	[sflag:s7] =	ssyncset.done $0x0  }
0x1ad: {  	[sflag:s7] =	ssyncadd.s32 $0xFFFFF380  }
0x1ae: {  	_ =	swait.ge [sflag:s7], $0xC80  }
0x1af: {  	[sflag:s7] =	ssyncset.done $0x0  }
0x1b0: {  	[sflag:s7] =	ssyncadd.s32 $0xFFFFF380  }
0x1b1: {  	_ =	swait.ge [sflag:s7], $0xC80  }
0x1b2: {  	[sflag:s7] =	ssyncset.done $0x0  }
0x1b3: {  	[sflag:s7] =	ssyncadd.s32 $0xFFFFF380  }
0x1b4: {  	_ =	swait.ge [sflag:s7], $0xC80  }
0x1b5: {  	[sflag:s7] =	ssyncset.done $0x0  }
0x1b6: {  	[sflag:s7] =	ssyncadd.s32 $0xFFFFF380  }
0x1b7: {  	_ =	swait.ge [sflag:s7], $0xC80  }
0x1b8: {  	[sflag:s7] =	ssyncset.done $0x0  }
0x1b9: {  	[sflag:s7] =	ssyncadd.s32 $0xFFFFF380  }
0x1ba: {  	_ =	swait.ge [sflag:s7], $0xC80  }
0x1bb: {  	[sflag:s7] =	ssyncset.done $0x0  }
0x1bc: {  	[sflag:s7] =	ssyncadd.s32 $0xFFFFF380  }
0x1bd: {  	_ =	swait.ge [sflag:s7], $0xC80  }
0x1be: {  	[sflag:s7] =	ssyncset.done $0x0  }
0x1bf: {  	[sflag:s7] =	ssyncadd.s32 $0xFFFFF380  }
0x1c0: {  	_ =	swait.ge [sflag:s7], $0xC80  }
0x1c1: {  	[sflag:s7] =	ssyncset.done $0x0  }
0x1c2: {  	[sflag:s7] =	ssyncadd.s32 $0xFFFFF380  }
0x1c3: {  	_ =	swait.ge [sflag:s7], $0xC80  }
0x1c4: {  	[sflag:s7] =	ssyncset.done $0x0  }
0x1c5: {  	[sflag:s7] =	ssyncadd.s32 $0xFFFFF380  }
0x1c6: {  	_ =	swait.ge [sflag:s7], $0xC80  }
0x1c7: {  	[sflag:s7] =	ssyncset.done $0x0  }
0x1c8: {  	[sflag:s7] =	ssyncadd.s32 $0xFFFFF380  }
0x1c9: {  	_ =	swait.ge [sflag:s7], $0xC80  }
0x1ca: {  	[sflag:s7] =	ssyncset.done $0x0  }
0x1cb: {  	[sflag:s7] =	ssyncadd.s32 $0xFFFFF380  }
0x1cc: {  	_ =	swait.ge [sflag:s7], $0xC80  }
0x1cd: {  	[sflag:s7] =	ssyncset.done $0x0  }
0x1ce: {  	[sflag:s7] =	ssyncadd.s32 $0xFFFFF380  }
0x1cf: {  	_ =	swait.ge [sflag:s7], $0xC80  }
0x1d0: {  	[sflag:s7] =	ssyncset.done $0x0  }
0x1d1: {  	[sflag:s7] =	ssyncadd.s32 $0xFFFFF380  }
0x1d2: {  	_ =	swait.ge [sflag:s7], $0xC80  }
0x1d3: {  	[sflag:s7] =	ssyncset.done $0x0  }
0x1d4: {  	[sflag:s7] =	ssyncadd.s32 $0xFFFFF380  }
0x1d5: {  	_ =	swait.ge [sflag:s7], $0xC80  }
0x1d6: {  	[sflag:s7] =	ssyncset.done $0x0  }
0x1d7: {  	[sflag:s7] =	ssyncadd.s32 $0xFFFFF380  }
0x1d8: {  	[bflag:$0x0] =	sbarrier.arrive $0xFFFF  }
0x1d9: {  	[tilespmem:s5], [sflag:$0x2] =	stream.linear.gather [spmem:s4], $0x13C0, $0x38;
	[tilespmem:$0x5B10] =	vst v63  }
0x1da: {  	_ =	swait.ge [sflag:s3], $0x13C0  }
0x1db: {  	[sflag:s3] =	ssyncset.done $0x0  }
0x1dc: {  	[sflag:s3] =	ssyncadd.s32 $0xFFFFEC40  }
0x1dd: {  	[hbm4b:s6+s2] =	stream.linear.scatter [tilespmem:s5], [sflag:$0x2], $0x13C0, $0x38;
	[tilespmem:$0x5B10] =	vst v63  }
0x1de: {  	_ =	swait.ge [sflag:s3], $0x13C0  }
0x1df: {  	[sflag:s3] =	ssyncset.done $0x0  }
0x1e0: {  	[sflag:s3] =	ssyncadd.s32 $0xFFFFEC40  }
0x1e1: {  	_ =	sfence.sel $0x180000  }
0x1e2: {  	[bflag:$0x0] =	sbarrier.arrive $0xFFFF  }
0x1e3: {  	_ =	strace $0x90000047  }
0x1e4: {  	[bflag:$0x2] =	sbarrier.arrive $0xFFFF  }
0x1e5: {  	p0 =	sne.s32 s11, $0x0;
	s0 =	rddreg [dreg:$0x3]  }
0x1e6: {  	s0 =	sadd.s32 @!p0 $0x100000, s0  }
0x1e7: {  	[sflag:s0] =	ssyncadd.tile.s32 @!p0 $0x1;
	_ =	shalt  }
.LBB2_1:
0x1e8: {  	s31 =	simm.s32 $0x23F0;
	s30 =	simm.s32 $0x2260  }
0x1e9: {  	s29 =	simm.s32 $0x20D0;
	s28 =	simm.s32 $0x1F40;
	s26 =	simm.s32 $0x1DB0  }
.Ltmp3:
0x1ea: {  	s25 =	simm.s32 $0x1C20;
	s24 =	simm.s32 $0x1A90;
	(pc) =	sbr.rel .LBB2_6-.Ltmp3, $4  }
0x1eb: {  	s23 =	simm.s32 $0x1900;
	s22 =	simm.s32 $0x1770;
	s21 =	simm.s32 $0x15E0  }
0x1ec: {  	s20 =	simm.s32 $0x1450;
	s19 =	simm.s32 $0x12C0;
	s18 =	simm.s32 $0x1130  }
0x1ed: {  	s17 =	simm.s32 $0xFA0;
	s16 =	simm.s32 $0xE10;
	s15 =	simm.s32 $0xC80  }
0x1ee: {  	s14 =	simm.s32 $0xAF0;
	s13 =	simm.s32 $0x960;
	s12 =	simm.s32 $0x7D0  }
.LBB2_3:
0x1ef: {  	s31 =	simm.s32 $0x23F0;
	s30 =	simm.s32 $0x2260;
	s29 =	simm.s32 $0x20D0  }
0x1f0: {  	s28 =	simm.s32 $0x1F40;
	s26 =	simm.s32 $0x1DB0;
	s25 =	simm.s32 $0x1C20  }
.Ltmp4:
0x1f1: {  	s24 =	simm.s32 $0x1A90;
	s23 =	simm.s32 $0x1900;
	(pc) =	sbr.rel .LBB2_6-.Ltmp4, $4  }
0x1f2: {  	s22 =	simm.s32 $0x1770;
	s21 =	simm.s32 $0x15E0;
	s20 =	simm.s32 $0x1450  }
0x1f3: {  	s19 =	simm.s32 $0x12C0;
	s18 =	simm.s32 $0x1130;
	s17 =	simm.s32 $0xFA0  }
0x1f4: {  	s16 =	simm.s32 $0xE10;
	s15 =	simm.s32 $0xC80;
	s14 =	simm.s32 $0xAF0  }
0x1f5: {  	s13 =	simm.s32 $0x960;
	s12 =	simm.s32 $0x7D0;
	s11 =	stileid.u32  }
.Lfunc_end2:
_tile_overlayer_lowered:
.L_overlay_start_2:
0x1f6: {  	(tag) =	ssettag $0x2  }
0x1f7: {  	s0 =	rddreg [dreg:$0x0];
	s2 =	stileid.u32  }
0x1f8: {  	s1 =	rddreg [dreg:$0x1];
	p0 =	sne.s32 s2, $0x0  }
0x1f9: {  	s3 =	rddreg [dreg:$0x2];
	[bflag:$0x3] =	sbarrier.arrive $0xFFFF;
	s2 =	simm.s32 @!p0 $0x1C02  }
0x1fa: {  	[timem:s3], [sflag:s2] =	dma.local @!p0 [hbm:s0], s1  }
0x1fb: {  	s0 =	simm.s32 @!p0 $0x2  }
0x1fc: {  	_ =	swait.ge @!p0 [sflag:s0], s1  }
0x1fd: {  	s1 =	ssub.s32 @!p0 $0x0, s1;
	[sflag:s0] =	ssyncset.done @!p0 $0x0  }
0x1fe: {  	[sflag:s0] =	ssyncadd.s32 @!p0 s1  }
0x1ff: {  	[bflag:$0x3] =	sbarrier.arrive $0xFFFF  }
0x200: {  	_ =	shalt  }

</sc_bundles>
